<compile_context>
chip_gen: v7x
topology: tpu7x:2x2x1
jax: 0.10.2.dev20260603
libtpu: 0.0.44.dev20260713+nightly
codegen_flags: <defaults>
</compile_context>

<pallas_src>
import jax
import jax.numpy as jnp
from jax import lax
from jax.experimental import pallas as pl
from jax.experimental.pallas import tpu as pltpu
from jax.experimental.pallas import tpu_sc as plsc

D = 4096
N_ROT = 4
B_ROWS = 16384
NC = 2
NS = 16
NW = NC * NS
ROWS_PER_W = B_ROWS // NW
CH = 8
HR = CH // 2
NBUF = 2
N_CHUNKS = ROWS_PER_W // CH
GROUPS = D // 16
UNROLL = 4


def _body(x_hbm, perms_hbm, out_hbm,
          perms_v, c_v, in_v0, in_v1, out_v0, out_v1,
          in_sem0, in_sem1, out_sem0, out_sem1):
    wid = lax.axis_index("s") * NC + lax.axis_index("c")
    row_base = wid * ROWS_PER_W

    in_bufs = (in_v0, in_v1)
    out_bufs = (out_v0, out_v1)
    in_sems = (in_sem0, in_sem1)
    out_sems = (out_sem0, out_sem1)

    def copy_in_start(ci, b):
        r0 = row_base + ci * CH
        for r in range(CH):
            pltpu.make_async_copy(
                x_hbm.at[r0 + r, :],
                in_bufs[b].at[pl.ds(r * D, D)],
                in_sems[b]).start()

    def copy_in_wait(b):
        for r in range(CH):
            pltpu.make_async_copy(
                x_hbm.at[0, :],
                in_bufs[b].at[pl.ds(r * D, D)],
                in_sems[b]).wait()

    def copy_out_start(ci, h):
        r0 = row_base + ci * CH + h * HR
        for r in range(HR):
            pltpu.make_async_copy(
                out_bufs[h].at[pl.ds(r * D, D)],
                out_hbm.at[r0 + r, :],
                out_sems[h]).start()

    def copy_out_wait(h):
        for r in range(HR):
            pltpu.make_async_copy(
                out_bufs[h].at[pl.ds(r * D, D)],
                out_hbm.at[0, :],
                out_sems[h]).wait()

    copy_in_start(0, 0)
    copy_in_start(1, 1)

    for i in range(N_ROT):
        pltpu.sync_copy(perms_hbm.at[i, :], perms_v.at[pl.ds(i * D, D)])

    @plsc.parallel_loop(0, GROUPS, 1, unroll=UNROLL)
    def compose(g):
        base = g * 16
        i3 = perms_v[pl.ds(3 * D + base, 16)]
        i2 = plsc.load_gather(perms_v, [i3 + 2 * D])
        i1 = plsc.load_gather(perms_v, [i2 + D])
        i0 = plsc.load_gather(perms_v, [i1])
        c_v[pl.ds(base, 16)] = i0

    def chunk_pair(p, carry):
        for b in range(NBUF):
            ci = p * NBUF + b
            copy_in_wait(b)
            in_v = in_bufs[b]
            for h in range(2):
                @pl.when(ci >= 1)
                def _():
                    copy_out_wait(h)

                out_v = out_bufs[h]

                @plsc.parallel_loop(0, GROUPS, 1, unroll=UNROLL)
                def per_group(g):
                    gb = g * 16
                    idx = c_v[pl.ds(gb, 16)]
                    for i in range(HR):
                        vals = plsc.load_gather(
                            in_v, [idx + (h * HR + i) * D])
                        out_v[pl.ds(i * D + gb, 16)] = vals

                copy_out_start(ci, h)

            @pl.when(ci + NBUF < N_CHUNKS)
            def _():
                copy_in_start(ci + NBUF, b)
        return carry

    lax.fori_loop(0, N_CHUNKS // NBUF, chunk_pair, None)

    copy_out_wait(0)
    copy_out_wait(1)


def kernel(x, perms):
    mesh = plsc.VectorSubcoreMesh(core_axis_name="c", subcore_axis_name="s")
    k = pl.kernel(
        _body,
        out_type=jax.ShapeDtypeStruct((B_ROWS, D), jnp.float32),
        mesh=mesh,
        compiler_params=pltpu.CompilerParams(needs_layout_passes=False),
        scratch_types=[
            pltpu.VMEM((N_ROT * D,), jnp.int32),
            pltpu.VMEM((D,), jnp.int32),
            pltpu.VMEM((CH * D,), jnp.float32),
            pltpu.VMEM((CH * D,), jnp.float32),
            pltpu.VMEM((HR * D,), jnp.float32),
            pltpu.VMEM((HR * D,), jnp.float32),
            pltpu.SemaphoreType.DMA,
            pltpu.SemaphoreType.DMA,
            pltpu.SemaphoreType.DMA,
            pltpu.SemaphoreType.DMA,
        ],
    )
    return k(x, perms)

# --- scband reference (transcript-rebuilt; emitter-appended) ---
"""Pipeline reference for scband-rotor-stack-25443386261681 (READ-ONLY COPY).

The authoritative reference and input builder live on the scoring server;
editing this copy changes nothing except your own understanding.
"""

import jax, jax.numpy as jnp
import numpy as np

D = 4096
NUM_ROTORS = 4
B = 16384


def setup_inputs(seed: int = 0) -> dict:
    key = jax.random.key(seed)
    x = jax.random.normal(key, (B, D), dtype=jnp.float32)
    # Each Rotor draws its base permutation with a fixed seed (42 + i).
    # position == 0 at init, so cached_forward_perms[0] == base permutation.
    perms = []
    for i in range(NUM_ROTORS):
        rng = np.random.default_rng(42 + i)
        perms.append(rng.permutation(D))
    perms = jnp.asarray(np.stack(perms), dtype=jnp.int32)
    return {"x": x, "perms": perms}


def reference(x, perms):
    # RotorStack.forward: sequentially apply each rotor's current permutation
    # (position = 0 for all rotors) as a column gather: x = x[:, perm]
    out = x
    for i in range(NUM_ROTORS):
        out = jnp.take(out, perms[i], axis=1)
    return out

if __name__ == "__main__":
    import jax
    _d = setup_inputs()
    print(jax.jit(kernel)(*tuple(_d.values())))

</pallas_src>

<mosaic_0001>
#map = affine_map<(d0, d1) -> (0, 0)>
module attributes {stable_mosaic.version = 14 : i64} {
  func.func @_body(%arg0: i32, %arg1: i32, %arg2: memref<16384x4096xf32, #tpu.memory_space<hbm>>, %arg3: memref<4x4096xi32, #tpu.memory_space<hbm>>, %arg4: memref<16384x4096xf32, #tpu.memory_space<hbm>>, %arg5: memref<16384xi32, #tpu.memory_space<vmem>>, %arg6: memref<4096xi32, #tpu.memory_space<vmem>>, %arg7: memref<32768xf32, #tpu.memory_space<vmem>>, %arg8: memref<32768xf32, #tpu.memory_space<vmem>>, %arg9: memref<16384xf32, #tpu.memory_space<vmem>>, %arg10: memref<16384xf32, #tpu.memory_space<vmem>>, %arg11: memref<!tpu.dma_semaphore, #tpu.memory_space<semaphore_mem>>, %arg12: memref<!tpu.dma_semaphore, #tpu.memory_space<semaphore_mem>>, %arg13: memref<!tpu.dma_semaphore, #tpu.memory_space<semaphore_mem>>, %arg14: memref<!tpu.dma_semaphore, #tpu.memory_space<semaphore_mem>>) attributes {dimension_semantics = [#tpu.dimension_semantics<core_parallel>, #tpu.dimension_semantics<subcore_parallel>], iteration_bounds = array<i64: 2, 16>, scalar_prefetch = 0 : i64, scratch_operands = 10 : i64, tpu.core_type = #tpu.core_type<sc_vector_subcore>, window_params = [{transform_indices = #map}, {transform_indices = #map}, {transform_indices = #map}]} {
    %mul3A = arith.constant 2 : i32
    %mul3A_0 = arith.muli %arg1, %mul3A : i32
    %add3A = arith.addi %mul3A_0, %arg0 : i32
    %mul3A_1 = arith.constant 512 : i32
    %mul3A_2 = arith.muli %add3A, %mul3A_1 : i32
    %add3A_3 = arith.constant 0 : i32
    %add3A_4 = arith.addi %mul3A_2, %add3A_3 : i32
    %add3A_5 = arith.constant 0 : i32
    %add3A_6 = arith.addi %add3A_4, %add3A_5 : i32
    %dma_start3A = arith.constant 0 : i32
    %dma_start3A_7 = tpu.memref_slice %arg7[%dma_start3A] : memref<32768xf32, #tpu.memory_space<vmem>> -> memref<4096xf32, #tpu.memory_space<vmem>>
    %dma_start3A_8 = arith.constant 0 : i32
    %dma_start3A_9 = tpu.memref_slice %arg2[%add3A_6, %dma_start3A_8] : memref<16384x4096xf32, #tpu.memory_space<hbm>> -> memref<1x4096xf32, #tpu.memory_space<hbm>>
    %dma_start3A_10 = tpu.memref_squeeze %dma_start3A_9 : memref<1x4096xf32, #tpu.memory_space<hbm>> -> memref<4096xf32, #tpu.memory_space<hbm>>
    %dma_start3A_11 = arith.constant 0 : i32
    %dma_start3A_12 = tpu.memref_slice %arg7[%dma_start3A_11] : memref<32768xf32, #tpu.memory_space<vmem>> -> memref<4096xf32, #tpu.memory_space<vmem>>
    %dma_start3A_13 = arith.constant 0 : i32
    %dma_start3A_14 = tpu.memref_slice %arg2[%add3A_6, %dma_start3A_13] : memref<16384x4096xf32, #tpu.memory_space<hbm>> -> memref<1x4096xf32, #tpu.memory_space<hbm>>
    %dma_start3A_15 = tpu.memref_squeeze %dma_start3A_14 : memref<1x4096xf32, #tpu.memory_space<hbm>> -> memref<4096xf32, #tpu.memory_space<hbm>>
    tpu.enqueue_dma source(%dma_start3A_15 : memref<4096xf32, #tpu.memory_space<hbm>>) target(%dma_start3A_12 : memref<4096xf32, #tpu.memory_space<vmem>>) target_semaphore(%arg11 : memref<!tpu.dma_semaphore, #tpu.memory_space<semaphore_mem>>)
    %add3A_16 = arith.constant 1 : i32
    %add3A_17 = arith.addi %add3A_4, %add3A_16 : i32
    %dma_start3A_18 = arith.constant 4096 : i32
    %dma_start3A_19 = tpu.memref_slice %arg7[%dma_start3A_18] : memref<32768xf32, #tpu.memory_space<vmem>> -> memref<4096xf32, #tpu.memory_space<vmem>>
    %dma_start3A_20 = arith.constant 0 : i32
    %dma_start3A_21 = tpu.memref_slice %arg2[%add3A_17, %dma_start3A_20] : memref<16384x4096xf32, #tpu.memory_space<hbm>> -> memref<1x4096xf32, #tpu.memory_space<hbm>>
    %dma_start3A_22 = tpu.memref_squeeze %dma_start3A_21 : memref<1x4096xf32, #tpu.memory_space<hbm>> -> memref<4096xf32, #tpu.memory_space<hbm>>
    %dma_start3A_23 = arith.constant 4096 : i32
    %dma_start3A_24 = tpu.memref_slice %arg7[%dma_start3A_23] : memref<32768xf32, #tpu.memory_space<vmem>> -> memref<4096xf32, #tpu.memory_space<vmem>>
    %dma_start3A_25 = arith.constant 0 : i32
    %dma_start3A_26 = tpu.memref_slice %arg2[%add3A_17, %dma_start3A_25] : memref<16384x4096xf32, #tpu.memory_space<hbm>> -> memref<1x4096xf32, #tpu.memory_space<hbm>>
    %dma_start3A_27 = tpu.memref_squeeze %dma_start3A_26 : memref<1x4096xf32, #tpu.memory_space<hbm>> -> memref<4096xf32, #tpu.memory_space<hbm>>
    tpu.enqueue_dma source(%dma_start3A_27 : memref<4096xf32, #tpu.memory_space<hbm>>) target(%dma_start3A_24 : memref<4096xf32, #tpu.memory_space<vmem>>) target_semaphore(%arg11 : memref<!tpu.dma_semaphore, #tpu.memory_space<semaphore_mem>>)
    %add3A_28 = arith.constant 2 : i32
    %add3A_29 = arith.addi %add3A_4, %add3A_28 : i32
    %dma_start3A_30 = arith.constant 8192 : i32
    %dma_start3A_31 = tpu.memref_slice %arg7[%dma_start3A_30] : memref<32768xf32, #tpu.memory_space<vmem>> -> memref<4096xf32, #tpu.memory_space<vmem>>
    %dma_start3A_32 = arith.constant 0 : i32
    %dma_start3A_33 = tpu.memref_slice %arg2[%add3A_29, %dma_start3A_32] : memref<16384x4096xf32, #tpu.memory_space<hbm>> -> memref<1x4096xf32, #tpu.memory_space<hbm>>
    %dma_start3A_34 = tpu.memref_squeeze %dma_start3A_33 : memref<1x4096xf32, #tpu.memory_space<hbm>> -> memref<4096xf32, #tpu.memory_space<hbm>>
    %dma_start3A_35 = arith.constant 8192 : i32
    %dma_start3A_36 = tpu.memref_slice %arg7[%dma_start3A_35] : memref<32768xf32, #tpu.memory_space<vmem>> -> memref<4096xf32, #tpu.memory_space<vmem>>
    %dma_start3A_37 = arith.constant 0 : i32
    %dma_start3A_38 = tpu.memref_slice %arg2[%add3A_29, %dma_start3A_37] : memref<16384x4096xf32, #tpu.memory_space<hbm>> -> memref<1x4096xf32, #tpu.memory_space<hbm>>
    %dma_start3A_39 = tpu.memref_squeeze %dma_start3A_38 : memref<1x4096xf32, #tpu.memory_space<hbm>> -> memref<4096xf32, #tpu.memory_space<hbm>>
    tpu.enqueue_dma source(%dma_start3A_39 : memref<4096xf32, #tpu.memory_space<hbm>>) target(%dma_start3A_36 : memref<4096xf32, #tpu.memory_space<vmem>>) target_semaphore(%arg11 : memref<!tpu.dma_semaphore, #tpu.memory_space<semaphore_mem>>)
    %add3A_40 = arith.constant 3 : i32
    %add3A_41 = arith.addi %add3A_4, %add3A_40 : i32
    %dma_start3A_42 = arith.constant 12288 : i32
    %dma_start3A_43 = tpu.memref_slice %arg7[%dma_start3A_42] : memref<32768xf32, #tpu.memory_space<vmem>> -> memref<4096xf32, #tpu.memory_space<vmem>>
    %dma_start3A_44 = arith.constant 0 : i32
    %dma_start3A_45 = tpu.memref_slice %arg2[%add3A_41, %dma_start3A_44] : memref<16384x4096xf32, #tpu.memory_space<hbm>> -> memref<1x4096xf32, #tpu.memory_space<hbm>>
    %dma_start3A_46 = tpu.memref_squeeze %dma_start3A_45 : memref<1x4096xf32, #tpu.memory_space<hbm>> -> memref<4096xf32, #tpu.memory_space<hbm>>
    %dma_start3A_47 = arith.constant 12288 : i32
    %dma_start3A_48 = tpu.memref_slice %arg7[%dma_start3A_47] : memref<32768xf32, #tpu.memory_space<vmem>> -> memref<4096xf32, #tpu.memory_space<vmem>>
    %dma_start3A_49 = arith.constant 0 : i32
    %dma_start3A_50 = tpu.memref_slice %arg2[%add3A_41, %dma_start3A_49] : memref<16384x4096xf32, #tpu.memory_space<hbm>> -> memref<1x4096xf32, #tpu.memory_space<hbm>>
    %dma_start3A_51 = tpu.memref_squeeze %dma_start3A_50 : memref<1x4096xf32, #tpu.memory_space<hbm>> -> memref<4096xf32, #tpu.memory_space<hbm>>
    tpu.enqueue_dma source(%dma_start3A_51 : memref<4096xf32, #tpu.memory_space<hbm>>) target(%dma_start3A_48 : memref<4096xf32, #tpu.memory_space<vmem>>) target_semaphore(%arg11 : memref<!tpu.dma_semaphore, #tpu.memory_space<semaphore_mem>>)
    %add3A_52 = arith.constant 4 : i32
    %add3A_53 = arith.addi %add3A_4, %add3A_52 : i32
    %dma_start3A_54 = arith.constant 16384 : i32
    %dma_start3A_55 = tpu.memref_slice %arg7[%dma_start3A_54] : memref<32768xf32, #tpu.memory_space<vmem>> -> memref<4096xf32, #tpu.memory_space<vmem>>
    %dma_start3A_56 = arith.constant 0 : i32
    %dma_start3A_57 = tpu.memref_slice %arg2[%add3A_53, %dma_start3A_56] : memref<16384x4096xf32, #tpu.memory_space<hbm>> -> memref<1x4096xf32, #tpu.memory_space<hbm>>
    %dma_start3A_58 = tpu.memref_squeeze %dma_start3A_57 : memref<1x4096xf32, #tpu.memory_space<hbm>> -> memref<4096xf32, #tpu.memory_space<hbm>>
    %dma_start3A_59 = arith.constant 16384 : i32
    %dma_start3A_60 = tpu.memref_slice %arg7[%dma_start3A_59] : memref<32768xf32, #tpu.memory_space<vmem>> -> memref<4096xf32, #tpu.memory_space<vmem>>
    %dma_start3A_61 = arith.constant 0 : i32
    %dma_start3A_62 = tpu.memref_slice %arg2[%add3A_53, %dma_start3A_61] : memref<16384x4096xf32, #tpu.memory_space<hbm>> -> memref<1x4096xf32, #tpu.memory_space<hbm>>
    %dma_start3A_63 = tpu.memref_squeeze %dma_start3A_62 : memref<1x4096xf32, #tpu.memory_space<hbm>> -> memref<4096xf32, #tpu.memory_space<hbm>>
    tpu.enqueue_dma source(%dma_start3A_63 : memref<4096xf32, #tpu.memory_space<hbm>>) target(%dma_start3A_60 : memref<4096xf32, #tpu.memory_space<vmem>>) target_semaphore(%arg11 : memref<!tpu.dma_semaphore, #tpu.memory_space<semaphore_mem>>)
    %add3A_64 = arith.constant 5 : i32
    %add3A_65 = arith.addi %add3A_4, %add3A_64 : i32
    %dma_start3A_66 = arith.constant 20480 : i32
    %dma_start3A_67 = tpu.memref_slice %arg7[%dma_start3A_66] : memref<32768xf32, #tpu.memory_space<vmem>> -> memref<4096xf32, #tpu.memory_space<vmem>>
    %dma_start3A_68 = arith.constant 0 : i32
    %dma_start3A_69 = tpu.memref_slice %arg2[%add3A_65, %dma_start3A_68] : memref<16384x4096xf32, #tpu.memory_space<hbm>> -> memref<1x4096xf32, #tpu.memory_space<hbm>>
    %dma_start3A_70 = tpu.memref_squeeze %dma_start3A_69 : memref<1x4096xf32, #tpu.memory_space<hbm>> -> memref<4096xf32, #tpu.memory_space<hbm>>
    %dma_start3A_71 = arith.constant 20480 : i32
    %dma_start3A_72 = tpu.memref_slice %arg7[%dma_start3A_71] : memref<32768xf32, #tpu.memory_space<vmem>> -> memref<4096xf32, #tpu.memory_space<vmem>>
    %dma_start3A_73 = arith.constant 0 : i32
    %dma_start3A_74 = tpu.memref_slice %arg2[%add3A_65, %dma_start3A_73] : memref<16384x4096xf32, #tpu.memory_space<hbm>> -> memref<1x4096xf32, #tpu.memory_space<hbm>>
    %dma_start3A_75 = tpu.memref_squeeze %dma_start3A_74 : memref<1x4096xf32, #tpu.memory_space<hbm>> -> memref<4096xf32, #tpu.memory_space<hbm>>
    tpu.enqueue_dma source(%dma_start3A_75 : memref<4096xf32, #tpu.memory_space<hbm>>) target(%dma_start3A_72 : memref<4096xf32, #tpu.memory_space<vmem>>) target_semaphore(%arg11 : memref<!tpu.dma_semaphore, #tpu.memory_space<semaphore_mem>>)
    %add3A_76 = arith.constant 6 : i32
    %add3A_77 = arith.addi %add3A_4, %add3A_76 : i32
    %dma_start3A_78 = arith.constant 24576 : i32
    %dma_start3A_79 = tpu.memref_slice %arg7[%dma_start3A_78] : memref<32768xf32, #tpu.memory_space<vmem>> -> memref<4096xf32, #tpu.memory_space<vmem>>
    %dma_start3A_80 = arith.constant 0 : i32
    %dma_start3A_81 = tpu.memref_slice %arg2[%add3A_77, %dma_start3A_80] : memref<16384x4096xf32, #tpu.memory_space<hbm>> -> memref<1x4096xf32, #tpu.memory_space<hbm>>
    %dma_start3A_82 = tpu.memref_squeeze %dma_start3A_81 : memref<1x4096xf32, #tpu.memory_space<hbm>> -> memref<4096xf32, #tpu.memory_space<hbm>>
    %dma_start3A_83 = arith.constant 24576 : i32
    %dma_start3A_84 = tpu.memref_slice %arg7[%dma_start3A_83] : memref<32768xf32, #tpu.memory_space<vmem>> -> memref<4096xf32, #tpu.memory_space<vmem>>
    %dma_start3A_85 = arith.constant 0 : i32
    %dma_start3A_86 = tpu.memref_slice %arg2[%add3A_77, %dma_start3A_85] : memref<16384x4096xf32, #tpu.memory_space<hbm>> -> memref<1x4096xf32, #tpu.memory_space<hbm>>
    %dma_start3A_87 = tpu.memref_squeeze %dma_start3A_86 : memref<1x4096xf32, #tpu.memory_space<hbm>> -> memref<4096xf32, #tpu.memory_space<hbm>>
    tpu.enqueue_dma source(%dma_start3A_87 : memref<4096xf32, #tpu.memory_space<hbm>>) target(%dma_start3A_84 : memref<4096xf32, #tpu.memory_space<vmem>>) target_semaphore(%arg11 : memref<!tpu.dma_semaphore, #tpu.memory_space<semaphore_mem>>)
    %add3A_88 = arith.constant 7 : i32
    %add3A_89 = arith.addi %add3A_4, %add3A_88 : i32
    %dma_start3A_90 = arith.constant 28672 : i32
    %dma_start3A_91 = tpu.memref_slice %arg7[%dma_start3A_90] : memref<32768xf32, #tpu.memory_space<vmem>> -> memref<4096xf32, #tpu.memory_space<vmem>>
    %dma_start3A_92 = arith.constant 0 : i32
    %dma_start3A_93 = tpu.memref_slice %arg2[%add3A_89, %dma_start3A_92] : memref<16384x4096xf32, #tpu.memory_space<hbm>> -> memref<1x4096xf32, #tpu.memory_space<hbm>>
    %dma_start3A_94 = tpu.memref_squeeze %dma_start3A_93 : memref<1x4096xf32, #tpu.memory_space<hbm>> -> memref<4096xf32, #tpu.memory_space<hbm>>
    %dma_start3A_95 = arith.constant 28672 : i32
    %dma_start3A_96 = tpu.memref_slice %arg7[%dma_start3A_95] : memref<32768xf32, #tpu.memory_space<vmem>> -> memref<4096xf32, #tpu.memory_space<vmem>>
    %dma_start3A_97 = arith.constant 0 : i32
    %dma_start3A_98 = tpu.memref_slice %arg2[%add3A_89, %dma_start3A_97] : memref<16384x4096xf32, #tpu.memory_space<hbm>> -> memref<1x4096xf32, #tpu.memory_space<hbm>>
    %dma_start3A_99 = tpu.memref_squeeze %dma_start3A_98 : memref<1x4096xf32, #tpu.memory_space<hbm>> -> memref<4096xf32, #tpu.memory_space<hbm>>
    tpu.enqueue_dma source(%dma_start3A_99 : memref<4096xf32, #tpu.memory_space<hbm>>) target(%dma_start3A_96 : memref<4096xf32, #tpu.memory_space<vmem>>) target_semaphore(%arg11 : memref<!tpu.dma_semaphore, #tpu.memory_space<semaphore_mem>>)
    %add3A_100 = arith.constant 8 : i32
    %add3A_101 = arith.addi %mul3A_2, %add3A_100 : i32
    %add3A_102 = arith.constant 0 : i32
    %add3A_103 = arith.addi %add3A_101, %add3A_102 : i32
    %dma_start3A_104 = arith.constant 0 : i32
    %dma_start3A_105 = tpu.memref_slice %arg8[%dma_start3A_104] : memref<32768xf32, #tpu.memory_space<vmem>> -> memref<4096xf32, #tpu.memory_space<vmem>>
    %dma_start3A_106 = arith.constant 0 : i32
    %dma_start3A_107 = tpu.memref_slice %arg2[%add3A_103, %dma_start3A_106] : memref<16384x4096xf32, #tpu.memory_space<hbm>> -> memref<1x4096xf32, #tpu.memory_space<hbm>>
    %dma_start3A_108 = tpu.memref_squeeze %dma_start3A_107 : memref<1x4096xf32, #tpu.memory_space<hbm>> -> memref<4096xf32, #tpu.memory_space<hbm>>
    %dma_start3A_109 = arith.constant 0 : i32
    %dma_start3A_110 = tpu.memref_slice %arg8[%dma_start3A_109] : memref<32768xf32, #tpu.memory_space<vmem>> -> memref<4096xf32, #tpu.memory_space<vmem>>
    %dma_start3A_111 = arith.constant 0 : i32
    %dma_start3A_112 = tpu.memref_slice %arg2[%add3A_103, %dma_start3A_111] : memref<16384x4096xf32, #tpu.memory_space<hbm>> -> memref<1x4096xf32, #tpu.memory_space<hbm>>
    %dma_start3A_113 = tpu.memref_squeeze %dma_start3A_112 : memref<1x4096xf32, #tpu.memory_space<hbm>> -> memref<4096xf32, #tpu.memory_space<hbm>>
    tpu.enqueue_dma source(%dma_start3A_113 : memref<4096xf32, #tpu.memory_space<hbm>>) target(%dma_start3A_110 : memref<4096xf32, #tpu.memory_space<vmem>>) target_semaphore(%arg12 : memref<!tpu.dma_semaphore, #tpu.memory_space<semaphore_mem>>)
    %add3A_114 = arith.constant 1 : i32
    %add3A_115 = arith.addi %add3A_101, %add3A_114 : i32
    %dma_start3A_116 = arith.constant 4096 : i32
    %dma_start3A_117 = tpu.memref_slice %arg8[%dma_start3A_116] : memref<32768xf32, #tpu.memory_space<vmem>> -> memref<4096xf32, #tpu.memory_space<vmem>>
    %dma_start3A_118 = arith.constant 0 : i32
    %dma_start3A_119 = tpu.memref_slice %arg2[%add3A_115, %dma_start3A_118] : memref<16384x4096xf32, #tpu.memory_space<hbm>> -> memref<1x4096xf32, #tpu.memory_space<hbm>>
    %dma_start3A_120 = tpu.memref_squeeze %dma_start3A_119 : memref<1x4096xf32, #tpu.memory_space<hbm>> -> memref<4096xf32, #tpu.memory_space<hbm>>
    %dma_start3A_121 = arith.constant 4096 : i32
    %dma_start3A_122 = tpu.memref_slice %arg8[%dma_start3A_121] : memref<32768xf32, #tpu.memory_space<vmem>> -> memref<4096xf32, #tpu.memory_space<vmem>>
    %dma_start3A_123 = arith.constant 0 : i32
    %dma_start3A_124 = tpu.memref_slice %arg2[%add3A_115, %dma_start3A_123] : memref<16384x4096xf32, #tpu.memory_space<hbm>> -> memref<1x4096xf32, #tpu.memory_space<hbm>>
    %dma_start3A_125 = tpu.memref_squeeze %dma_start3A_124 : memref<1x4096xf32, #tpu.memory_space<hbm>> -> memref<4096xf32, #tpu.memory_space<hbm>>
    tpu.enqueue_dma source(%dma_start3A_125 : memref<4096xf32, #tpu.memory_space<hbm>>) target(%dma_start3A_122 : memref<4096xf32, #tpu.memory_space<vmem>>) target_semaphore(%arg12 : memref<!tpu.dma_semaphore, #tpu.memory_space<semaphore_mem>>)
    %add3A_126 = arith.constant 2 : i32
    %add3A_127 = arith.addi %add3A_101, %add3A_126 : i32
    %dma_start3A_128 = arith.constant 8192 : i32
    %dma_start3A_129 = tpu.memref_slice %arg8[%dma_start3A_128] : memref<32768xf32, #tpu.memory_space<vmem>> -> memref<4096xf32, #tpu.memory_space<vmem>>
    %dma_start3A_130 = arith.constant 0 : i32
    %dma_start3A_131 = tpu.memref_slice %arg2[%add3A_127, %dma_start3A_130] : memref<16384x4096xf32, #tpu.memory_space<hbm>> -> memref<1x4096xf32, #tpu.memory_space<hbm>>
    %dma_start3A_132 = tpu.memref_squeeze %dma_start3A_131 : memref<1x4096xf32, #tpu.memory_space<hbm>> -> memref<4096xf32, #tpu.memory_space<hbm>>
    %dma_start3A_133 = arith.constant 8192 : i32
    %dma_start3A_134 = tpu.memref_slice %arg8[%dma_start3A_133] : memref<32768xf32, #tpu.memory_space<vmem>> -> memref<4096xf32, #tpu.memory_space<vmem>>
    %dma_start3A_135 = arith.constant 0 : i32
    %dma_start3A_136 = tpu.memref_slice %arg2[%add3A_127, %dma_start3A_135] : memref<16384x4096xf32, #tpu.memory_space<hbm>> -> memref<1x4096xf32, #tpu.memory_space<hbm>>
    %dma_start3A_137 = tpu.memref_squeeze %dma_start3A_136 : memref<1x4096xf32, #tpu.memory_space<hbm>> -> memref<4096xf32, #tpu.memory_space<hbm>>
    tpu.enqueue_dma source(%dma_start3A_137 : memref<4096xf32, #tpu.memory_space<hbm>>) target(%dma_start3A_134 : memref<4096xf32, #tpu.memory_space<vmem>>) target_semaphore(%arg12 : memref<!tpu.dma_semaphore, #tpu.memory_space<semaphore_mem>>)
    %add3A_138 = arith.constant 3 : i32
    %add3A_139 = arith.addi %add3A_101, %add3A_138 : i32
    %dma_start3A_140 = arith.constant 12288 : i32
    %dma_start3A_141 = tpu.memref_slice %arg8[%dma_start3A_140] : memref<32768xf32, #tpu.memory_space<vmem>> -> memref<4096xf32, #tpu.memory_space<vmem>>
    %dma_start3A_142 = arith.constant 0 : i32
    %dma_start3A_143 = tpu.memref_slice %arg2[%add3A_139, %dma_start3A_142] : memref<16384x4096xf32, #tpu.memory_space<hbm>> -> memref<1x4096xf32, #tpu.memory_space<hbm>>
    %dma_start3A_144 = tpu.memref_squeeze %dma_start3A_143 : memref<1x4096xf32, #tpu.memory_space<hbm>> -> memref<4096xf32, #tpu.memory_space<hbm>>
    %dma_start3A_145 = arith.constant 12288 : i32
    %dma_start3A_146 = tpu.memref_slice %arg8[%dma_start3A_145] : memref<32768xf32, #tpu.memory_space<vmem>> -> memref<4096xf32, #tpu.memory_space<vmem>>
    %dma_start3A_147 = arith.constant 0 : i32
    %dma_start3A_148 = tpu.memref_slice %arg2[%add3A_139, %dma_start3A_147] : memref<16384x4096xf32, #tpu.memory_space<hbm>> -> memref<1x4096xf32, #tpu.memory_space<hbm>>
    %dma_start3A_149 = tpu.memref_squeeze %dma_start3A_148 : memref<1x4096xf32, #tpu.memory_space<hbm>> -> memref<4096xf32, #tpu.memory_space<hbm>>
    tpu.enqueue_dma source(%dma_start3A_149 : memref<4096xf32, #tpu.memory_space<hbm>>) target(%dma_start3A_146 : memref<4096xf32, #tpu.memory_space<vmem>>) target_semaphore(%arg12 : memref<!tpu.dma_semaphore, #tpu.memory_space<semaphore_mem>>)
    %add3A_150 = arith.constant 4 : i32
    %add3A_151 = arith.addi %add3A_101, %add3A_150 : i32
    %dma_start3A_152 = arith.constant 16384 : i32
    %dma_start3A_153 = tpu.memref_slice %arg8[%dma_start3A_152] : memref<32768xf32, #tpu.memory_space<vmem>> -> memref<4096xf32, #tpu.memory_space<vmem>>
    %dma_start3A_154 = arith.constant 0 : i32
    %dma_start3A_155 = tpu.memref_slice %arg2[%add3A_151, %dma_start3A_154] : memref<16384x4096xf32, #tpu.memory_space<hbm>> -> memref<1x4096xf32, #tpu.memory_space<hbm>>
    %dma_start3A_156 = tpu.memref_squeeze %dma_start3A_155 : memref<1x4096xf32, #tpu.memory_space<hbm>> -> memref<4096xf32, #tpu.memory_space<hbm>>
    %dma_start3A_157 = arith.constant 16384 : i32
    %dma_start3A_158 = tpu.memref_slice %arg8[%dma_start3A_157] : memref<32768xf32, #tpu.memory_space<vmem>> -> memref<4096xf32, #tpu.memory_space<vmem>>
    %dma_start3A_159 = arith.constant 0 : i32
    %dma_start3A_160 = tpu.memref_slice %arg2[%add3A_151, %dma_start3A_159] : memref<16384x4096xf32, #tpu.memory_space<hbm>> -> memref<1x4096xf32, #tpu.memory_space<hbm>>
    %dma_start3A_161 = tpu.memref_squeeze %dma_start3A_160 : memref<1x4096xf32, #tpu.memory_space<hbm>> -> memref<4096xf32, #tpu.memory_space<hbm>>
    tpu.enqueue_dma source(%dma_start3A_161 : memref<4096xf32, #tpu.memory_space<hbm>>) target(%dma_start3A_158 : memref<4096xf32, #tpu.memory_space<vmem>>) target_semaphore(%arg12 : memref<!tpu.dma_semaphore, #tpu.memory_space<semaphore_mem>>)
    %add3A_162 = arith.constant 5 : i32
    %add3A_163 = arith.addi %add3A_101, %add3A_162 : i32
    %dma_start3A_164 = arith.constant 20480 : i32
    %dma_start3A_165 = tpu.memref_slice %arg8[%dma_start3A_164] : memref<32768xf32, #tpu.memory_space<vmem>> -> memref<4096xf32, #tpu.memory_space<vmem>>
    %dma_start3A_166 = arith.constant 0 : i32
    %dma_start3A_167 = tpu.memref_slice %arg2[%add3A_163, %dma_start3A_166] : memref<16384x4096xf32, #tpu.memory_space<hbm>> -> memref<1x4096xf32, #tpu.memory_space<hbm>>
    %dma_start3A_168 = tpu.memref_squeeze %dma_start3A_167 : memref<1x4096xf32, #tpu.memory_space<hbm>> -> memref<4096xf32, #tpu.memory_space<hbm>>
    %dma_start3A_169 = arith.constant 20480 : i32
    %dma_start3A_170 = tpu.memref_slice %arg8[%dma_start3A_169] : memref<32768xf32, #tpu.memory_space<vmem>> -> memref<4096xf32, #tpu.memory_space<vmem>>
    %dma_start3A_171 = arith.constant 0 : i32
    %dma_start3A_172 = tpu.memref_slice %arg2[%add3A_163, %dma_start3A_171] : memref<16384x4096xf32, #tpu.memory_space<hbm>> -> memref<1x4096xf32, #tpu.memory_space<hbm>>
    %dma_start3A_173 = tpu.memref_squeeze %dma_start3A_172 : memref<1x4096xf32, #tpu.memory_space<hbm>> -> memref<4096xf32, #tpu.memory_space<hbm>>
    tpu.enqueue_dma source(%dma_start3A_173 : memref<4096xf32, #tpu.memory_space<hbm>>) target(%dma_start3A_170 : memref<4096xf32, #tpu.memory_space<vmem>>) target_semaphore(%arg12 : memref<!tpu.dma_semaphore, #tpu.memory_space<semaphore_mem>>)
    %add3A_174 = arith.constant 6 : i32
    %add3A_175 = arith.addi %add3A_101, %add3A_174 : i32
    %dma_start3A_176 = arith.constant 24576 : i32
    %dma_start3A_177 = tpu.memref_slice %arg8[%dma_start3A_176] : memref<32768xf32, #tpu.memory_space<vmem>> -> memref<4096xf32, #tpu.memory_space<vmem>>
    %dma_start3A_178 = arith.constant 0 : i32
    %dma_start3A_179 = tpu.memref_slice %arg2[%add3A_175, %dma_start3A_178] : memref<16384x4096xf32, #tpu.memory_space<hbm>> -> memref<1x4096xf32, #tpu.memory_space<hbm>>
    %dma_start3A_180 = tpu.memref_squeeze %dma_start3A_179 : memref<1x4096xf32, #tpu.memory_space<hbm>> -> memref<4096xf32, #tpu.memory_space<hbm>>
    %dma_start3A_181 = arith.constant 24576 : i32
    %dma_start3A_182 = tpu.memref_slice %arg8[%dma_start3A_181] : memref<32768xf32, #tpu.memory_space<vmem>> -> memref<4096xf32, #tpu.memory_space<vmem>>
    %dma_start3A_183 = arith.constant 0 : i32
    %dma_start3A_184 = tpu.memref_slice %arg2[%add3A_175, %dma_start3A_183] : memref<16384x4096xf32, #tpu.memory_space<hbm>> -> memref<1x4096xf32, #tpu.memory_space<hbm>>
    %dma_start3A_185 = tpu.memref_squeeze %dma_start3A_184 : memref<1x4096xf32, #tpu.memory_space<hbm>> -> memref<4096xf32, #tpu.memory_space<hbm>>
    tpu.enqueue_dma source(%dma_start3A_185 : memref<4096xf32, #tpu.memory_space<hbm>>) target(%dma_start3A_182 : memref<4096xf32, #tpu.memory_space<vmem>>) target_semaphore(%arg12 : memref<!tpu.dma_semaphore, #tpu.memory_space<semaphore_mem>>)
    %add3A_186 = arith.constant 7 : i32
    %add3A_187 = arith.addi %add3A_101, %add3A_186 : i32
    %dma_start3A_188 = arith.constant 28672 : i32
    %dma_start3A_189 = tpu.memref_slice %arg8[%dma_start3A_188] : memref<32768xf32, #tpu.memory_space<vmem>> -> memref<4096xf32, #tpu.memory_space<vmem>>
    %dma_start3A_190 = arith.constant 0 : i32
    %dma_start3A_191 = tpu.memref_slice %arg2[%add3A_187, %dma_start3A_190] : memref<16384x4096xf32, #tpu.memory_space<hbm>> -> memref<1x4096xf32, #tpu.memory_space<hbm>>
    %dma_start3A_192 = tpu.memref_squeeze %dma_start3A_191 : memref<1x4096xf32, #tpu.memory_space<hbm>> -> memref<4096xf32, #tpu.memory_space<hbm>>
    %dma_start3A_193 = arith.constant 28672 : i32
    %dma_start3A_194 = tpu.memref_slice %arg8[%dma_start3A_193] : memref<32768xf32, #tpu.memory_space<vmem>> -> memref<4096xf32, #tpu.memory_space<vmem>>
    %dma_start3A_195 = arith.constant 0 : i32
    %dma_start3A_196 = tpu.memref_slice %arg2[%add3A_187, %dma_start3A_195] : memref<16384x4096xf32, #tpu.memory_space<hbm>> -> memref<1x4096xf32, #tpu.memory_space<hbm>>
    %dma_start3A_197 = tpu.memref_squeeze %dma_start3A_196 : memref<1x4096xf32, #tpu.memory_space<hbm>> -> memref<4096xf32, #tpu.memory_space<hbm>>
    tpu.enqueue_dma source(%dma_start3A_197 : memref<4096xf32, #tpu.memory_space<hbm>>) target(%dma_start3A_194 : memref<4096xf32, #tpu.memory_space<vmem>>) target_semaphore(%arg12 : memref<!tpu.dma_semaphore, #tpu.memory_space<semaphore_mem>>)
    %run_scoped3A = arith.constant 0 : i32
    "tpu.region"() ({
      %run_scoped3A_294 = tpu.sem_alloc : memref<!tpu.dma_semaphore, #tpu.memory_space<semaphore_mem>>
      %dma_start3A_295 = arith.constant 0 : i32
      %dma_start3A_296 = tpu.memref_slice %arg5[%dma_start3A_295] : memref<16384xi32, #tpu.memory_space<vmem>> -> memref<4096xi32, #tpu.memory_space<vmem>>
      %dma_start3A_297 = arith.constant 0 : i32
      %dma_start3A_298 = tpu.memref_slice %arg3[%run_scoped3A, %dma_start3A_297] : memref<4x4096xi32, #tpu.memory_space<hbm>> -> memref<1x4096xi32, #tpu.memory_space<hbm>>
      %dma_start3A_299 = tpu.memref_squeeze %dma_start3A_298 : memref<1x4096xi32, #tpu.memory_space<hbm>> -> memref<4096xi32, #tpu.memory_space<hbm>>
      %dma_start3A_300 = arith.constant 0 : i32
      %dma_start3A_301 = tpu.memref_slice %arg5[%dma_start3A_300] : memref<16384xi32, #tpu.memory_space<vmem>> -> memref<4096xi32, #tpu.memory_space<vmem>>
      %dma_start3A_302 = arith.constant 0 : i32
      %dma_start3A_303 = tpu.memref_slice %arg3[%run_scoped3A, %dma_start3A_302] : memref<4x4096xi32, #tpu.memory_space<hbm>> -> memref<1x4096xi32, #tpu.memory_space<hbm>>
      %dma_start3A_304 = tpu.memref_squeeze %dma_start3A_303 : memref<1x4096xi32, #tpu.memory_space<hbm>> -> memref<4096xi32, #tpu.memory_space<hbm>>
      tpu.enqueue_dma source(%dma_start3A_304 : memref<4096xi32, #tpu.memory_space<hbm>>) target(%dma_start3A_301 : memref<4096xi32, #tpu.memory_space<vmem>>) target_semaphore(%run_scoped3A_294 : memref<!tpu.dma_semaphore, #tpu.memory_space<semaphore_mem>>)
      %dma_wait3A_305 = arith.constant 0 : i32
      %dma_wait3A_306 = tpu.memref_slice %arg5[%dma_wait3A_305] : memref<16384xi32, #tpu.memory_space<vmem>> -> memref<4096xi32, #tpu.memory_space<vmem>>
      %dma_wait3A_307 = arith.constant 0 : i32
      %dma_wait3A_308 = tpu.memref_slice %arg3[%run_scoped3A, %dma_wait3A_307] : memref<4x4096xi32, #tpu.memory_space<hbm>> -> memref<1x4096xi32, #tpu.memory_space<hbm>>
      %dma_wait3A_309 = tpu.memref_squeeze %dma_wait3A_308 : memref<1x4096xi32, #tpu.memory_space<hbm>> -> memref<4096xi32, #tpu.memory_space<hbm>>
      %dma_wait3A_310 = arith.constant 0 : i32
      %dma_wait3A_311 = tpu.memref_slice %arg5[%dma_wait3A_310] : memref<16384xi32, #tpu.memory_space<vmem>> -> memref<4096xi32, #tpu.memory_space<vmem>>
      %dma_wait3A_312 = arith.constant 0 : i32
      %dma_wait3A_313 = tpu.memref_slice %arg3[%run_scoped3A, %dma_wait3A_312] : memref<4x4096xi32, #tpu.memory_space<hbm>> -> memref<1x4096xi32, #tpu.memory_space<hbm>>
      %dma_wait3A_314 = tpu.memref_squeeze %dma_wait3A_313 : memref<1x4096xi32, #tpu.memory_space<hbm>> -> memref<4096xi32, #tpu.memory_space<hbm>>
      tpu.wait_dma2 semaphore(%run_scoped3A_294 : memref<!tpu.dma_semaphore, #tpu.memory_space<semaphore_mem>>) src(%dma_wait3A_314 : memref<4096xi32, #tpu.memory_space<hbm>>) dst(%dma_wait3A_311 : memref<4096xi32, #tpu.memory_space<vmem>>)
      tpu.yield
    }) : () -> ()
    %run_scoped3A_198 = arith.constant 1 : i32
    "tpu.region"() ({
      %run_scoped3A_294 = tpu.sem_alloc : memref<!tpu.dma_semaphore, #tpu.memory_space<semaphore_mem>>
      %dma_start3A_295 = arith.constant 4096 : i32
      %dma_start3A_296 = tpu.memref_slice %arg5[%dma_start3A_295] : memref<16384xi32, #tpu.memory_space<vmem>> -> memref<4096xi32, #tpu.memory_space<vmem>>
      %dma_start3A_297 = arith.constant 0 : i32
      %dma_start3A_298 = tpu.memref_slice %arg3[%run_scoped3A_198, %dma_start3A_297] : memref<4x4096xi32, #tpu.memory_space<hbm>> -> memref<1x4096xi32, #tpu.memory_space<hbm>>
      %dma_start3A_299 = tpu.memref_squeeze %dma_start3A_298 : memref<1x4096xi32, #tpu.memory_space<hbm>> -> memref<4096xi32, #tpu.memory_space<hbm>>
      %dma_start3A_300 = arith.constant 4096 : i32
      %dma_start3A_301 = tpu.memref_slice %arg5[%dma_start3A_300] : memref<16384xi32, #tpu.memory_space<vmem>> -> memref<4096xi32, #tpu.memory_space<vmem>>
      %dma_start3A_302 = arith.constant 0 : i32
      %dma_start3A_303 = tpu.memref_slice %arg3[%run_scoped3A_198, %dma_start3A_302] : memref<4x4096xi32, #tpu.memory_space<hbm>> -> memref<1x4096xi32, #tpu.memory_space<hbm>>
      %dma_start3A_304 = tpu.memref_squeeze %dma_start3A_303 : memref<1x4096xi32, #tpu.memory_space<hbm>> -> memref<4096xi32, #tpu.memory_space<hbm>>
      tpu.enqueue_dma source(%dma_start3A_304 : memref<4096xi32, #tpu.memory_space<hbm>>) target(%dma_start3A_301 : memref<4096xi32, #tpu.memory_space<vmem>>) target_semaphore(%run_scoped3A_294 : memref<!tpu.dma_semaphore, #tpu.memory_space<semaphore_mem>>)
      %dma_wait3A_305 = arith.constant 4096 : i32
      %dma_wait3A_306 = tpu.memref_slice %arg5[%dma_wait3A_305] : memref<16384xi32, #tpu.memory_space<vmem>> -> memref<4096xi32, #tpu.memory_space<vmem>>
      %dma_wait3A_307 = arith.constant 0 : i32
      %dma_wait3A_308 = tpu.memref_slice %arg3[%run_scoped3A_198, %dma_wait3A_307] : memref<4x4096xi32, #tpu.memory_space<hbm>> -> memref<1x4096xi32, #tpu.memory_space<hbm>>
      %dma_wait3A_309 = tpu.memref_squeeze %dma_wait3A_308 : memref<1x4096xi32, #tpu.memory_space<hbm>> -> memref<4096xi32, #tpu.memory_space<hbm>>
      %dma_wait3A_310 = arith.constant 4096 : i32
      %dma_wait3A_311 = tpu.memref_slice %arg5[%dma_wait3A_310] : memref<16384xi32, #tpu.memory_space<vmem>> -> memref<4096xi32, #tpu.memory_space<vmem>>
      %dma_wait3A_312 = arith.constant 0 : i32
      %dma_wait3A_313 = tpu.memref_slice %arg3[%run_scoped3A_198, %dma_wait3A_312] : memref<4x4096xi32, #tpu.memory_space<hbm>> -> memref<1x4096xi32, #tpu.memory_space<hbm>>
      %dma_wait3A_314 = tpu.memref_squeeze %dma_wait3A_313 : memref<1x4096xi32, #tpu.memory_space<hbm>> -> memref<4096xi32, #tpu.memory_space<hbm>>
      tpu.wait_dma2 semaphore(%run_scoped3A_294 : memref<!tpu.dma_semaphore, #tpu.memory_space<semaphore_mem>>) src(%dma_wait3A_314 : memref<4096xi32, #tpu.memory_space<hbm>>) dst(%dma_wait3A_311 : memref<4096xi32, #tpu.memory_space<vmem>>)
      tpu.yield
    }) : () -> ()
    %run_scoped3A_199 = arith.constant 2 : i32
    "tpu.region"() ({
      %run_scoped3A_294 = tpu.sem_alloc : memref<!tpu.dma_semaphore, #tpu.memory_space<semaphore_mem>>
      %dma_start3A_295 = arith.constant 8192 : i32
      %dma_start3A_296 = tpu.memref_slice %arg5[%dma_start3A_295] : memref<16384xi32, #tpu.memory_space<vmem>> -> memref<4096xi32, #tpu.memory_space<vmem>>
      %dma_start3A_297 = arith.constant 0 : i32
      %dma_start3A_298 = tpu.memref_slice %arg3[%run_scoped3A_199, %dma_start3A_297] : memref<4x4096xi32, #tpu.memory_space<hbm>> -> memref<1x4096xi32, #tpu.memory_space<hbm>>
      %dma_start3A_299 = tpu.memref_squeeze %dma_start3A_298 : memref<1x4096xi32, #tpu.memory_space<hbm>> -> memref<4096xi32, #tpu.memory_space<hbm>>
      %dma_start3A_300 = arith.constant 8192 : i32
      %dma_start3A_301 = tpu.memref_slice %arg5[%dma_start3A_300] : memref<16384xi32, #tpu.memory_space<vmem>> -> memref<4096xi32, #tpu.memory_space<vmem>>
      %dma_start3A_302 = arith.constant 0 : i32
      %dma_start3A_303 = tpu.memref_slice %arg3[%run_scoped3A_199, %dma_start3A_302] : memref<4x4096xi32, #tpu.memory_space<hbm>> -> memref<1x4096xi32, #tpu.memory_space<hbm>>
      %dma_start3A_304 = tpu.memref_squeeze %dma_start3A_303 : memref<1x4096xi32, #tpu.memory_space<hbm>> -> memref<4096xi32, #tpu.memory_space<hbm>>
      tpu.enqueue_dma source(%dma_start3A_304 : memref<4096xi32, #tpu.memory_space<hbm>>) target(%dma_start3A_301 : memref<4096xi32, #tpu.memory_space<vmem>>) target_semaphore(%run_scoped3A_294 : memref<!tpu.dma_semaphore, #tpu.memory_space<semaphore_mem>>)
      %dma_wait3A_305 = arith.constant 8192 : i32
      %dma_wait3A_306 = tpu.memref_slice %arg5[%dma_wait3A_305] : memref<16384xi32, #tpu.memory_space<vmem>> -> memref<4096xi32, #tpu.memory_space<vmem>>
      %dma_wait3A_307 = arith.constant 0 : i32
      %dma_wait3A_308 = tpu.memref_slice %arg3[%run_scoped3A_199, %dma_wait3A_307] : memref<4x4096xi32, #tpu.memory_space<hbm>> -> memref<1x4096xi32, #tpu.memory_space<hbm>>
      %dma_wait3A_309 = tpu.memref_squeeze %dma_wait3A_308 : memref<1x4096xi32, #tpu.memory_space<hbm>> -> memref<4096xi32, #tpu.memory_space<hbm>>
      %dma_wait3A_310 = arith.constant 8192 : i32
      %dma_wait3A_311 = tpu.memref_slice %arg5[%dma_wait3A_310] : memref<16384xi32, #tpu.memory_space<vmem>> -> memref<4096xi32, #tpu.memory_space<vmem>>
      %dma_wait3A_312 = arith.constant 0 : i32
      %dma_wait3A_313 = tpu.memref_slice %arg3[%run_scoped3A_199, %dma_wait3A_312] : memref<4x4096xi32, #tpu.memory_space<hbm>> -> memref<1x4096xi32, #tpu.memory_space<hbm>>
      %dma_wait3A_314 = tpu.memref_squeeze %dma_wait3A_313 : memref<1x4096xi32, #tpu.memory_space<hbm>> -> memref<4096xi32, #tpu.memory_space<hbm>>
      tpu.wait_dma2 semaphore(%run_scoped3A_294 : memref<!tpu.dma_semaphore, #tpu.memory_space<semaphore_mem>>) src(%dma_wait3A_314 : memref<4096xi32, #tpu.memory_space<hbm>>) dst(%dma_wait3A_311 : memref<4096xi32, #tpu.memory_space<vmem>>)
      tpu.yield
    }) : () -> ()
    %run_scoped3A_200 = arith.constant 3 : i32
    "tpu.region"() ({
      %run_scoped3A_294 = tpu.sem_alloc : memref<!tpu.dma_semaphore, #tpu.memory_space<semaphore_mem>>
      %dma_start3A_295 = arith.constant 12288 : i32
      %dma_start3A_296 = tpu.memref_slice %arg5[%dma_start3A_295] : memref<16384xi32, #tpu.memory_space<vmem>> -> memref<4096xi32, #tpu.memory_space<vmem>>
      %dma_start3A_297 = arith.constant 0 : i32
      %dma_start3A_298 = tpu.memref_slice %arg3[%run_scoped3A_200, %dma_start3A_297] : memref<4x4096xi32, #tpu.memory_space<hbm>> -> memref<1x4096xi32, #tpu.memory_space<hbm>>
      %dma_start3A_299 = tpu.memref_squeeze %dma_start3A_298 : memref<1x4096xi32, #tpu.memory_space<hbm>> -> memref<4096xi32, #tpu.memory_space<hbm>>
      %dma_start3A_300 = arith.constant 12288 : i32
      %dma_start3A_301 = tpu.memref_slice %arg5[%dma_start3A_300] : memref<16384xi32, #tpu.memory_space<vmem>> -> memref<4096xi32, #tpu.memory_space<vmem>>
      %dma_start3A_302 = arith.constant 0 : i32
      %dma_start3A_303 = tpu.memref_slice %arg3[%run_scoped3A_200, %dma_start3A_302] : memref<4x4096xi32, #tpu.memory_space<hbm>> -> memref<1x4096xi32, #tpu.memory_space<hbm>>
      %dma_start3A_304 = tpu.memref_squeeze %dma_start3A_303 : memref<1x4096xi32, #tpu.memory_space<hbm>> -> memref<4096xi32, #tpu.memory_space<hbm>>
      tpu.enqueue_dma source(%dma_start3A_304 : memref<4096xi32, #tpu.memory_space<hbm>>) target(%dma_start3A_301 : memref<4096xi32, #tpu.memory_space<vmem>>) target_semaphore(%run_scoped3A_294 : memref<!tpu.dma_semaphore, #tpu.memory_space<semaphore_mem>>)
      %dma_wait3A_305 = arith.constant 12288 : i32
      %dma_wait3A_306 = tpu.memref_slice %arg5[%dma_wait3A_305] : memref<16384xi32, #tpu.memory_space<vmem>> -> memref<4096xi32, #tpu.memory_space<vmem>>
      %dma_wait3A_307 = arith.constant 0 : i32
      %dma_wait3A_308 = tpu.memref_slice %arg3[%run_scoped3A_200, %dma_wait3A_307] : memref<4x4096xi32, #tpu.memory_space<hbm>> -> memref<1x4096xi32, #tpu.memory_space<hbm>>
      %dma_wait3A_309 = tpu.memref_squeeze %dma_wait3A_308 : memref<1x4096xi32, #tpu.memory_space<hbm>> -> memref<4096xi32, #tpu.memory_space<hbm>>
      %dma_wait3A_310 = arith.constant 12288 : i32
      %dma_wait3A_311 = tpu.memref_slice %arg5[%dma_wait3A_310] : memref<16384xi32, #tpu.memory_space<vmem>> -> memref<4096xi32, #tpu.memory_space<vmem>>
      %dma_wait3A_312 = arith.constant 0 : i32
      %dma_wait3A_313 = tpu.memref_slice %arg3[%run_scoped3A_200, %dma_wait3A_312] : memref<4x4096xi32, #tpu.memory_space<hbm>> -> memref<1x4096xi32, #tpu.memory_space<hbm>>
      %dma_wait3A_314 = tpu.memref_squeeze %dma_wait3A_313 : memref<1x4096xi32, #tpu.memory_space<hbm>> -> memref<4096xi32, #tpu.memory_space<hbm>>
      tpu.wait_dma2 semaphore(%run_scoped3A_294 : memref<!tpu.dma_semaphore, #tpu.memory_space<semaphore_mem>>) src(%dma_wait3A_314 : memref<4096xi32, #tpu.memory_space<hbm>>) dst(%dma_wait3A_311 : memref<4096xi32, #tpu.memory_space<vmem>>)
      tpu.yield
    }) : () -> ()
    %parallel_loop3A = arith.constant 0 : i32
    %parallel_loop3A_201 = arith.constant 256 : i32
    %parallel_loop3A_202 = arith.constant 1 : i32
    scf.for %parallel_loop3A_294 = %parallel_loop3A to %parallel_loop3A_201 step %parallel_loop3A_202  : i32 {
      %parallel_loop3A_295 = arith.constant 16 : i32
      %parallel_loop3A_296 = arith.muli %parallel_loop3A_294, %parallel_loop3A_295 : i32
      %parallel_loop3A_297 = arith.constant 12288 : i32
      %parallel_loop3A_298 = arith.addi %parallel_loop3A_297, %parallel_loop3A_296 : i32
      %parallel_loop3A_299 = arith.index_cast %parallel_loop3A_298 : i32 to index
      %parallel_loop3A_300 = tpu.vector_load %arg5[%parallel_loop3A_299] {strides = array<i32>} : memref<16384xi32, #tpu.memory_space<vmem>>, vector<16xi32>,
      %parallel_loop3A_301 = arith.constant 8192 : i32
      %parallel_loop3A_302 = vector.broadcast %parallel_loop3A_301 : i32 to vector<16xi32>
      %parallel_loop3A_303 = arith.addi %parallel_loop3A_300, %parallel_loop3A_302 : vector<16xi32>
      %parallel_loop3A_304 = tpu.vector_load_idx %arg5[%parallel_loop3A_303] : memref<16384xi32, #tpu.memory_space<vmem>>[vector<16xi32>], vector<16xi32>,
      %parallel_loop3A_305 = arith.constant 4096 : i32
      %parallel_loop3A_306 = vector.broadcast %parallel_loop3A_305 : i32 to vector<16xi32>
      %parallel_loop3A_307 = arith.addi %parallel_loop3A_304, %parallel_loop3A_306 : vector<16xi32>
      %parallel_loop3A_308 = tpu.vector_load_idx %arg5[%parallel_loop3A_307] : memref<16384xi32, #tpu.memory_space<vmem>>[vector<16xi32>], vector<16xi32>,
      %parallel_loop3A_309 = tpu.vector_load_idx %arg5[%parallel_loop3A_308] : memref<16384xi32, #tpu.memory_space<vmem>>[vector<16xi32>], vector<16xi32>,
      %parallel_loop3A_310 = arith.index_cast %parallel_loop3A_296 : i32 to index
      %parallel_loop3A_311 = tpu.vector_load %arg6[%parallel_loop3A_310] {strides = array<i32>} : memref<4096xi32, #tpu.memory_space<vmem>>, vector<16xi32>,
      tpu.vector_store %arg6[%parallel_loop3A_310], %parallel_loop3A_309 {strides = array<i32>} : memref<4096xi32, #tpu.memory_space<vmem>>, vector<16xi32>,
    } {sc.loop_unroll_factor = 4 : i64, sc.parallel_access}
    %scan3A = arith.constant 0 : i32
    %scan3A_203 = arith.constant 32 : i32
    %scan3A_204 = arith.addi %scan3A, %scan3A_203 : i32
    %scan3A_205 = arith.constant 1 : i32
    scf.for %scan3A_294 = %scan3A to %scan3A_204 step %scan3A_205  : i32 {
      %mul3A_295 = arith.constant 2 : i32
      %mul3A_296 = arith.muli %scan3A_294, %mul3A_295 : i32
      %add3A_297 = arith.constant 0 : i32
      %add3A_298 = arith.addi %mul3A_296, %add3A_297 : i32
      %dma_wait3A_299 = arith.constant 0 : i32
      %dma_wait3A_300 = arith.constant 0 : i32
      %dma_wait3A_301 = tpu.memref_slice %arg7[%dma_wait3A_300] : memref<32768xf32, #tpu.memory_space<vmem>> -> memref<4096xf32, #tpu.memory_space<vmem>>
      %dma_wait3A_302 = arith.constant 0 : i32
      %dma_wait3A_303 = tpu.memref_slice %arg2[%dma_wait3A_299, %dma_wait3A_302] : memref<16384x4096xf32, #tpu.memory_space<hbm>> -> memref<1x4096xf32, #tpu.memory_space<hbm>>
      %dma_wait3A_304 = tpu.memref_squeeze %dma_wait3A_303 : memref<1x4096xf32, #tpu.memory_space<hbm>> -> memref<4096xf32, #tpu.memory_space<hbm>>
      %dma_wait3A_305 = arith.constant 0 : i32
      %dma_wait3A_306 = tpu.memref_slice %arg7[%dma_wait3A_305] : memref<32768xf32, #tpu.memory_space<vmem>> -> memref<4096xf32, #tpu.memory_space<vmem>>
      %dma_wait3A_307 = arith.constant 0 : i32
      %dma_wait3A_308 = tpu.memref_slice %arg2[%dma_wait3A_299, %dma_wait3A_307] : memref<16384x4096xf32, #tpu.memory_space<hbm>> -> memref<1x4096xf32, #tpu.memory_space<hbm>>
      %dma_wait3A_309 = tpu.memref_squeeze %dma_wait3A_308 : memref<1x4096xf32, #tpu.memory_space<hbm>> -> memref<4096xf32, #tpu.memory_space<hbm>>
      tpu.wait_dma2 semaphore(%arg11 : memref<!tpu.dma_semaphore, #tpu.memory_space<semaphore_mem>>) src(%dma_wait3A_309 : memref<4096xf32, #tpu.memory_space<hbm>>) dst(%dma_wait3A_306 : memref<4096xf32, #tpu.memory_space<vmem>>)
      %dma_wait3A_310 = arith.constant 0 : i32
      %dma_wait3A_311 = arith.constant 4096 : i32
      %dma_wait3A_312 = tpu.memref_slice %arg7[%dma_wait3A_311] : memref<32768xf32, #tpu.memory_space<vmem>> -> memref<4096xf32, #tpu.memory_space<vmem>>
      %dma_wait3A_313 = arith.constant 0 : i32
      %dma_wait3A_314 = tpu.memref_slice %arg2[%dma_wait3A_310, %dma_wait3A_313] : memref<16384x4096xf32, #tpu.memory_space<hbm>> -> memref<1x4096xf32, #tpu.memory_space<hbm>>
      %dma_wait3A_315 = tpu.memref_squeeze %dma_wait3A_314 : memref<1x4096xf32, #tpu.memory_space<hbm>> -> memref<4096xf32, #tpu.memory_space<hbm>>
      %dma_wait3A_316 = arith.constant 4096 : i32
      %dma_wait3A_317 = tpu.memref_slice %arg7[%dma_wait3A_316] : memref<32768xf32, #tpu.memory_space<vmem>> -> memref<4096xf32, #tpu.memory_space<vmem>>
      %dma_wait3A_318 = arith.constant 0 : i32
      %dma_wait3A_319 = tpu.memref_slice %arg2[%dma_wait3A_310, %dma_wait3A_318] : memref<16384x4096xf32, #tpu.memory_space<hbm>> -> memref<1x4096xf32, #tpu.memory_space<hbm>>
      %dma_wait3A_320 = tpu.memref_squeeze %dma_wait3A_319 : memref<1x4096xf32, #tpu.memory_space<hbm>> -> memref<4096xf32, #tpu.memory_space<hbm>>
      tpu.wait_dma2 semaphore(%arg11 : memref<!tpu.dma_semaphore, #tpu.memory_space<semaphore_mem>>) src(%dma_wait3A_320 : memref<4096xf32, #tpu.memory_space<hbm>>) dst(%dma_wait3A_317 : memref<4096xf32, #tpu.memory_space<vmem>>)
      %dma_wait3A_321 = arith.constant 0 : i32
      %dma_wait3A_322 = arith.constant 8192 : i32
      %dma_wait3A_323 = tpu.memref_slice %arg7[%dma_wait3A_322] : memref<32768xf32, #tpu.memory_space<vmem>> -> memref<4096xf32, #tpu.memory_space<vmem>>
      %dma_wait3A_324 = arith.constant 0 : i32
      %dma_wait3A_325 = tpu.memref_slice %arg2[%dma_wait3A_321, %dma_wait3A_324] : memref<16384x4096xf32, #tpu.memory_space<hbm>> -> memref<1x4096xf32, #tpu.memory_space<hbm>>
      %dma_wait3A_326 = tpu.memref_squeeze %dma_wait3A_325 : memref<1x4096xf32, #tpu.memory_space<hbm>> -> memref<4096xf32, #tpu.memory_space<hbm>>
      %dma_wait3A_327 = arith.constant 8192 : i32
      %dma_wait3A_328 = tpu.memref_slice %arg7[%dma_wait3A_327] : memref<32768xf32, #tpu.memory_space<vmem>> -> memref<4096xf32, #tpu.memory_space<vmem>>
      %dma_wait3A_329 = arith.constant 0 : i32
      %dma_wait3A_330 = tpu.memref_slice %arg2[%dma_wait3A_321, %dma_wait3A_329] : memref<16384x4096xf32, #tpu.memory_space<hbm>> -> memref<1x4096xf32, #tpu.memory_space<hbm>>
      %dma_wait3A_331 = tpu.memref_squeeze %dma_wait3A_330 : memref<1x4096xf32, #tpu.memory_space<hbm>> -> memref<4096xf32, #tpu.memory_space<hbm>>
      tpu.wait_dma2 semaphore(%arg11 : memref<!tpu.dma_semaphore, #tpu.memory_space<semaphore_mem>>) src(%dma_wait3A_331 : memref<4096xf32, #tpu.memory_space<hbm>>) dst(%dma_wait3A_328 : memref<4096xf32, #tpu.memory_space<vmem>>)
      %dma_wait3A_332 = arith.constant 0 : i32
      %dma_wait3A_333 = arith.constant 12288 : i32
      %dma_wait3A_334 = tpu.memref_slice %arg7[%dma_wait3A_333] : memref<32768xf32, #tpu.memory_space<vmem>> -> memref<4096xf32, #tpu.memory_space<vmem>>
      %dma_wait3A_335 = arith.constant 0 : i32
      %dma_wait3A_336 = tpu.memref_slice %arg2[%dma_wait3A_332, %dma_wait3A_335] : memref<16384x4096xf32, #tpu.memory_space<hbm>> -> memref<1x4096xf32, #tpu.memory_space<hbm>>
      %dma_wait3A_337 = tpu.memref_squeeze %dma_wait3A_336 : memref<1x4096xf32, #tpu.memory_space<hbm>> -> memref<4096xf32, #tpu.memory_space<hbm>>
      %dma_wait3A_338 = arith.constant 12288 : i32
      %dma_wait3A_339 = tpu.memref_slice %arg7[%dma_wait3A_338] : memref<32768xf32, #tpu.memory_space<vmem>> -> memref<4096xf32, #tpu.memory_space<vmem>>
      %dma_wait3A_340 = arith.constant 0 : i32
      %dma_wait3A_341 = tpu.memref_slice %arg2[%dma_wait3A_332, %dma_wait3A_340] : memref<16384x4096xf32, #tpu.memory_space<hbm>> -> memref<1x4096xf32, #tpu.memory_space<hbm>>
      %dma_wait3A_342 = tpu.memref_squeeze %dma_wait3A_341 : memref<1x4096xf32, #tpu.memory_space<hbm>> -> memref<4096xf32, #tpu.memory_space<hbm>>
      tpu.wait_dma2 semaphore(%arg11 : memref<!tpu.dma_semaphore, #tpu.memory_space<semaphore_mem>>) src(%dma_wait3A_342 : memref<4096xf32, #tpu.memory_space<hbm>>) dst(%dma_wait3A_339 : memref<4096xf32, #tpu.memory_space<vmem>>)
      %dma_wait3A_343 = arith.constant 0 : i32
      %dma_wait3A_344 = arith.constant 16384 : i32
      %dma_wait3A_345 = tpu.memref_slice %arg7[%dma_wait3A_344] : memref<32768xf32, #tpu.memory_space<vmem>> -> memref<4096xf32, #tpu.memory_space<vmem>>
      %dma_wait3A_346 = arith.constant 0 : i32
      %dma_wait3A_347 = tpu.memref_slice %arg2[%dma_wait3A_343, %dma_wait3A_346] : memref<16384x4096xf32, #tpu.memory_space<hbm>> -> memref<1x4096xf32, #tpu.memory_space<hbm>>
      %dma_wait3A_348 = tpu.memref_squeeze %dma_wait3A_347 : memref<1x4096xf32, #tpu.memory_space<hbm>> -> memref<4096xf32, #tpu.memory_space<hbm>>
      %dma_wait3A_349 = arith.constant 16384 : i32
      %dma_wait3A_350 = tpu.memref_slice %arg7[%dma_wait3A_349] : memref<32768xf32, #tpu.memory_space<vmem>> -> memref<4096xf32, #tpu.memory_space<vmem>>
      %dma_wait3A_351 = arith.constant 0 : i32
      %dma_wait3A_352 = tpu.memref_slice %arg2[%dma_wait3A_343, %dma_wait3A_351] : memref<16384x4096xf32, #tpu.memory_space<hbm>> -> memref<1x4096xf32, #tpu.memory_space<hbm>>
      %dma_wait3A_353 = tpu.memref_squeeze %dma_wait3A_352 : memref<1x4096xf32, #tpu.memory_space<hbm>> -> memref<4096xf32, #tpu.memory_space<hbm>>
      tpu.wait_dma2 semaphore(%arg11 : memref<!tpu.dma_semaphore, #tpu.memory_space<semaphore_mem>>) src(%dma_wait3A_353 : memref<4096xf32, #tpu.memory_space<hbm>>) dst(%dma_wait3A_350 : memref<4096xf32, #tpu.memory_space<vmem>>)
      %dma_wait3A_354 = arith.constant 0 : i32
      %dma_wait3A_355 = arith.constant 20480 : i32
      %dma_wait3A_356 = tpu.memref_slice %arg7[%dma_wait3A_355] : memref<32768xf32, #tpu.memory_space<vmem>> -> memref<4096xf32, #tpu.memory_space<vmem>>
      %dma_wait3A_357 = arith.constant 0 : i32
      %dma_wait3A_358 = tpu.memref_slice %arg2[%dma_wait3A_354, %dma_wait3A_357] : memref<16384x4096xf32, #tpu.memory_space<hbm>> -> memref<1x4096xf32, #tpu.memory_space<hbm>>
      %dma_wait3A_359 = tpu.memref_squeeze %dma_wait3A_358 : memref<1x4096xf32, #tpu.memory_space<hbm>> -> memref<4096xf32, #tpu.memory_space<hbm>>
      %dma_wait3A_360 = arith.constant 20480 : i32
      %dma_wait3A_361 = tpu.memref_slice %arg7[%dma_wait3A_360] : memref<32768xf32, #tpu.memory_space<vmem>> -> memref<4096xf32, #tpu.memory_space<vmem>>
      %dma_wait3A_362 = arith.constant 0 : i32
      %dma_wait3A_363 = tpu.memref_slice %arg2[%dma_wait3A_354, %dma_wait3A_362] : memref<16384x4096xf32, #tpu.memory_space<hbm>> -> memref<1x4096xf32, #tpu.memory_space<hbm>>
      %dma_wait3A_364 = tpu.memref_squeeze %dma_wait3A_363 : memref<1x4096xf32, #tpu.memory_space<hbm>> -> memref<4096xf32, #tpu.memory_space<hbm>>
      tpu.wait_dma2 semaphore(%arg11 : memref<!tpu.dma_semaphore, #tpu.memory_space<semaphore_mem>>) src(%dma_wait3A_364 : memref<4096xf32, #tpu.memory_space<hbm>>) dst(%dma_wait3A_361 : memref<4096xf32, #tpu.memory_space<vmem>>)
      %dma_wait3A_365 = arith.constant 0 : i32
      %dma_wait3A_366 = arith.constant 24576 : i32
      %dma_wait3A_367 = tpu.memref_slice %arg7[%dma_wait3A_366] : memref<32768xf32, #tpu.memory_space<vmem>> -> memref<4096xf32, #tpu.memory_space<vmem>>
      %dma_wait3A_368 = arith.constant 0 : i32
      %dma_wait3A_369 = tpu.memref_slice %arg2[%dma_wait3A_365, %dma_wait3A_368] : memref<16384x4096xf32, #tpu.memory_space<hbm>> -> memref<1x4096xf32, #tpu.memory_space<hbm>>
      %dma_wait3A_370 = tpu.memref_squeeze %dma_wait3A_369 : memref<1x4096xf32, #tpu.memory_space<hbm>> -> memref<4096xf32, #tpu.memory_space<hbm>>
      %dma_wait3A_371 = arith.constant 24576 : i32
      %dma_wait3A_372 = tpu.memref_slice %arg7[%dma_wait3A_371] : memref<32768xf32, #tpu.memory_space<vmem>> -> memref<4096xf32, #tpu.memory_space<vmem>>
      %dma_wait3A_373 = arith.constant 0 : i32
      %dma_wait3A_374 = tpu.memref_slice %arg2[%dma_wait3A_365, %dma_wait3A_373] : memref<16384x4096xf32, #tpu.memory_space<hbm>> -> memref<1x4096xf32, #tpu.memory_space<hbm>>
      %dma_wait3A_375 = tpu.memref_squeeze %dma_wait3A_374 : memref<1x4096xf32, #tpu.memory_space<hbm>> -> memref<4096xf32, #tpu.memory_space<hbm>>
      tpu.wait_dma2 semaphore(%arg11 : memref<!tpu.dma_semaphore, #tpu.memory_space<semaphore_mem>>) src(%dma_wait3A_375 : memref<4096xf32, #tpu.memory_space<hbm>>) dst(%dma_wait3A_372 : memref<4096xf32, #tpu.memory_space<vmem>>)
      %dma_wait3A_376 = arith.constant 0 : i32
      %dma_wait3A_377 = arith.constant 28672 : i32
      %dma_wait3A_378 = tpu.memref_slice %arg7[%dma_wait3A_377] : memref<32768xf32, #tpu.memory_space<vmem>> -> memref<4096xf32, #tpu.memory_space<vmem>>
      %dma_wait3A_379 = arith.constant 0 : i32
      %dma_wait3A_380 = tpu.memref_slice %arg2[%dma_wait3A_376, %dma_wait3A_379] : memref<16384x4096xf32, #tpu.memory_space<hbm>> -> memref<1x4096xf32, #tpu.memory_space<hbm>>
      %dma_wait3A_381 = tpu.memref_squeeze %dma_wait3A_380 : memref<1x4096xf32, #tpu.memory_space<hbm>> -> memref<4096xf32, #tpu.memory_space<hbm>>
      %dma_wait3A_382 = arith.constant 28672 : i32
      %dma_wait3A_383 = tpu.memref_slice %arg7[%dma_wait3A_382] : memref<32768xf32, #tpu.memory_space<vmem>> -> memref<4096xf32, #tpu.memory_space<vmem>>
      %dma_wait3A_384 = arith.constant 0 : i32
      %dma_wait3A_385 = tpu.memref_slice %arg2[%dma_wait3A_376, %dma_wait3A_384] : memref<16384x4096xf32, #tpu.memory_space<hbm>> -> memref<1x4096xf32, #tpu.memory_space<hbm>>
      %dma_wait3A_386 = tpu.memref_squeeze %dma_wait3A_385 : memref<1x4096xf32, #tpu.memory_space<hbm>> -> memref<4096xf32, #tpu.memory_space<hbm>>
      tpu.wait_dma2 semaphore(%arg11 : memref<!tpu.dma_semaphore, #tpu.memory_space<semaphore_mem>>) src(%dma_wait3A_386 : memref<4096xf32, #tpu.memory_space<hbm>>) dst(%dma_wait3A_383 : memref<4096xf32, #tpu.memory_space<vmem>>)
      %ge3A = arith.constant 1 : i32
      %ge3A_387 = arith.cmpi sge, %add3A_298, %ge3A : i32
      %convert_element_type3A = arith.extui %ge3A_387 : i1 to i32
      %cond3A = arith.constant 0 : i32
      %cond3A_388 = arith.cmpi ne, %convert_element_type3A, %cond3A : i32
      scf.if %cond3A_388 {
        %dma_wait3A_733 = arith.constant 0 : i32
        %dma_wait3A_734 = arith.constant 0 : i32
        %dma_wait3A_735 = tpu.memref_slice %arg9[%dma_wait3A_734] : memref<16384xf32, #tpu.memory_space<vmem>> -> memref<4096xf32, #tpu.memory_space<vmem>>
        %dma_wait3A_736 = arith.constant 0 : i32
        %dma_wait3A_737 = tpu.memref_slice %arg4[%dma_wait3A_733, %dma_wait3A_736] : memref<16384x4096xf32, #tpu.memory_space<hbm>> -> memref<1x4096xf32, #tpu.memory_space<hbm>>
        %dma_wait3A_738 = tpu.memref_squeeze %dma_wait3A_737 : memref<1x4096xf32, #tpu.memory_space<hbm>> -> memref<4096xf32, #tpu.memory_space<hbm>>
        %dma_wait3A_739 = arith.constant 0 : i32
        %dma_wait3A_740 = tpu.memref_slice %arg4[%dma_wait3A_733, %dma_wait3A_739] : memref<16384x4096xf32, #tpu.memory_space<hbm>> -> memref<1x4096xf32, #tpu.memory_space<hbm>>
        %dma_wait3A_741 = tpu.memref_squeeze %dma_wait3A_740 : memref<1x4096xf32, #tpu.memory_space<hbm>> -> memref<4096xf32, #tpu.memory_space<hbm>>
        %dma_wait3A_742 = arith.constant 0 : i32
        %dma_wait3A_743 = tpu.memref_slice %arg9[%dma_wait3A_742] : memref<16384xf32, #tpu.memory_space<vmem>> -> memref<4096xf32, #tpu.memory_space<vmem>>
        tpu.wait_dma2 semaphore(%arg13 : memref<!tpu.dma_semaphore, #tpu.memory_space<semaphore_mem>>) src(%dma_wait3A_743 : memref<4096xf32, #tpu.memory_space<vmem>>) dst(%dma_wait3A_741 : memref<4096xf32, #tpu.memory_space<hbm>>)
        %dma_wait3A_744 = arith.constant 0 : i32
        %dma_wait3A_745 = arith.constant 4096 : i32
        %dma_wait3A_746 = tpu.memref_slice %arg9[%dma_wait3A_745] : memref<16384xf32, #tpu.memory_space<vmem>> -> memref<4096xf32, #tpu.memory_space<vmem>>
        %dma_wait3A_747 = arith.constant 0 : i32
        %dma_wait3A_748 = tpu.memref_slice %arg4[%dma_wait3A_744, %dma_wait3A_747] : memref<16384x4096xf32, #tpu.memory_space<hbm>> -> memref<1x4096xf32, #tpu.memory_space<hbm>>
        %dma_wait3A_749 = tpu.memref_squeeze %dma_wait3A_748 : memref<1x4096xf32, #tpu.memory_space<hbm>> -> memref<4096xf32, #tpu.memory_space<hbm>>
        %dma_wait3A_750 = arith.constant 0 : i32
        %dma_wait3A_751 = tpu.memref_slice %arg4[%dma_wait3A_744, %dma_wait3A_750] : memref<16384x4096xf32, #tpu.memory_space<hbm>> -> memref<1x4096xf32, #tpu.memory_space<hbm>>
        %dma_wait3A_752 = tpu.memref_squeeze %dma_wait3A_751 : memref<1x4096xf32, #tpu.memory_space<hbm>> -> memref<4096xf32, #tpu.memory_space<hbm>>
        %dma_wait3A_753 = arith.constant 4096 : i32
        %dma_wait3A_754 = tpu.memref_slice %arg9[%dma_wait3A_753] : memref<16384xf32, #tpu.memory_space<vmem>> -> memref<4096xf32, #tpu.memory_space<vmem>>
        tpu.wait_dma2 semaphore(%arg13 : memref<!tpu.dma_semaphore, #tpu.memory_space<semaphore_mem>>) src(%dma_wait3A_754 : memref<4096xf32, #tpu.memory_space<vmem>>) dst(%dma_wait3A_752 : memref<4096xf32, #tpu.memory_space<hbm>>)
        %dma_wait3A_755 = arith.constant 0 : i32
        %dma_wait3A_756 = arith.constant 8192 : i32
        %dma_wait3A_757 = tpu.memref_slice %arg9[%dma_wait3A_756] : memref<16384xf32, #tpu.memory_space<vmem>> -> memref<4096xf32, #tpu.memory_space<vmem>>
        %dma_wait3A_758 = arith.constant 0 : i32
        %dma_wait3A_759 = tpu.memref_slice %arg4[%dma_wait3A_755, %dma_wait3A_758] : memref<16384x4096xf32, #tpu.memory_space<hbm>> -> memref<1x4096xf32, #tpu.memory_space<hbm>>
        %dma_wait3A_760 = tpu.memref_squeeze %dma_wait3A_759 : memref<1x4096xf32, #tpu.memory_space<hbm>> -> memref<4096xf32, #tpu.memory_space<hbm>>
        %dma_wait3A_761 = arith.constant 0 : i32
        %dma_wait3A_762 = tpu.memref_slice %arg4[%dma_wait3A_755, %dma_wait3A_761] : memref<16384x4096xf32, #tpu.memory_space<hbm>> -> memref<1x4096xf32, #tpu.memory_space<hbm>>
        %dma_wait3A_763 = tpu.memref_squeeze %dma_wait3A_762 : memref<1x4096xf32, #tpu.memory_space<hbm>> -> memref<4096xf32, #tpu.memory_space<hbm>>
        %dma_wait3A_764 = arith.constant 8192 : i32
        %dma_wait3A_765 = tpu.memref_slice %arg9[%dma_wait3A_764] : memref<16384xf32, #tpu.memory_space<vmem>> -> memref<4096xf32, #tpu.memory_space<vmem>>
        tpu.wait_dma2 semaphore(%arg13 : memref<!tpu.dma_semaphore, #tpu.memory_space<semaphore_mem>>) src(%dma_wait3A_765 : memref<4096xf32, #tpu.memory_space<vmem>>) dst(%dma_wait3A_763 : memref<4096xf32, #tpu.memory_space<hbm>>)
        %dma_wait3A_766 = arith.constant 0 : i32
        %dma_wait3A_767 = arith.constant 12288 : i32
        %dma_wait3A_768 = tpu.memref_slice %arg9[%dma_wait3A_767] : memref<16384xf32, #tpu.memory_space<vmem>> -> memref<4096xf32, #tpu.memory_space<vmem>>
        %dma_wait3A_769 = arith.constant 0 : i32
        %dma_wait3A_770 = tpu.memref_slice %arg4[%dma_wait3A_766, %dma_wait3A_769] : memref<16384x4096xf32, #tpu.memory_space<hbm>> -> memref<1x4096xf32, #tpu.memory_space<hbm>>
        %dma_wait3A_771 = tpu.memref_squeeze %dma_wait3A_770 : memref<1x4096xf32, #tpu.memory_space<hbm>> -> memref<4096xf32, #tpu.memory_space<hbm>>
        %dma_wait3A_772 = arith.constant 0 : i32
        %dma_wait3A_773 = tpu.memref_slice %arg4[%dma_wait3A_766, %dma_wait3A_772] : memref<16384x4096xf32, #tpu.memory_space<hbm>> -> memref<1x4096xf32, #tpu.memory_space<hbm>>
        %dma_wait3A_774 = tpu.memref_squeeze %dma_wait3A_773 : memref<1x4096xf32, #tpu.memory_space<hbm>> -> memref<4096xf32, #tpu.memory_space<hbm>>
        %dma_wait3A_775 = arith.constant 12288 : i32
        %dma_wait3A_776 = tpu.memref_slice %arg9[%dma_wait3A_775] : memref<16384xf32, #tpu.memory_space<vmem>> -> memref<4096xf32, #tpu.memory_space<vmem>>
        tpu.wait_dma2 semaphore(%arg13 : memref<!tpu.dma_semaphore, #tpu.memory_space<semaphore_mem>>) src(%dma_wait3A_776 : memref<4096xf32, #tpu.memory_space<vmem>>) dst(%dma_wait3A_774 : memref<4096xf32, #tpu.memory_space<hbm>>)
      } else {
      }
      %parallel_loop3A_389 = arith.constant 0 : i32
      %parallel_loop3A_390 = arith.constant 256 : i32
      %parallel_loop3A_391 = arith.constant 1 : i32
      scf.for %parallel_loop3A_733 = %parallel_loop3A_389 to %parallel_loop3A_390 step %parallel_loop3A_391  : i32 {
        %parallel_loop3A_734 = arith.constant 16 : i32
        %parallel_loop3A_735 = arith.muli %parallel_loop3A_733, %parallel_loop3A_734 : i32
        %parallel_loop3A_736 = arith.index_cast %parallel_loop3A_735 : i32 to index
        %parallel_loop3A_737 = tpu.vector_load %arg6[%parallel_loop3A_736] {strides = array<i32>} : memref<4096xi32, #tpu.memory_space<vmem>>, vector<16xi32>,
        %parallel_loop3A_738 = arith.constant 0 : i32
        %parallel_loop3A_739 = vector.broadcast %parallel_loop3A_738 : i32 to vector<16xi32>
        %parallel_loop3A_740 = arith.addi %parallel_loop3A_737, %parallel_loop3A_739 : vector<16xi32>
        %parallel_loop3A_741 = tpu.vector_load_idx %arg7[%parallel_loop3A_740] : memref<32768xf32, #tpu.memory_space<vmem>>[vector<16xi32>], vector<16xf32>,
        %parallel_loop3A_742 = arith.constant 0 : i32
        %parallel_loop3A_743 = arith.addi %parallel_loop3A_742, %parallel_loop3A_735 : i32
        %parallel_loop3A_744 = arith.index_cast %parallel_loop3A_743 : i32 to index
        %parallel_loop3A_745 = tpu.vector_load %arg9[%parallel_loop3A_744] {strides = array<i32>} : memref<16384xf32, #tpu.memory_space<vmem>>, vector<16xf32>,
        tpu.vector_store %arg9[%parallel_loop3A_744], %parallel_loop3A_741 {strides = array<i32>} : memref<16384xf32, #tpu.memory_space<vmem>>, vector<16xf32>,
        %parallel_loop3A_746 = arith.constant 4096 : i32
        %parallel_loop3A_747 = vector.broadcast %parallel_loop3A_746 : i32 to vector<16xi32>
        %parallel_loop3A_748 = arith.addi %parallel_loop3A_737, %parallel_loop3A_747 : vector<16xi32>
        %parallel_loop3A_749 = tpu.vector_load_idx %arg7[%parallel_loop3A_748] : memref<32768xf32, #tpu.memory_space<vmem>>[vector<16xi32>], vector<16xf32>,
        %parallel_loop3A_750 = arith.constant 4096 : i32
        %parallel_loop3A_751 = arith.addi %parallel_loop3A_750, %parallel_loop3A_735 : i32
        %parallel_loop3A_752 = arith.index_cast %parallel_loop3A_751 : i32 to index
        %parallel_loop3A_753 = tpu.vector_load %arg9[%parallel_loop3A_752] {strides = array<i32>} : memref<16384xf32, #tpu.memory_space<vmem>>, vector<16xf32>,
        tpu.vector_store %arg9[%parallel_loop3A_752], %parallel_loop3A_749 {strides = array<i32>} : memref<16384xf32, #tpu.memory_space<vmem>>, vector<16xf32>,
        %parallel_loop3A_754 = arith.constant 8192 : i32
        %parallel_loop3A_755 = vector.broadcast %parallel_loop3A_754 : i32 to vector<16xi32>
        %parallel_loop3A_756 = arith.addi %parallel_loop3A_737, %parallel_loop3A_755 : vector<16xi32>
        %parallel_loop3A_757 = tpu.vector_load_idx %arg7[%parallel_loop3A_756] : memref<32768xf32, #tpu.memory_space<vmem>>[vector<16xi32>], vector<16xf32>,
        %parallel_loop3A_758 = arith.constant 8192 : i32
        %parallel_loop3A_759 = arith.addi %parallel_loop3A_758, %parallel_loop3A_735 : i32
        %parallel_loop3A_760 = arith.index_cast %parallel_loop3A_759 : i32 to index
        %parallel_loop3A_761 = tpu.vector_load %arg9[%parallel_loop3A_760] {strides = array<i32>} : memref<16384xf32, #tpu.memory_space<vmem>>, vector<16xf32>,
        tpu.vector_store %arg9[%parallel_loop3A_760], %parallel_loop3A_757 {strides = array<i32>} : memref<16384xf32, #tpu.memory_space<vmem>>, vector<16xf32>,
        %parallel_loop3A_762 = arith.constant 12288 : i32
        %parallel_loop3A_763 = vector.broadcast %parallel_loop3A_762 : i32 to vector<16xi32>
        %parallel_loop3A_764 = arith.addi %parallel_loop3A_737, %parallel_loop3A_763 : vector<16xi32>
        %parallel_loop3A_765 = tpu.vector_load_idx %arg7[%parallel_loop3A_764] : memref<32768xf32, #tpu.memory_space<vmem>>[vector<16xi32>], vector<16xf32>,
        %parallel_loop3A_766 = arith.constant 12288 : i32
        %parallel_loop3A_767 = arith.addi %parallel_loop3A_766, %parallel_loop3A_735 : i32
        %parallel_loop3A_768 = arith.index_cast %parallel_loop3A_767 : i32 to index
        %parallel_loop3A_769 = tpu.vector_load %arg9[%parallel_loop3A_768] {strides = array<i32>} : memref<16384xf32, #tpu.memory_space<vmem>>, vector<16xf32>,
        tpu.vector_store %arg9[%parallel_loop3A_768], %parallel_loop3A_765 {strides = array<i32>} : memref<16384xf32, #tpu.memory_space<vmem>>, vector<16xf32>,
      } {sc.loop_unroll_factor = 4 : i64, sc.parallel_access}
      %mul3A_392 = arith.constant 8 : i32
      %mul3A_393 = arith.muli %add3A_298, %mul3A_392 : i32
      %add3A_394 = arith.addi %mul3A_2, %mul3A_393 : i32
      %add3A_395 = arith.constant 0 : i32
      %add3A_396 = arith.addi %add3A_394, %add3A_395 : i32
      %add3A_397 = arith.constant 0 : i32
      %add3A_398 = arith.addi %add3A_396, %add3A_397 : i32
      %dma_start3A_399 = arith.constant 0 : i32
      %dma_start3A_400 = tpu.memref_slice %arg9[%dma_start3A_399] : memref<16384xf32, #tpu.memory_space<vmem>> -> memref<4096xf32, #tpu.memory_space<vmem>>
      %dma_start3A_401 = arith.constant 0 : i32
      %dma_start3A_402 = tpu.memref_slice %arg4[%add3A_398, %dma_start3A_401] : memref<16384x4096xf32, #tpu.memory_space<hbm>> -> memref<1x4096xf32, #tpu.memory_space<hbm>>
      %dma_start3A_403 = tpu.memref_squeeze %dma_start3A_402 : memref<1x4096xf32, #tpu.memory_space<hbm>> -> memref<4096xf32, #tpu.memory_space<hbm>>
      %dma_start3A_404 = arith.constant 0 : i32
      %dma_start3A_405 = tpu.memref_slice %arg4[%add3A_398, %dma_start3A_404] : memref<16384x4096xf32, #tpu.memory_space<hbm>> -> memref<1x4096xf32, #tpu.memory_space<hbm>>
      %dma_start3A_406 = tpu.memref_squeeze %dma_start3A_405 : memref<1x4096xf32, #tpu.memory_space<hbm>> -> memref<4096xf32, #tpu.memory_space<hbm>>
      %dma_start3A_407 = arith.constant 0 : i32
      %dma_start3A_408 = tpu.memref_slice %arg9[%dma_start3A_407] : memref<16384xf32, #tpu.memory_space<vmem>> -> memref<4096xf32, #tpu.memory_space<vmem>>
      tpu.enqueue_dma source(%dma_start3A_408 : memref<4096xf32, #tpu.memory_space<vmem>>) target(%dma_start3A_406 : memref<4096xf32, #tpu.memory_space<hbm>>) target_semaphore(%arg13 : memref<!tpu.dma_semaphore, #tpu.memory_space<semaphore_mem>>)
      %add3A_409 = arith.constant 1 : i32
      %add3A_410 = arith.addi %add3A_396, %add3A_409 : i32
      %dma_start3A_411 = arith.constant 4096 : i32
      %dma_start3A_412 = tpu.memref_slice %arg9[%dma_start3A_411] : memref<16384xf32, #tpu.memory_space<vmem>> -> memref<4096xf32, #tpu.memory_space<vmem>>
      %dma_start3A_413 = arith.constant 0 : i32
      %dma_start3A_414 = tpu.memref_slice %arg4[%add3A_410, %dma_start3A_413] : memref<16384x4096xf32, #tpu.memory_space<hbm>> -> memref<1x4096xf32, #tpu.memory_space<hbm>>
      %dma_start3A_415 = tpu.memref_squeeze %dma_start3A_414 : memref<1x4096xf32, #tpu.memory_space<hbm>> -> memref<4096xf32, #tpu.memory_space<hbm>>
      %dma_start3A_416 = arith.constant 0 : i32
      %dma_start3A_417 = tpu.memref_slice %arg4[%add3A_410, %dma_start3A_416] : memref<16384x4096xf32, #tpu.memory_space<hbm>> -> memref<1x4096xf32, #tpu.memory_space<hbm>>
      %dma_start3A_418 = tpu.memref_squeeze %dma_start3A_417 : memref<1x4096xf32, #tpu.memory_space<hbm>> -> memref<4096xf32, #tpu.memory_space<hbm>>
      %dma_start3A_419 = arith.constant 4096 : i32
      %dma_start3A_420 = tpu.memref_slice %arg9[%dma_start3A_419] : memref<16384xf32, #tpu.memory_space<vmem>> -> memref<4096xf32, #tpu.memory_space<vmem>>
      tpu.enqueue_dma source(%dma_start3A_420 : memref<4096xf32, #tpu.memory_space<vmem>>) target(%dma_start3A_418 : memref<4096xf32, #tpu.memory_space<hbm>>) target_semaphore(%arg13 : memref<!tpu.dma_semaphore, #tpu.memory_space<semaphore_mem>>)
      %add3A_421 = arith.constant 2 : i32
      %add3A_422 = arith.addi %add3A_396, %add3A_421 : i32
      %dma_start3A_423 = arith.constant 8192 : i32
      %dma_start3A_424 = tpu.memref_slice %arg9[%dma_start3A_423] : memref<16384xf32, #tpu.memory_space<vmem>> -> memref<4096xf32, #tpu.memory_space<vmem>>
      %dma_start3A_425 = arith.constant 0 : i32
      %dma_start3A_426 = tpu.memref_slice %arg4[%add3A_422, %dma_start3A_425] : memref<16384x4096xf32, #tpu.memory_space<hbm>> -> memref<1x4096xf32, #tpu.memory_space<hbm>>
      %dma_start3A_427 = tpu.memref_squeeze %dma_start3A_426 : memref<1x4096xf32, #tpu.memory_space<hbm>> -> memref<4096xf32, #tpu.memory_space<hbm>>
      %dma_start3A_428 = arith.constant 0 : i32
      %dma_start3A_429 = tpu.memref_slice %arg4[%add3A_422, %dma_start3A_428] : memref<16384x4096xf32, #tpu.memory_space<hbm>> -> memref<1x4096xf32, #tpu.memory_space<hbm>>
      %dma_start3A_430 = tpu.memref_squeeze %dma_start3A_429 : memref<1x4096xf32, #tpu.memory_space<hbm>> -> memref<4096xf32, #tpu.memory_space<hbm>>
      %dma_start3A_431 = arith.constant 8192 : i32
      %dma_start3A_432 = tpu.memref_slice %arg9[%dma_start3A_431] : memref<16384xf32, #tpu.memory_space<vmem>> -> memref<4096xf32, #tpu.memory_space<vmem>>
      tpu.enqueue_dma source(%dma_start3A_432 : memref<4096xf32, #tpu.memory_space<vmem>>) target(%dma_start3A_430 : memref<4096xf32, #tpu.memory_space<hbm>>) target_semaphore(%arg13 : memref<!tpu.dma_semaphore, #tpu.memory_space<semaphore_mem>>)
      %add3A_433 = arith.constant 3 : i32
      %add3A_434 = arith.addi %add3A_396, %add3A_433 : i32
      %dma_start3A_435 = arith.constant 12288 : i32
      %dma_start3A_436 = tpu.memref_slice %arg9[%dma_start3A_435] : memref<16384xf32, #tpu.memory_space<vmem>> -> memref<4096xf32, #tpu.memory_space<vmem>>
      %dma_start3A_437 = arith.constant 0 : i32
      %dma_start3A_438 = tpu.memref_slice %arg4[%add3A_434, %dma_start3A_437] : memref<16384x4096xf32, #tpu.memory_space<hbm>> -> memref<1x4096xf32, #tpu.memory_space<hbm>>
      %dma_start3A_439 = tpu.memref_squeeze %dma_start3A_438 : memref<1x4096xf32, #tpu.memory_space<hbm>> -> memref<4096xf32, #tpu.memory_space<hbm>>
      %dma_start3A_440 = arith.constant 0 : i32
      %dma_start3A_441 = tpu.memref_slice %arg4[%add3A_434, %dma_start3A_440] : memref<16384x4096xf32, #tpu.memory_space<hbm>> -> memref<1x4096xf32, #tpu.memory_space<hbm>>
      %dma_start3A_442 = tpu.memref_squeeze %dma_start3A_441 : memref<1x4096xf32, #tpu.memory_space<hbm>> -> memref<4096xf32, #tpu.memory_space<hbm>>
      %dma_start3A_443 = arith.constant 12288 : i32
      %dma_start3A_444 = tpu.memref_slice %arg9[%dma_start3A_443] : memref<16384xf32, #tpu.memory_space<vmem>> -> memref<4096xf32, #tpu.memory_space<vmem>>
      tpu.enqueue_dma source(%dma_start3A_444 : memref<4096xf32, #tpu.memory_space<vmem>>) target(%dma_start3A_442 : memref<4096xf32, #tpu.memory_space<hbm>>) target_semaphore(%arg13 : memref<!tpu.dma_semaphore, #tpu.memory_space<semaphore_mem>>)
      %ge3A_445 = arith.constant 1 : i32
      %ge3A_446 = arith.cmpi sge, %add3A_298, %ge3A_445 : i32
      %convert_element_type3A_447 = arith.extui %ge3A_446 : i1 to i32
      %cond3A_448 = arith.constant 0 : i32
      %cond3A_449 = arith.cmpi ne, %convert_element_type3A_447, %cond3A_448 : i32
      scf.if %cond3A_449 {
        %dma_wait3A_733 = arith.constant 0 : i32
        %dma_wait3A_734 = arith.constant 0 : i32
        %dma_wait3A_735 = tpu.memref_slice %arg10[%dma_wait3A_734] : memref<16384xf32, #tpu.memory_space<vmem>> -> memref<4096xf32, #tpu.memory_space<vmem>>
        %dma_wait3A_736 = arith.constant 0 : i32
        %dma_wait3A_737 = tpu.memref_slice %arg4[%dma_wait3A_733, %dma_wait3A_736] : memref<16384x4096xf32, #tpu.memory_space<hbm>> -> memref<1x4096xf32, #tpu.memory_space<hbm>>
        %dma_wait3A_738 = tpu.memref_squeeze %dma_wait3A_737 : memref<1x4096xf32, #tpu.memory_space<hbm>> -> memref<4096xf32, #tpu.memory_space<hbm>>
        %dma_wait3A_739 = arith.constant 0 : i32
        %dma_wait3A_740 = tpu.memref_slice %arg4[%dma_wait3A_733, %dma_wait3A_739] : memref<16384x4096xf32, #tpu.memory_space<hbm>> -> memref<1x4096xf32, #tpu.memory_space<hbm>>
        %dma_wait3A_741 = tpu.memref_squeeze %dma_wait3A_740 : memref<1x4096xf32, #tpu.memory_space<hbm>> -> memref<4096xf32, #tpu.memory_space<hbm>>
        %dma_wait3A_742 = arith.constant 0 : i32
        %dma_wait3A_743 = tpu.memref_slice %arg10[%dma_wait3A_742] : memref<16384xf32, #tpu.memory_space<vmem>> -> memref<4096xf32, #tpu.memory_space<vmem>>
        tpu.wait_dma2 semaphore(%arg14 : memref<!tpu.dma_semaphore, #tpu.memory_space<semaphore_mem>>) src(%dma_wait3A_743 : memref<4096xf32, #tpu.memory_space<vmem>>) dst(%dma_wait3A_741 : memref<4096xf32, #tpu.memory_space<hbm>>)
        %dma_wait3A_744 = arith.constant 0 : i32
        %dma_wait3A_745 = arith.constant 4096 : i32
        %dma_wait3A_746 = tpu.memref_slice %arg10[%dma_wait3A_745] : memref<16384xf32, #tpu.memory_space<vmem>> -> memref<4096xf32, #tpu.memory_space<vmem>>
        %dma_wait3A_747 = arith.constant 0 : i32
        %dma_wait3A_748 = tpu.memref_slice %arg4[%dma_wait3A_744, %dma_wait3A_747] : memref<16384x4096xf32, #tpu.memory_space<hbm>> -> memref<1x4096xf32, #tpu.memory_space<hbm>>
        %dma_wait3A_749 = tpu.memref_squeeze %dma_wait3A_748 : memref<1x4096xf32, #tpu.memory_space<hbm>> -> memref<4096xf32, #tpu.memory_space<hbm>>
        %dma_wait3A_750 = arith.constant 0 : i32
        %dma_wait3A_751 = tpu.memref_slice %arg4[%dma_wait3A_744, %dma_wait3A_750] : memref<16384x4096xf32, #tpu.memory_space<hbm>> -> memref<1x4096xf32, #tpu.memory_space<hbm>>
        %dma_wait3A_752 = tpu.memref_squeeze %dma_wait3A_751 : memref<1x4096xf32, #tpu.memory_space<hbm>> -> memref<4096xf32, #tpu.memory_space<hbm>>
        %dma_wait3A_753 = arith.constant 4096 : i32
        %dma_wait3A_754 = tpu.memref_slice %arg10[%dma_wait3A_753] : memref<16384xf32, #tpu.memory_space<vmem>> -> memref<4096xf32, #tpu.memory_space<vmem>>
        tpu.wait_dma2 semaphore(%arg14 : memref<!tpu.dma_semaphore, #tpu.memory_space<semaphore_mem>>) src(%dma_wait3A_754 : memref<4096xf32, #tpu.memory_space<vmem>>) dst(%dma_wait3A_752 : memref<4096xf32, #tpu.memory_space<hbm>>)
        %dma_wait3A_755 = arith.constant 0 : i32
        %dma_wait3A_756 = arith.constant 8192 : i32
        %dma_wait3A_757 = tpu.memref_slice %arg10[%dma_wait3A_756] : memref<16384xf32, #tpu.memory_space<vmem>> -> memref<4096xf32, #tpu.memory_space<vmem>>
        %dma_wait3A_758 = arith.constant 0 : i32
        %dma_wait3A_759 = tpu.memref_slice %arg4[%dma_wait3A_755, %dma_wait3A_758] : memref<16384x4096xf32, #tpu.memory_space<hbm>> -> memref<1x4096xf32, #tpu.memory_space<hbm>>
        %dma_wait3A_760 = tpu.memref_squeeze %dma_wait3A_759 : memref<1x4096xf32, #tpu.memory_space<hbm>> -> memref<4096xf32, #tpu.memory_space<hbm>>
        %dma_wait3A_761 = arith.constant 0 : i32
        %dma_wait3A_762 = tpu.memref_slice %arg4[%dma_wait3A_755, %dma_wait3A_761] : memref<16384x4096xf32, #tpu.memory_space<hbm>> -> memref<1x4096xf32, #tpu.memory_space<hbm>>
        %dma_wait3A_763 = tpu.memref_squeeze %dma_wait3A_762 : memref<1x4096xf32, #tpu.memory_space<hbm>> -> memref<4096xf32, #tpu.memory_space<hbm>>
        %dma_wait3A_764 = arith.constant 8192 : i32
        %dma_wait3A_765 = tpu.memref_slice %arg10[%dma_wait3A_764] : memref<16384xf32, #tpu.memory_space<vmem>> -> memref<4096xf32, #tpu.memory_space<vmem>>
        tpu.wait_dma2 semaphore(%arg14 : memref<!tpu.dma_semaphore, #tpu.memory_space<semaphore_mem>>) src(%dma_wait3A_765 : memref<4096xf32, #tpu.memory_space<vmem>>) dst(%dma_wait3A_763 : memref<4096xf32, #tpu.memory_space<hbm>>)
        %dma_wait3A_766 = arith.constant 0 : i32
        %dma_wait3A_767 = arith.constant 12288 : i32
        %dma_wait3A_768 = tpu.memref_slice %arg10[%dma_wait3A_767] : memref<16384xf32, #tpu.memory_space<vmem>> -> memref<4096xf32, #tpu.memory_space<vmem>>
        %dma_wait3A_769 = arith.constant 0 : i32
        %dma_wait3A_770 = tpu.memref_slice %arg4[%dma_wait3A_766, %dma_wait3A_769] : memref<16384x4096xf32, #tpu.memory_space<hbm>> -> memref<1x4096xf32, #tpu.memory_space<hbm>>
        %dma_wait3A_771 = tpu.memref_squeeze %dma_wait3A_770 : memref<1x4096xf32, #tpu.memory_space<hbm>> -> memref<4096xf32, #tpu.memory_space<hbm>>
        %dma_wait3A_772 = arith.constant 0 : i32
        %dma_wait3A_773 = tpu.memref_slice %arg4[%dma_wait3A_766, %dma_wait3A_772] : memref<16384x4096xf32, #tpu.memory_space<hbm>> -> memref<1x4096xf32, #tpu.memory_space<hbm>>
        %dma_wait3A_774 = tpu.memref_squeeze %dma_wait3A_773 : memref<1x4096xf32, #tpu.memory_space<hbm>> -> memref<4096xf32, #tpu.memory_space<hbm>>
        %dma_wait3A_775 = arith.constant 12288 : i32
        %dma_wait3A_776 = tpu.memref_slice %arg10[%dma_wait3A_775] : memref<16384xf32, #tpu.memory_space<vmem>> -> memref<4096xf32, #tpu.memory_space<vmem>>
        tpu.wait_dma2 semaphore(%arg14 : memref<!tpu.dma_semaphore, #tpu.memory_space<semaphore_mem>>) src(%dma_wait3A_776 : memref<4096xf32, #tpu.memory_space<vmem>>) dst(%dma_wait3A_774 : memref<4096xf32, #tpu.memory_space<hbm>>)
      } else {
      }
      %parallel_loop3A_450 = arith.constant 0 : i32
      %parallel_loop3A_451 = arith.constant 256 : i32
      %parallel_loop3A_452 = arith.constant 1 : i32
      scf.for %parallel_loop3A_733 = %parallel_loop3A_450 to %parallel_loop3A_451 step %parallel_loop3A_452  : i32 {
        %parallel_loop3A_734 = arith.constant 16 : i32
        %parallel_loop3A_735 = arith.muli %parallel_loop3A_733, %parallel_loop3A_734 : i32
        %parallel_loop3A_736 = arith.index_cast %parallel_loop3A_735 : i32 to index
        %parallel_loop3A_737 = tpu.vector_load %arg6[%parallel_loop3A_736] {strides = array<i32>} : memref<4096xi32, #tpu.memory_space<vmem>>, vector<16xi32>,
        %parallel_loop3A_738 = arith.constant 16384 : i32
        %parallel_loop3A_739 = vector.broadcast %parallel_loop3A_738 : i32 to vector<16xi32>
        %parallel_loop3A_740 = arith.addi %parallel_loop3A_737, %parallel_loop3A_739 : vector<16xi32>
        %parallel_loop3A_741 = tpu.vector_load_idx %arg7[%parallel_loop3A_740] : memref<32768xf32, #tpu.memory_space<vmem>>[vector<16xi32>], vector<16xf32>,
        %parallel_loop3A_742 = arith.constant 0 : i32
        %parallel_loop3A_743 = arith.addi %parallel_loop3A_742, %parallel_loop3A_735 : i32
        %parallel_loop3A_744 = arith.index_cast %parallel_loop3A_743 : i32 to index
        %parallel_loop3A_745 = tpu.vector_load %arg10[%parallel_loop3A_744] {strides = array<i32>} : memref<16384xf32, #tpu.memory_space<vmem>>, vector<16xf32>,
        tpu.vector_store %arg10[%parallel_loop3A_744], %parallel_loop3A_741 {strides = array<i32>} : memref<16384xf32, #tpu.memory_space<vmem>>, vector<16xf32>,
        %parallel_loop3A_746 = arith.constant 20480 : i32
        %parallel_loop3A_747 = vector.broadcast %parallel_loop3A_746 : i32 to vector<16xi32>
        %parallel_loop3A_748 = arith.addi %parallel_loop3A_737, %parallel_loop3A_747 : vector<16xi32>
        %parallel_loop3A_749 = tpu.vector_load_idx %arg7[%parallel_loop3A_748] : memref<32768xf32, #tpu.memory_space<vmem>>[vector<16xi32>], vector<16xf32>,
        %parallel_loop3A_750 = arith.constant 4096 : i32
        %parallel_loop3A_751 = arith.addi %parallel_loop3A_750, %parallel_loop3A_735 : i32
        %parallel_loop3A_752 = arith.index_cast %parallel_loop3A_751 : i32 to index
        %parallel_loop3A_753 = tpu.vector_load %arg10[%parallel_loop3A_752] {strides = array<i32>} : memref<16384xf32, #tpu.memory_space<vmem>>, vector<16xf32>,
        tpu.vector_store %arg10[%parallel_loop3A_752], %parallel_loop3A_749 {strides = array<i32>} : memref<16384xf32, #tpu.memory_space<vmem>>, vector<16xf32>,
        %parallel_loop3A_754 = arith.constant 24576 : i32
        %parallel_loop3A_755 = vector.broadcast %parallel_loop3A_754 : i32 to vector<16xi32>
        %parallel_loop3A_756 = arith.addi %parallel_loop3A_737, %parallel_loop3A_755 : vector<16xi32>
        %parallel_loop3A_757 = tpu.vector_load_idx %arg7[%parallel_loop3A_756] : memref<32768xf32, #tpu.memory_space<vmem>>[vector<16xi32>], vector<16xf32>,
        %parallel_loop3A_758 = arith.constant 8192 : i32
        %parallel_loop3A_759 = arith.addi %parallel_loop3A_758, %parallel_loop3A_735 : i32
        %parallel_loop3A_760 = arith.index_cast %parallel_loop3A_759 : i32 to index
        %parallel_loop3A_761 = tpu.vector_load %arg10[%parallel_loop3A_760] {strides = array<i32>} : memref<16384xf32, #tpu.memory_space<vmem>>, vector<16xf32>,
        tpu.vector_store %arg10[%parallel_loop3A_760], %parallel_loop3A_757 {strides = array<i32>} : memref<16384xf32, #tpu.memory_space<vmem>>, vector<16xf32>,
        %parallel_loop3A_762 = arith.constant 28672 : i32
        %parallel_loop3A_763 = vector.broadcast %parallel_loop3A_762 : i32 to vector<16xi32>
        %parallel_loop3A_764 = arith.addi %parallel_loop3A_737, %parallel_loop3A_763 : vector<16xi32>
        %parallel_loop3A_765 = tpu.vector_load_idx %arg7[%parallel_loop3A_764] : memref<32768xf32, #tpu.memory_space<vmem>>[vector<16xi32>], vector<16xf32>,
        %parallel_loop3A_766 = arith.constant 12288 : i32
        %parallel_loop3A_767 = arith.addi %parallel_loop3A_766, %parallel_loop3A_735 : i32
        %parallel_loop3A_768 = arith.index_cast %parallel_loop3A_767 : i32 to index
        %parallel_loop3A_769 = tpu.vector_load %arg10[%parallel_loop3A_768] {strides = array<i32>} : memref<16384xf32, #tpu.memory_space<vmem>>, vector<16xf32>,
        tpu.vector_store %arg10[%parallel_loop3A_768], %parallel_loop3A_765 {strides = array<i32>} : memref<16384xf32, #tpu.memory_space<vmem>>, vector<16xf32>,
      } {sc.loop_unroll_factor = 4 : i64, sc.parallel_access}
      %mul3A_453 = arith.constant 8 : i32
      %mul3A_454 = arith.muli %add3A_298, %mul3A_453 : i32
      %add3A_455 = arith.addi %mul3A_2, %mul3A_454 : i32
      %add3A_456 = arith.constant 4 : i32
      %add3A_457 = arith.addi %add3A_455, %add3A_456 : i32
      %add3A_458 = arith.constant 0 : i32
      %add3A_459 = arith.addi %add3A_457, %add3A_458 : i32
      %dma_start3A_460 = arith.constant 0 : i32
      %dma_start3A_461 = tpu.memref_slice %arg10[%dma_start3A_460] : memref<16384xf32, #tpu.memory_space<vmem>> -> memref<4096xf32, #tpu.memory_space<vmem>>
      %dma_start3A_462 = arith.constant 0 : i32
      %dma_start3A_463 = tpu.memref_slice %arg4[%add3A_459, %dma_start3A_462] : memref<16384x4096xf32, #tpu.memory_space<hbm>> -> memref<1x4096xf32, #tpu.memory_space<hbm>>
      %dma_start3A_464 = tpu.memref_squeeze %dma_start3A_463 : memref<1x4096xf32, #tpu.memory_space<hbm>> -> memref<4096xf32, #tpu.memory_space<hbm>>
      %dma_start3A_465 = arith.constant 0 : i32
      %dma_start3A_466 = tpu.memref_slice %arg4[%add3A_459, %dma_start3A_465] : memref<16384x4096xf32, #tpu.memory_space<hbm>> -> memref<1x4096xf32, #tpu.memory_space<hbm>>
      %dma_start3A_467 = tpu.memref_squeeze %dma_start3A_466 : memref<1x4096xf32, #tpu.memory_space<hbm>> -> memref<4096xf32, #tpu.memory_space<hbm>>
      %dma_start3A_468 = arith.constant 0 : i32
      %dma_start3A_469 = tpu.memref_slice %arg10[%dma_start3A_468] : memref<16384xf32, #tpu.memory_space<vmem>> -> memref<4096xf32, #tpu.memory_space<vmem>>
      tpu.enqueue_dma source(%dma_start3A_469 : memref<4096xf32, #tpu.memory_space<vmem>>) target(%dma_start3A_467 : memref<4096xf32, #tpu.memory_space<hbm>>) target_semaphore(%arg14 : memref<!tpu.dma_semaphore, #tpu.memory_space<semaphore_mem>>)
      %add3A_470 = arith.constant 1 : i32
      %add3A_471 = arith.addi %add3A_457, %add3A_470 : i32
      %dma_start3A_472 = arith.constant 4096 : i32
      %dma_start3A_473 = tpu.memref_slice %arg10[%dma_start3A_472] : memref<16384xf32, #tpu.memory_space<vmem>> -> memref<4096xf32, #tpu.memory_space<vmem>>
      %dma_start3A_474 = arith.constant 0 : i32
      %dma_start3A_475 = tpu.memref_slice %arg4[%add3A_471, %dma_start3A_474] : memref<16384x4096xf32, #tpu.memory_space<hbm>> -> memref<1x4096xf32, #tpu.memory_space<hbm>>
      %dma_start3A_476 = tpu.memref_squeeze %dma_start3A_475 : memref<1x4096xf32, #tpu.memory_space<hbm>> -> memref<4096xf32, #tpu.memory_space<hbm>>
      %dma_start3A_477 = arith.constant 0 : i32
      %dma_start3A_478 = tpu.memref_slice %arg4[%add3A_471, %dma_start3A_477] : memref<16384x4096xf32, #tpu.memory_space<hbm>> -> memref<1x4096xf32, #tpu.memory_space<hbm>>
      %dma_start3A_479 = tpu.memref_squeeze %dma_start3A_478 : memref<1x4096xf32, #tpu.memory_space<hbm>> -> memref<4096xf32, #tpu.memory_space<hbm>>
      %dma_start3A_480 = arith.constant 4096 : i32
      %dma_start3A_481 = tpu.memref_slice %arg10[%dma_start3A_480] : memref<16384xf32, #tpu.memory_space<vmem>> -> memref<4096xf32, #tpu.memory_space<vmem>>
      tpu.enqueue_dma source(%dma_start3A_481 : memref<4096xf32, #tpu.memory_space<vmem>>) target(%dma_start3A_479 : memref<4096xf32, #tpu.memory_space<hbm>>) target_semaphore(%arg14 : memref<!tpu.dma_semaphore, #tpu.memory_space<semaphore_mem>>)
      %add3A_482 = arith.constant 2 : i32
      %add3A_483 = arith.addi %add3A_457, %add3A_482 : i32
      %dma_start3A_484 = arith.constant 8192 : i32
      %dma_start3A_485 = tpu.memref_slice %arg10[%dma_start3A_484] : memref<16384xf32, #tpu.memory_space<vmem>> -> memref<4096xf32, #tpu.memory_space<vmem>>
      %dma_start3A_486 = arith.constant 0 : i32
      %dma_start3A_487 = tpu.memref_slice %arg4[%add3A_483, %dma_start3A_486] : memref<16384x4096xf32, #tpu.memory_space<hbm>> -> memref<1x4096xf32, #tpu.memory_space<hbm>>
      %dma_start3A_488 = tpu.memref_squeeze %dma_start3A_487 : memref<1x4096xf32, #tpu.memory_space<hbm>> -> memref<4096xf32, #tpu.memory_space<hbm>>
      %dma_start3A_489 = arith.constant 0 : i32
      %dma_start3A_490 = tpu.memref_slice %arg4[%add3A_483, %dma_start3A_489] : memref<16384x4096xf32, #tpu.memory_space<hbm>> -> memref<1x4096xf32, #tpu.memory_space<hbm>>
      %dma_start3A_491 = tpu.memref_squeeze %dma_start3A_490 : memref<1x4096xf32, #tpu.memory_space<hbm>> -> memref<4096xf32, #tpu.memory_space<hbm>>
      %dma_start3A_492 = arith.constant 8192 : i32
      %dma_start3A_493 = tpu.memref_slice %arg10[%dma_start3A_492] : memref<16384xf32, #tpu.memory_space<vmem>> -> memref<4096xf32, #tpu.memory_space<vmem>>
      tpu.enqueue_dma source(%dma_start3A_493 : memref<4096xf32, #tpu.memory_space<vmem>>) target(%dma_start3A_491 : memref<4096xf32, #tpu.memory_space<hbm>>) target_semaphore(%arg14 : memref<!tpu.dma_semaphore, #tpu.memory_space<semaphore_mem>>)
      %add3A_494 = arith.constant 3 : i32
      %add3A_495 = arith.addi %add3A_457, %add3A_494 : i32
      %dma_start3A_496 = arith.constant 12288 : i32
      %dma_start3A_497 = tpu.memref_slice %arg10[%dma_start3A_496] : memref<16384xf32, #tpu.memory_space<vmem>> -> memref<4096xf32, #tpu.memory_space<vmem>>
      %dma_start3A_498 = arith.constant 0 : i32
      %dma_start3A_499 = tpu.memref_slice %arg4[%add3A_495, %dma_start3A_498] : memref<16384x4096xf32, #tpu.memory_space<hbm>> -> memref<1x4096xf32, #tpu.memory_space<hbm>>
      %dma_start3A_500 = tpu.memref_squeeze %dma_start3A_499 : memref<1x4096xf32, #tpu.memory_space<hbm>> -> memref<4096xf32, #tpu.memory_space<hbm>>
      %dma_start3A_501 = arith.constant 0 : i32
      %dma_start3A_502 = tpu.memref_slice %arg4[%add3A_495, %dma_start3A_501] : memref<16384x4096xf32, #tpu.memory_space<hbm>> -> memref<1x4096xf32, #tpu.memory_space<hbm>>
      %dma_start3A_503 = tpu.memref_squeeze %dma_start3A_502 : memref<1x4096xf32, #tpu.memory_space<hbm>> -> memref<4096xf32, #tpu.memory_space<hbm>>
      %dma_start3A_504 = arith.constant 12288 : i32
      %dma_start3A_505 = tpu.memref_slice %arg10[%dma_start3A_504] : memref<16384xf32, #tpu.memory_space<vmem>> -> memref<4096xf32, #tpu.memory_space<vmem>>
      tpu.enqueue_dma source(%dma_start3A_505 : memref<4096xf32, #tpu.memory_space<vmem>>) target(%dma_start3A_503 : memref<4096xf32, #tpu.memory_space<hbm>>) target_semaphore(%arg14 : memref<!tpu.dma_semaphore, #tpu.memory_space<semaphore_mem>>)
      %add3A_506 = arith.constant 2 : i32
      %add3A_507 = arith.addi %add3A_298, %add3A_506 : i32
      %lt3A = arith.constant 64 : i32
      %lt3A_508 = arith.cmpi slt, %add3A_507, %lt3A : i32
      %convert_element_type3A_509 = arith.extui %lt3A_508 : i1 to i32
      %cond3A_510 = arith.constant 0 : i32
      %cond3A_511 = arith.cmpi ne, %convert_element_type3A_509, %cond3A_510 : i32
      scf.if %cond3A_511 {
        %add3A_733 = arith.constant 2 : i32
        %add3A_734 = arith.addi %add3A_298, %add3A_733 : i32
        %mul3A_735 = arith.constant 8 : i32
        %mul3A_736 = arith.muli %add3A_734, %mul3A_735 : i32
        %add3A_737 = arith.addi %mul3A_2, %mul3A_736 : i32
        %add3A_738 = arith.constant 0 : i32
        %add3A_739 = arith.addi %add3A_737, %add3A_738 : i32
        %dma_start3A_740 = arith.constant 0 : i32
        %dma_start3A_741 = tpu.memref_slice %arg7[%dma_start3A_740] : memref<32768xf32, #tpu.memory_space<vmem>> -> memref<4096xf32, #tpu.memory_space<vmem>>
        %dma_start3A_742 = arith.constant 0 : i32
        %dma_start3A_743 = tpu.memref_slice %arg2[%add3A_739, %dma_start3A_742] : memref<16384x4096xf32, #tpu.memory_space<hbm>> -> memref<1x4096xf32, #tpu.memory_space<hbm>>
        %dma_start3A_744 = tpu.memref_squeeze %dma_start3A_743 : memref<1x4096xf32, #tpu.memory_space<hbm>> -> memref<4096xf32, #tpu.memory_space<hbm>>
        %dma_start3A_745 = arith.constant 0 : i32
        %dma_start3A_746 = tpu.memref_slice %arg7[%dma_start3A_745] : memref<32768xf32, #tpu.memory_space<vmem>> -> memref<4096xf32, #tpu.memory_space<vmem>>
        %dma_start3A_747 = arith.constant 0 : i32
        %dma_start3A_748 = tpu.memref_slice %arg2[%add3A_739, %dma_start3A_747] : memref<16384x4096xf32, #tpu.memory_space<hbm>> -> memref<1x4096xf32, #tpu.memory_space<hbm>>
        %dma_start3A_749 = tpu.memref_squeeze %dma_start3A_748 : memref<1x4096xf32, #tpu.memory_space<hbm>> -> memref<4096xf32, #tpu.memory_space<hbm>>
        tpu.enqueue_dma source(%dma_start3A_749 : memref<4096xf32, #tpu.memory_space<hbm>>) target(%dma_start3A_746 : memref<4096xf32, #tpu.memory_space<vmem>>) target_semaphore(%arg11 : memref<!tpu.dma_semaphore, #tpu.memory_space<semaphore_mem>>)
        %add3A_750 = arith.constant 1 : i32
        %add3A_751 = arith.addi %add3A_737, %add3A_750 : i32
        %dma_start3A_752 = arith.constant 4096 : i32
        %dma_start3A_753 = tpu.memref_slice %arg7[%dma_start3A_752] : memref<32768xf32, #tpu.memory_space<vmem>> -> memref<4096xf32, #tpu.memory_space<vmem>>
        %dma_start3A_754 = arith.constant 0 : i32
        %dma_start3A_755 = tpu.memref_slice %arg2[%add3A_751, %dma_start3A_754] : memref<16384x4096xf32, #tpu.memory_space<hbm>> -> memref<1x4096xf32, #tpu.memory_space<hbm>>
        %dma_start3A_756 = tpu.memref_squeeze %dma_start3A_755 : memref<1x4096xf32, #tpu.memory_space<hbm>> -> memref<4096xf32, #tpu.memory_space<hbm>>
        %dma_start3A_757 = arith.constant 4096 : i32
        %dma_start3A_758 = tpu.memref_slice %arg7[%dma_start3A_757] : memref<32768xf32, #tpu.memory_space<vmem>> -> memref<4096xf32, #tpu.memory_space<vmem>>
        %dma_start3A_759 = arith.constant 0 : i32
        %dma_start3A_760 = tpu.memref_slice %arg2[%add3A_751, %dma_start3A_759] : memref<16384x4096xf32, #tpu.memory_space<hbm>> -> memref<1x4096xf32, #tpu.memory_space<hbm>>
        %dma_start3A_761 = tpu.memref_squeeze %dma_start3A_760 : memref<1x4096xf32, #tpu.memory_space<hbm>> -> memref<4096xf32, #tpu.memory_space<hbm>>
        tpu.enqueue_dma source(%dma_start3A_761 : memref<4096xf32, #tpu.memory_space<hbm>>) target(%dma_start3A_758 : memref<4096xf32, #tpu.memory_space<vmem>>) target_semaphore(%arg11 : memref<!tpu.dma_semaphore, #tpu.memory_space<semaphore_mem>>)
        %add3A_762 = arith.constant 2 : i32
        %add3A_763 = arith.addi %add3A_737, %add3A_762 : i32
        %dma_start3A_764 = arith.constant 8192 : i32
        %dma_start3A_765 = tpu.memref_slice %arg7[%dma_start3A_764] : memref<32768xf32, #tpu.memory_space<vmem>> -> memref<4096xf32, #tpu.memory_space<vmem>>
        %dma_start3A_766 = arith.constant 0 : i32
        %dma_start3A_767 = tpu.memref_slice %arg2[%add3A_763, %dma_start3A_766] : memref<16384x4096xf32, #tpu.memory_space<hbm>> -> memref<1x4096xf32, #tpu.memory_space<hbm>>
        %dma_start3A_768 = tpu.memref_squeeze %dma_start3A_767 : memref<1x4096xf32, #tpu.memory_space<hbm>> -> memref<4096xf32, #tpu.memory_space<hbm>>
        %dma_start3A_769 = arith.constant 8192 : i32
        %dma_start3A_770 = tpu.memref_slice %arg7[%dma_start3A_769] : memref<32768xf32, #tpu.memory_space<vmem>> -> memref<4096xf32, #tpu.memory_space<vmem>>
        %dma_start3A_771 = arith.constant 0 : i32
        %dma_start3A_772 = tpu.memref_slice %arg2[%add3A_763, %dma_start3A_771] : memref<16384x4096xf32, #tpu.memory_space<hbm>> -> memref<1x4096xf32, #tpu.memory_space<hbm>>
        %dma_start3A_773 = tpu.memref_squeeze %dma_start3A_772 : memref<1x4096xf32, #tpu.memory_space<hbm>> -> memref<4096xf32, #tpu.memory_space<hbm>>
        tpu.enqueue_dma source(%dma_start3A_773 : memref<4096xf32, #tpu.memory_space<hbm>>) target(%dma_start3A_770 : memref<4096xf32, #tpu.memory_space<vmem>>) target_semaphore(%arg11 : memref<!tpu.dma_semaphore, #tpu.memory_space<semaphore_mem>>)
        %add3A_774 = arith.constant 3 : i32
        %add3A_775 = arith.addi %add3A_737, %add3A_774 : i32
        %dma_start3A_776 = arith.constant 12288 : i32
        %dma_start3A_777 = tpu.memref_slice %arg7[%dma_start3A_776] : memref<32768xf32, #tpu.memory_space<vmem>> -> memref<4096xf32, #tpu.memory_space<vmem>>
        %dma_start3A_778 = arith.constant 0 : i32
        %dma_start3A_779 = tpu.memref_slice %arg2[%add3A_775, %dma_start3A_778] : memref<16384x4096xf32, #tpu.memory_space<hbm>> -> memref<1x4096xf32, #tpu.memory_space<hbm>>
        %dma_start3A_780 = tpu.memref_squeeze %dma_start3A_779 : memref<1x4096xf32, #tpu.memory_space<hbm>> -> memref<4096xf32, #tpu.memory_space<hbm>>
        %dma_start3A_781 = arith.constant 12288 : i32
        %dma_start3A_782 = tpu.memref_slice %arg7[%dma_start3A_781] : memref<32768xf32, #tpu.memory_space<vmem>> -> memref<4096xf32, #tpu.memory_space<vmem>>
        %dma_start3A_783 = arith.constant 0 : i32
        %dma_start3A_784 = tpu.memref_slice %arg2[%add3A_775, %dma_start3A_783] : memref<16384x4096xf32, #tpu.memory_space<hbm>> -> memref<1x4096xf32, #tpu.memory_space<hbm>>
        %dma_start3A_785 = tpu.memref_squeeze %dma_start3A_784 : memref<1x4096xf32, #tpu.memory_space<hbm>> -> memref<4096xf32, #tpu.memory_space<hbm>>
        tpu.enqueue_dma source(%dma_start3A_785 : memref<4096xf32, #tpu.memory_space<hbm>>) target(%dma_start3A_782 : memref<4096xf32, #tpu.memory_space<vmem>>) target_semaphore(%arg11 : memref<!tpu.dma_semaphore, #tpu.memory_space<semaphore_mem>>)
        %add3A_786 = arith.constant 4 : i32
        %add3A_787 = arith.addi %add3A_737, %add3A_786 : i32
        %dma_start3A_788 = arith.constant 16384 : i32
        %dma_start3A_789 = tpu.memref_slice %arg7[%dma_start3A_788] : memref<32768xf32, #tpu.memory_space<vmem>> -> memref<4096xf32, #tpu.memory_space<vmem>>
        %dma_start3A_790 = arith.constant 0 : i32
        %dma_start3A_791 = tpu.memref_slice %arg2[%add3A_787, %dma_start3A_790] : memref<16384x4096xf32, #tpu.memory_space<hbm>> -> memref<1x4096xf32, #tpu.memory_space<hbm>>
        %dma_start3A_792 = tpu.memref_squeeze %dma_start3A_791 : memref<1x4096xf32, #tpu.memory_space<hbm>> -> memref<4096xf32, #tpu.memory_space<hbm>>
        %dma_start3A_793 = arith.constant 16384 : i32
        %dma_start3A_794 = tpu.memref_slice %arg7[%dma_start3A_793] : memref<32768xf32, #tpu.memory_space<vmem>> -> memref<4096xf32, #tpu.memory_space<vmem>>
        %dma_start3A_795 = arith.constant 0 : i32
        %dma_start3A_796 = tpu.memref_slice %arg2[%add3A_787, %dma_start3A_795] : memref<16384x4096xf32, #tpu.memory_space<hbm>> -> memref<1x4096xf32, #tpu.memory_space<hbm>>
        %dma_start3A_797 = tpu.memref_squeeze %dma_start3A_796 : memref<1x4096xf32, #tpu.memory_space<hbm>> -> memref<4096xf32, #tpu.memory_space<hbm>>
        tpu.enqueue_dma source(%dma_start3A_797 : memref<4096xf32, #tpu.memory_space<hbm>>) target(%dma_start3A_794 : memref<4096xf32, #tpu.memory_space<vmem>>) target_semaphore(%arg11 : memref<!tpu.dma_semaphore, #tpu.memory_space<semaphore_mem>>)
        %add3A_798 = arith.constant 5 : i32
        %add3A_799 = arith.addi %add3A_737, %add3A_798 : i32
        %dma_start3A_800 = arith.constant 20480 : i32
        %dma_start3A_801 = tpu.memref_slice %arg7[%dma_start3A_800] : memref<32768xf32, #tpu.memory_space<vmem>> -> memref<4096xf32, #tpu.memory_space<vmem>>
        %dma_start3A_802 = arith.constant 0 : i32
        %dma_start3A_803 = tpu.memref_slice %arg2[%add3A_799, %dma_start3A_802] : memref<16384x4096xf32, #tpu.memory_space<hbm>> -> memref<1x4096xf32, #tpu.memory_space<hbm>>
        %dma_start3A_804 = tpu.memref_squeeze %dma_start3A_803 : memref<1x4096xf32, #tpu.memory_space<hbm>> -> memref<4096xf32, #tpu.memory_space<hbm>>
        %dma_start3A_805 = arith.constant 20480 : i32
        %dma_start3A_806 = tpu.memref_slice %arg7[%dma_start3A_805] : memref<32768xf32, #tpu.memory_space<vmem>> -> memref<4096xf32, #tpu.memory_space<vmem>>
        %dma_start3A_807 = arith.constant 0 : i32
        %dma_start3A_808 = tpu.memref_slice %arg2[%add3A_799, %dma_start3A_807] : memref<16384x4096xf32, #tpu.memory_space<hbm>> -> memref<1x4096xf32, #tpu.memory_space<hbm>>
        %dma_start3A_809 = tpu.memref_squeeze %dma_start3A_808 : memref<1x4096xf32, #tpu.memory_space<hbm>> -> memref<4096xf32, #tpu.memory_space<hbm>>
        tpu.enqueue_dma source(%dma_start3A_809 : memref<4096xf32, #tpu.memory_space<hbm>>) target(%dma_start3A_806 : memref<4096xf32, #tpu.memory_space<vmem>>) target_semaphore(%arg11 : memref<!tpu.dma_semaphore, #tpu.memory_space<semaphore_mem>>)
        %add3A_810 = arith.constant 6 : i32
        %add3A_811 = arith.addi %add3A_737, %add3A_810 : i32
        %dma_start3A_812 = arith.constant 24576 : i32
        %dma_start3A_813 = tpu.memref_slice %arg7[%dma_start3A_812] : memref<32768xf32, #tpu.memory_space<vmem>> -> memref<4096xf32, #tpu.memory_space<vmem>>
        %dma_start3A_814 = arith.constant 0 : i32
        %dma_start3A_815 = tpu.memref_slice %arg2[%add3A_811, %dma_start3A_814] : memref<16384x4096xf32, #tpu.memory_space<hbm>> -> memref<1x4096xf32, #tpu.memory_space<hbm>>
        %dma_start3A_816 = tpu.memref_squeeze %dma_start3A_815 : memref<1x4096xf32, #tpu.memory_space<hbm>> -> memref<4096xf32, #tpu.memory_space<hbm>>
        %dma_start3A_817 = arith.constant 24576 : i32
        %dma_start3A_818 = tpu.memref_slice %arg7[%dma_start3A_817] : memref<32768xf32, #tpu.memory_space<vmem>> -> memref<4096xf32, #tpu.memory_space<vmem>>
        %dma_start3A_819 = arith.constant 0 : i32
        %dma_start3A_820 = tpu.memref_slice %arg2[%add3A_811, %dma_start3A_819] : memref<16384x4096xf32, #tpu.memory_space<hbm>> -> memref<1x4096xf32, #tpu.memory_space<hbm>>
        %dma_start3A_821 = tpu.memref_squeeze %dma_start3A_820 : memref<1x4096xf32, #tpu.memory_space<hbm>> -> memref<4096xf32, #tpu.memory_space<hbm>>
        tpu.enqueue_dma source(%dma_start3A_821 : memref<4096xf32, #tpu.memory_space<hbm>>) target(%dma_start3A_818 : memref<4096xf32, #tpu.memory_space<vmem>>) target_semaphore(%arg11 : memref<!tpu.dma_semaphore, #tpu.memory_space<semaphore_mem>>)
        %add3A_822 = arith.constant 7 : i32
        %add3A_823 = arith.addi %add3A_737, %add3A_822 : i32
        %dma_start3A_824 = arith.constant 28672 : i32
        %dma_start3A_825 = tpu.memref_slice %arg7[%dma_start3A_824] : memref<32768xf32, #tpu.memory_space<vmem>> -> memref<4096xf32, #tpu.memory_space<vmem>>
        %dma_start3A_826 = arith.constant 0 : i32
        %dma_start3A_827 = tpu.memref_slice %arg2[%add3A_823, %dma_start3A_826] : memref<16384x4096xf32, #tpu.memory_space<hbm>> -> memref<1x4096xf32, #tpu.memory_space<hbm>>
        %dma_start3A_828 = tpu.memref_squeeze %dma_start3A_827 : memref<1x4096xf32, #tpu.memory_space<hbm>> -> memref<4096xf32, #tpu.memory_space<hbm>>
        %dma_start3A_829 = arith.constant 28672 : i32
        %dma_start3A_830 = tpu.memref_slice %arg7[%dma_start3A_829] : memref<32768xf32, #tpu.memory_space<vmem>> -> memref<4096xf32, #tpu.memory_space<vmem>>
        %dma_start3A_831 = arith.constant 0 : i32
        %dma_start3A_832 = tpu.memref_slice %arg2[%add3A_823, %dma_start3A_831] : memref<16384x4096xf32, #tpu.memory_space<hbm>> -> memref<1x4096xf32, #tpu.memory_space<hbm>>
        %dma_start3A_833 = tpu.memref_squeeze %dma_start3A_832 : memref<1x4096xf32, #tpu.memory_space<hbm>> -> memref<4096xf32, #tpu.memory_space<hbm>>
        tpu.enqueue_dma source(%dma_start3A_833 : memref<4096xf32, #tpu.memory_space<hbm>>) target(%dma_start3A_830 : memref<4096xf32, #tpu.memory_space<vmem>>) target_semaphore(%arg11 : memref<!tpu.dma_semaphore, #tpu.memory_space<semaphore_mem>>)
      } else {
      }
      %mul3A_512 = arith.constant 2 : i32
      %mul3A_513 = arith.muli %scan3A_294, %mul3A_512 : i32
      %add3A_514 = arith.constant 1 : i32
      %add3A_515 = arith.addi %mul3A_513, %add3A_514 : i32
      %dma_wait3A_516 = arith.constant 0 : i32
      %dma_wait3A_517 = arith.constant 0 : i32
      %dma_wait3A_518 = tpu.memref_slice %arg8[%dma_wait3A_517] : memref<32768xf32, #tpu.memory_space<vmem>> -> memref<4096xf32, #tpu.memory_space<vmem>>
      %dma_wait3A_519 = arith.constant 0 : i32
      %dma_wait3A_520 = tpu.memref_slice %arg2[%dma_wait3A_516, %dma_wait3A_519] : memref<16384x4096xf32, #tpu.memory_space<hbm>> -> memref<1x4096xf32, #tpu.memory_space<hbm>>
      %dma_wait3A_521 = tpu.memref_squeeze %dma_wait3A_520 : memref<1x4096xf32, #tpu.memory_space<hbm>> -> memref<4096xf32, #tpu.memory_space<hbm>>
      %dma_wait3A_522 = arith.constant 0 : i32
      %dma_wait3A_523 = tpu.memref_slice %arg8[%dma_wait3A_522] : memref<32768xf32, #tpu.memory_space<vmem>> -> memref<4096xf32, #tpu.memory_space<vmem>>
      %dma_wait3A_524 = arith.constant 0 : i32
      %dma_wait3A_525 = tpu.memref_slice %arg2[%dma_wait3A_516, %dma_wait3A_524] : memref<16384x4096xf32, #tpu.memory_space<hbm>> -> memref<1x4096xf32, #tpu.memory_space<hbm>>
      %dma_wait3A_526 = tpu.memref_squeeze %dma_wait3A_525 : memref<1x4096xf32, #tpu.memory_space<hbm>> -> memref<4096xf32, #tpu.memory_space<hbm>>
      tpu.wait_dma2 semaphore(%arg12 : memref<!tpu.dma_semaphore, #tpu.memory_space<semaphore_mem>>) src(%dma_wait3A_526 : memref<4096xf32, #tpu.memory_space<hbm>>) dst(%dma_wait3A_523 : memref<4096xf32, #tpu.memory_space<vmem>>)
      %dma_wait3A_527 = arith.constant 0 : i32
      %dma_wait3A_528 = arith.constant 4096 : i32
      %dma_wait3A_529 = tpu.memref_slice %arg8[%dma_wait3A_528] : memref<32768xf32, #tpu.memory_space<vmem>> -> memref<4096xf32, #tpu.memory_space<vmem>>
      %dma_wait3A_530 = arith.constant 0 : i32
      %dma_wait3A_531 = tpu.memref_slice %arg2[%dma_wait3A_527, %dma_wait3A_530] : memref<16384x4096xf32, #tpu.memory_space<hbm>> -> memref<1x4096xf32, #tpu.memory_space<hbm>>
      %dma_wait3A_532 = tpu.memref_squeeze %dma_wait3A_531 : memref<1x4096xf32, #tpu.memory_space<hbm>> -> memref<4096xf32, #tpu.memory_space<hbm>>
      %dma_wait3A_533 = arith.constant 4096 : i32
      %dma_wait3A_534 = tpu.memref_slice %arg8[%dma_wait3A_533] : memref<32768xf32, #tpu.memory_space<vmem>> -> memref<4096xf32, #tpu.memory_space<vmem>>
      %dma_wait3A_535 = arith.constant 0 : i32
      %dma_wait3A_536 = tpu.memref_slice %arg2[%dma_wait3A_527, %dma_wait3A_535] : memref<16384x4096xf32, #tpu.memory_space<hbm>> -> memref<1x4096xf32, #tpu.memory_space<hbm>>
      %dma_wait3A_537 = tpu.memref_squeeze %dma_wait3A_536 : memref<1x4096xf32, #tpu.memory_space<hbm>> -> memref<4096xf32, #tpu.memory_space<hbm>>
      tpu.wait_dma2 semaphore(%arg12 : memref<!tpu.dma_semaphore, #tpu.memory_space<semaphore_mem>>) src(%dma_wait3A_537 : memref<4096xf32, #tpu.memory_space<hbm>>) dst(%dma_wait3A_534 : memref<4096xf32, #tpu.memory_space<vmem>>)
      %dma_wait3A_538 = arith.constant 0 : i32
      %dma_wait3A_539 = arith.constant 8192 : i32
      %dma_wait3A_540 = tpu.memref_slice %arg8[%dma_wait3A_539] : memref<32768xf32, #tpu.memory_space<vmem>> -> memref<4096xf32, #tpu.memory_space<vmem>>
      %dma_wait3A_541 = arith.constant 0 : i32
      %dma_wait3A_542 = tpu.memref_slice %arg2[%dma_wait3A_538, %dma_wait3A_541] : memref<16384x4096xf32, #tpu.memory_space<hbm>> -> memref<1x4096xf32, #tpu.memory_space<hbm>>
      %dma_wait3A_543 = tpu.memref_squeeze %dma_wait3A_542 : memref<1x4096xf32, #tpu.memory_space<hbm>> -> memref<4096xf32, #tpu.memory_space<hbm>>
      %dma_wait3A_544 = arith.constant 8192 : i32
      %dma_wait3A_545 = tpu.memref_slice %arg8[%dma_wait3A_544] : memref<32768xf32, #tpu.memory_space<vmem>> -> memref<4096xf32, #tpu.memory_space<vmem>>
      %dma_wait3A_546 = arith.constant 0 : i32
      %dma_wait3A_547 = tpu.memref_slice %arg2[%dma_wait3A_538, %dma_wait3A_546] : memref<16384x4096xf32, #tpu.memory_space<hbm>> -> memref<1x4096xf32, #tpu.memory_space<hbm>>
      %dma_wait3A_548 = tpu.memref_squeeze %dma_wait3A_547 : memref<1x4096xf32, #tpu.memory_space<hbm>> -> memref<4096xf32, #tpu.memory_space<hbm>>
      tpu.wait_dma2 semaphore(%arg12 : memref<!tpu.dma_semaphore, #tpu.memory_space<semaphore_mem>>) src(%dma_wait3A_548 : memref<4096xf32, #tpu.memory_space<hbm>>) dst(%dma_wait3A_545 : memref<4096xf32, #tpu.memory_space<vmem>>)
      %dma_wait3A_549 = arith.constant 0 : i32
      %dma_wait3A_550 = arith.constant 12288 : i32
      %dma_wait3A_551 = tpu.memref_slice %arg8[%dma_wait3A_550] : memref<32768xf32, #tpu.memory_space<vmem>> -> memref<4096xf32, #tpu.memory_space<vmem>>
      %dma_wait3A_552 = arith.constant 0 : i32
      %dma_wait3A_553 = tpu.memref_slice %arg2[%dma_wait3A_549, %dma_wait3A_552] : memref<16384x4096xf32, #tpu.memory_space<hbm>> -> memref<1x4096xf32, #tpu.memory_space<hbm>>
      %dma_wait3A_554 = tpu.memref_squeeze %dma_wait3A_553 : memref<1x4096xf32, #tpu.memory_space<hbm>> -> memref<4096xf32, #tpu.memory_space<hbm>>
      %dma_wait3A_555 = arith.constant 12288 : i32
      %dma_wait3A_556 = tpu.memref_slice %arg8[%dma_wait3A_555] : memref<32768xf32, #tpu.memory_space<vmem>> -> memref<4096xf32, #tpu.memory_space<vmem>>
      %dma_wait3A_557 = arith.constant 0 : i32
      %dma_wait3A_558 = tpu.memref_slice %arg2[%dma_wait3A_549, %dma_wait3A_557] : memref<16384x4096xf32, #tpu.memory_space<hbm>> -> memref<1x4096xf32, #tpu.memory_space<hbm>>
      %dma_wait3A_559 = tpu.memref_squeeze %dma_wait3A_558 : memref<1x4096xf32, #tpu.memory_space<hbm>> -> memref<4096xf32, #tpu.memory_space<hbm>>
      tpu.wait_dma2 semaphore(%arg12 : memref<!tpu.dma_semaphore, #tpu.memory_space<semaphore_mem>>) src(%dma_wait3A_559 : memref<4096xf32, #tpu.memory_space<hbm>>) dst(%dma_wait3A_556 : memref<4096xf32, #tpu.memory_space<vmem>>)
      %dma_wait3A_560 = arith.constant 0 : i32
      %dma_wait3A_561 = arith.constant 16384 : i32
      %dma_wait3A_562 = tpu.memref_slice %arg8[%dma_wait3A_561] : memref<32768xf32, #tpu.memory_space<vmem>> -> memref<4096xf32, #tpu.memory_space<vmem>>
      %dma_wait3A_563 = arith.constant 0 : i32
      %dma_wait3A_564 = tpu.memref_slice %arg2[%dma_wait3A_560, %dma_wait3A_563] : memref<16384x4096xf32, #tpu.memory_space<hbm>> -> memref<1x4096xf32, #tpu.memory_space<hbm>>
      %dma_wait3A_565 = tpu.memref_squeeze %dma_wait3A_564 : memref<1x4096xf32, #tpu.memory_space<hbm>> -> memref<4096xf32, #tpu.memory_space<hbm>>
      %dma_wait3A_566 = arith.constant 16384 : i32
      %dma_wait3A_567 = tpu.memref_slice %arg8[%dma_wait3A_566] : memref<32768xf32, #tpu.memory_space<vmem>> -> memref<4096xf32, #tpu.memory_space<vmem>>
      %dma_wait3A_568 = arith.constant 0 : i32
      %dma_wait3A_569 = tpu.memref_slice %arg2[%dma_wait3A_560, %dma_wait3A_568] : memref<16384x4096xf32, #tpu.memory_space<hbm>> -> memref<1x4096xf32, #tpu.memory_space<hbm>>
      %dma_wait3A_570 = tpu.memref_squeeze %dma_wait3A_569 : memref<1x4096xf32, #tpu.memory_space<hbm>> -> memref<4096xf32, #tpu.memory_space<hbm>>
      tpu.wait_dma2 semaphore(%arg12 : memref<!tpu.dma_semaphore, #tpu.memory_space<semaphore_mem>>) src(%dma_wait3A_570 : memref<4096xf32, #tpu.memory_space<hbm>>) dst(%dma_wait3A_567 : memref<4096xf32, #tpu.memory_space<vmem>>)
      %dma_wait3A_571 = arith.constant 0 : i32
      %dma_wait3A_572 = arith.constant 20480 : i32
      %dma_wait3A_573 = tpu.memref_slice %arg8[%dma_wait3A_572] : memref<32768xf32, #tpu.memory_space<vmem>> -> memref<4096xf32, #tpu.memory_space<vmem>>
      %dma_wait3A_574 = arith.constant 0 : i32
      %dma_wait3A_575 = tpu.memref_slice %arg2[%dma_wait3A_571, %dma_wait3A_574] : memref<16384x4096xf32, #tpu.memory_space<hbm>> -> memref<1x4096xf32, #tpu.memory_space<hbm>>
      %dma_wait3A_576 = tpu.memref_squeeze %dma_wait3A_575 : memref<1x4096xf32, #tpu.memory_space<hbm>> -> memref<4096xf32, #tpu.memory_space<hbm>>
      %dma_wait3A_577 = arith.constant 20480 : i32
      %dma_wait3A_578 = tpu.memref_slice %arg8[%dma_wait3A_577] : memref<32768xf32, #tpu.memory_space<vmem>> -> memref<4096xf32, #tpu.memory_space<vmem>>
      %dma_wait3A_579 = arith.constant 0 : i32
      %dma_wait3A_580 = tpu.memref_slice %arg2[%dma_wait3A_571, %dma_wait3A_579] : memref<16384x4096xf32, #tpu.memory_space<hbm>> -> memref<1x4096xf32, #tpu.memory_space<hbm>>
      %dma_wait3A_581 = tpu.memref_squeeze %dma_wait3A_580 : memref<1x4096xf32, #tpu.memory_space<hbm>> -> memref<4096xf32, #tpu.memory_space<hbm>>
      tpu.wait_dma2 semaphore(%arg12 : memref<!tpu.dma_semaphore, #tpu.memory_space<semaphore_mem>>) src(%dma_wait3A_581 : memref<4096xf32, #tpu.memory_space<hbm>>) dst(%dma_wait3A_578 : memref<4096xf32, #tpu.memory_space<vmem>>)
      %dma_wait3A_582 = arith.constant 0 : i32
      %dma_wait3A_583 = arith.constant 24576 : i32
      %dma_wait3A_584 = tpu.memref_slice %arg8[%dma_wait3A_583] : memref<32768xf32, #tpu.memory_space<vmem>> -> memref<4096xf32, #tpu.memory_space<vmem>>
      %dma_wait3A_585 = arith.constant 0 : i32
      %dma_wait3A_586 = tpu.memref_slice %arg2[%dma_wait3A_582, %dma_wait3A_585] : memref<16384x4096xf32, #tpu.memory_space<hbm>> -> memref<1x4096xf32, #tpu.memory_space<hbm>>
      %dma_wait3A_587 = tpu.memref_squeeze %dma_wait3A_586 : memref<1x4096xf32, #tpu.memory_space<hbm>> -> memref<4096xf32, #tpu.memory_space<hbm>>
      %dma_wait3A_588 = arith.constant 24576 : i32
      %dma_wait3A_589 = tpu.memref_slice %arg8[%dma_wait3A_588] : memref<32768xf32, #tpu.memory_space<vmem>> -> memref<4096xf32, #tpu.memory_space<vmem>>
      %dma_wait3A_590 = arith.constant 0 : i32
      %dma_wait3A_591 = tpu.memref_slice %arg2[%dma_wait3A_582, %dma_wait3A_590] : memref<16384x4096xf32, #tpu.memory_space<hbm>> -> memref<1x4096xf32, #tpu.memory_space<hbm>>
      %dma_wait3A_592 = tpu.memref_squeeze %dma_wait3A_591 : memref<1x4096xf32, #tpu.memory_space<hbm>> -> memref<4096xf32, #tpu.memory_space<hbm>>
      tpu.wait_dma2 semaphore(%arg12 : memref<!tpu.dma_semaphore, #tpu.memory_space<semaphore_mem>>) src(%dma_wait3A_592 : memref<4096xf32, #tpu.memory_space<hbm>>) dst(%dma_wait3A_589 : memref<4096xf32, #tpu.memory_space<vmem>>)
      %dma_wait3A_593 = arith.constant 0 : i32
      %dma_wait3A_594 = arith.constant 28672 : i32
      %dma_wait3A_595 = tpu.memref_slice %arg8[%dma_wait3A_594] : memref<32768xf32, #tpu.memory_space<vmem>> -> memref<4096xf32, #tpu.memory_space<vmem>>
      %dma_wait3A_596 = arith.constant 0 : i32
      %dma_wait3A_597 = tpu.memref_slice %arg2[%dma_wait3A_593, %dma_wait3A_596] : memref<16384x4096xf32, #tpu.memory_space<hbm>> -> memref<1x4096xf32, #tpu.memory_space<hbm>>
      %dma_wait3A_598 = tpu.memref_squeeze %dma_wait3A_597 : memref<1x4096xf32, #tpu.memory_space<hbm>> -> memref<4096xf32, #tpu.memory_space<hbm>>
      %dma_wait3A_599 = arith.constant 28672 : i32
      %dma_wait3A_600 = tpu.memref_slice %arg8[%dma_wait3A_599] : memref<32768xf32, #tpu.memory_space<vmem>> -> memref<4096xf32, #tpu.memory_space<vmem>>
      %dma_wait3A_601 = arith.constant 0 : i32
      %dma_wait3A_602 = tpu.memref_slice %arg2[%dma_wait3A_593, %dma_wait3A_601] : memref<16384x4096xf32, #tpu.memory_space<hbm>> -> memref<1x4096xf32, #tpu.memory_space<hbm>>
      %dma_wait3A_603 = tpu.memref_squeeze %dma_wait3A_602 : memref<1x4096xf32, #tpu.memory_space<hbm>> -> memref<4096xf32, #tpu.memory_space<hbm>>
      tpu.wait_dma2 semaphore(%arg12 : memref<!tpu.dma_semaphore, #tpu.memory_space<semaphore_mem>>) src(%dma_wait3A_603 : memref<4096xf32, #tpu.memory_space<hbm>>) dst(%dma_wait3A_600 : memref<4096xf32, #tpu.memory_space<vmem>>)
      %ge3A_604 = arith.constant 1 : i32
      %ge3A_605 = arith.cmpi sge, %add3A_515, %ge3A_604 : i32
      %convert_element_type3A_606 = arith.extui %ge3A_605 : i1 to i32
      %cond3A_607 = arith.constant 0 : i32
      %cond3A_608 = arith.cmpi ne, %convert_element_type3A_606, %cond3A_607 : i32
      scf.if %cond3A_608 {
        %dma_wait3A_733 = arith.constant 0 : i32
        %dma_wait3A_734 = arith.constant 0 : i32
        %dma_wait3A_735 = tpu.memref_slice %arg9[%dma_wait3A_734] : memref<16384xf32, #tpu.memory_space<vmem>> -> memref<4096xf32, #tpu.memory_space<vmem>>
        %dma_wait3A_736 = arith.constant 0 : i32
        %dma_wait3A_737 = tpu.memref_slice %arg4[%dma_wait3A_733, %dma_wait3A_736] : memref<16384x4096xf32, #tpu.memory_space<hbm>> -> memref<1x4096xf32, #tpu.memory_space<hbm>>
        %dma_wait3A_738 = tpu.memref_squeeze %dma_wait3A_737 : memref<1x4096xf32, #tpu.memory_space<hbm>> -> memref<4096xf32, #tpu.memory_space<hbm>>
        %dma_wait3A_739 = arith.constant 0 : i32
        %dma_wait3A_740 = tpu.memref_slice %arg4[%dma_wait3A_733, %dma_wait3A_739] : memref<16384x4096xf32, #tpu.memory_space<hbm>> -> memref<1x4096xf32, #tpu.memory_space<hbm>>
        %dma_wait3A_741 = tpu.memref_squeeze %dma_wait3A_740 : memref<1x4096xf32, #tpu.memory_space<hbm>> -> memref<4096xf32, #tpu.memory_space<hbm>>
        %dma_wait3A_742 = arith.constant 0 : i32
        %dma_wait3A_743 = tpu.memref_slice %arg9[%dma_wait3A_742] : memref<16384xf32, #tpu.memory_space<vmem>> -> memref<4096xf32, #tpu.memory_space<vmem>>
        tpu.wait_dma2 semaphore(%arg13 : memref<!tpu.dma_semaphore, #tpu.memory_space<semaphore_mem>>) src(%dma_wait3A_743 : memref<4096xf32, #tpu.memory_space<vmem>>) dst(%dma_wait3A_741 : memref<4096xf32, #tpu.memory_space<hbm>>)
        %dma_wait3A_744 = arith.constant 0 : i32
        %dma_wait3A_745 = arith.constant 4096 : i32
        %dma_wait3A_746 = tpu.memref_slice %arg9[%dma_wait3A_745] : memref<16384xf32, #tpu.memory_space<vmem>> -> memref<4096xf32, #tpu.memory_space<vmem>>
        %dma_wait3A_747 = arith.constant 0 : i32
        %dma_wait3A_748 = tpu.memref_slice %arg4[%dma_wait3A_744, %dma_wait3A_747] : memref<16384x4096xf32, #tpu.memory_space<hbm>> -> memref<1x4096xf32, #tpu.memory_space<hbm>>
        %dma_wait3A_749 = tpu.memref_squeeze %dma_wait3A_748 : memref<1x4096xf32, #tpu.memory_space<hbm>> -> memref<4096xf32, #tpu.memory_space<hbm>>
        %dma_wait3A_750 = arith.constant 0 : i32
        %dma_wait3A_751 = tpu.memref_slice %arg4[%dma_wait3A_744, %dma_wait3A_750] : memref<16384x4096xf32, #tpu.memory_space<hbm>> -> memref<1x4096xf32, #tpu.memory_space<hbm>>
        %dma_wait3A_752 = tpu.memref_squeeze %dma_wait3A_751 : memref<1x4096xf32, #tpu.memory_space<hbm>> -> memref<4096xf32, #tpu.memory_space<hbm>>
        %dma_wait3A_753 = arith.constant 4096 : i32
        %dma_wait3A_754 = tpu.memref_slice %arg9[%dma_wait3A_753] : memref<16384xf32, #tpu.memory_space<vmem>> -> memref<4096xf32, #tpu.memory_space<vmem>>
        tpu.wait_dma2 semaphore(%arg13 : memref<!tpu.dma_semaphore, #tpu.memory_space<semaphore_mem>>) src(%dma_wait3A_754 : memref<4096xf32, #tpu.memory_space<vmem>>) dst(%dma_wait3A_752 : memref<4096xf32, #tpu.memory_space<hbm>>)
        %dma_wait3A_755 = arith.constant 0 : i32
        %dma_wait3A_756 = arith.constant 8192 : i32
        %dma_wait3A_757 = tpu.memref_slice %arg9[%dma_wait3A_756] : memref<16384xf32, #tpu.memory_space<vmem>> -> memref<4096xf32, #tpu.memory_space<vmem>>
        %dma_wait3A_758 = arith.constant 0 : i32
        %dma_wait3A_759 = tpu.memref_slice %arg4[%dma_wait3A_755, %dma_wait3A_758] : memref<16384x4096xf32, #tpu.memory_space<hbm>> -> memref<1x4096xf32, #tpu.memory_space<hbm>>
        %dma_wait3A_760 = tpu.memref_squeeze %dma_wait3A_759 : memref<1x4096xf32, #tpu.memory_space<hbm>> -> memref<4096xf32, #tpu.memory_space<hbm>>
        %dma_wait3A_761 = arith.constant 0 : i32
        %dma_wait3A_762 = tpu.memref_slice %arg4[%dma_wait3A_755, %dma_wait3A_761] : memref<16384x4096xf32, #tpu.memory_space<hbm>> -> memref<1x4096xf32, #tpu.memory_space<hbm>>
        %dma_wait3A_763 = tpu.memref_squeeze %dma_wait3A_762 : memref<1x4096xf32, #tpu.memory_space<hbm>> -> memref<4096xf32, #tpu.memory_space<hbm>>
        %dma_wait3A_764 = arith.constant 8192 : i32
        %dma_wait3A_765 = tpu.memref_slice %arg9[%dma_wait3A_764] : memref<16384xf32, #tpu.memory_space<vmem>> -> memref<4096xf32, #tpu.memory_space<vmem>>
        tpu.wait_dma2 semaphore(%arg13 : memref<!tpu.dma_semaphore, #tpu.memory_space<semaphore_mem>>) src(%dma_wait3A_765 : memref<4096xf32, #tpu.memory_space<vmem>>) dst(%dma_wait3A_763 : memref<4096xf32, #tpu.memory_space<hbm>>)
        %dma_wait3A_766 = arith.constant 0 : i32
        %dma_wait3A_767 = arith.constant 12288 : i32
        %dma_wait3A_768 = tpu.memref_slice %arg9[%dma_wait3A_767] : memref<16384xf32, #tpu.memory_space<vmem>> -> memref<4096xf32, #tpu.memory_space<vmem>>
        %dma_wait3A_769 = arith.constant 0 : i32
        %dma_wait3A_770 = tpu.memref_slice %arg4[%dma_wait3A_766, %dma_wait3A_769] : memref<16384x4096xf32, #tpu.memory_space<hbm>> -> memref<1x4096xf32, #tpu.memory_space<hbm>>
        %dma_wait3A_771 = tpu.memref_squeeze %dma_wait3A_770 : memref<1x4096xf32, #tpu.memory_space<hbm>> -> memref<4096xf32, #tpu.memory_space<hbm>>
        %dma_wait3A_772 = arith.constant 0 : i32
        %dma_wait3A_773 = tpu.memref_slice %arg4[%dma_wait3A_766, %dma_wait3A_772] : memref<16384x4096xf32, #tpu.memory_space<hbm>> -> memref<1x4096xf32, #tpu.memory_space<hbm>>
        %dma_wait3A_774 = tpu.memref_squeeze %dma_wait3A_773 : memref<1x4096xf32, #tpu.memory_space<hbm>> -> memref<4096xf32, #tpu.memory_space<hbm>>
        %dma_wait3A_775 = arith.constant 12288 : i32
        %dma_wait3A_776 = tpu.memref_slice %arg9[%dma_wait3A_775] : memref<16384xf32, #tpu.memory_space<vmem>> -> memref<4096xf32, #tpu.memory_space<vmem>>
        tpu.wait_dma2 semaphore(%arg13 : memref<!tpu.dma_semaphore, #tpu.memory_space<semaphore_mem>>) src(%dma_wait3A_776 : memref<4096xf32, #tpu.memory_space<vmem>>) dst(%dma_wait3A_774 : memref<4096xf32, #tpu.memory_space<hbm>>)
      } else {
      }
      %parallel_loop3A_609 = arith.constant 0 : i32
      %parallel_loop3A_610 = arith.constant 256 : i32
      %parallel_loop3A_611 = arith.constant 1 : i32
      scf.for %parallel_loop3A_733 = %parallel_loop3A_609 to %parallel_loop3A_610 step %parallel_loop3A_611  : i32 {
        %parallel_loop3A_734 = arith.constant 16 : i32
        %parallel_loop3A_735 = arith.muli %parallel_loop3A_733, %parallel_loop3A_734 : i32
        %parallel_loop3A_736 = arith.index_cast %parallel_loop3A_735 : i32 to index
        %parallel_loop3A_737 = tpu.vector_load %arg6[%parallel_loop3A_736] {strides = array<i32>} : memref<4096xi32, #tpu.memory_space<vmem>>, vector<16xi32>,
        %parallel_loop3A_738 = arith.constant 0 : i32
        %parallel_loop3A_739 = vector.broadcast %parallel_loop3A_738 : i32 to vector<16xi32>
        %parallel_loop3A_740 = arith.addi %parallel_loop3A_737, %parallel_loop3A_739 : vector<16xi32>
        %parallel_loop3A_741 = tpu.vector_load_idx %arg8[%parallel_loop3A_740] : memref<32768xf32, #tpu.memory_space<vmem>>[vector<16xi32>], vector<16xf32>,
        %parallel_loop3A_742 = arith.constant 0 : i32
        %parallel_loop3A_743 = arith.addi %parallel_loop3A_742, %parallel_loop3A_735 : i32
        %parallel_loop3A_744 = arith.index_cast %parallel_loop3A_743 : i32 to index
        %parallel_loop3A_745 = tpu.vector_load %arg9[%parallel_loop3A_744] {strides = array<i32>} : memref<16384xf32, #tpu.memory_space<vmem>>, vector<16xf32>,
        tpu.vector_store %arg9[%parallel_loop3A_744], %parallel_loop3A_741 {strides = array<i32>} : memref<16384xf32, #tpu.memory_space<vmem>>, vector<16xf32>,
        %parallel_loop3A_746 = arith.constant 4096 : i32
        %parallel_loop3A_747 = vector.broadcast %parallel_loop3A_746 : i32 to vector<16xi32>
        %parallel_loop3A_748 = arith.addi %parallel_loop3A_737, %parallel_loop3A_747 : vector<16xi32>
        %parallel_loop3A_749 = tpu.vector_load_idx %arg8[%parallel_loop3A_748] : memref<32768xf32, #tpu.memory_space<vmem>>[vector<16xi32>], vector<16xf32>,
        %parallel_loop3A_750 = arith.constant 4096 : i32
        %parallel_loop3A_751 = arith.addi %parallel_loop3A_750, %parallel_loop3A_735 : i32
        %parallel_loop3A_752 = arith.index_cast %parallel_loop3A_751 : i32 to index
        %parallel_loop3A_753 = tpu.vector_load %arg9[%parallel_loop3A_752] {strides = array<i32>} : memref<16384xf32, #tpu.memory_space<vmem>>, vector<16xf32>,
        tpu.vector_store %arg9[%parallel_loop3A_752], %parallel_loop3A_749 {strides = array<i32>} : memref<16384xf32, #tpu.memory_space<vmem>>, vector<16xf32>,
        %parallel_loop3A_754 = arith.constant 8192 : i32
        %parallel_loop3A_755 = vector.broadcast %parallel_loop3A_754 : i32 to vector<16xi32>
        %parallel_loop3A_756 = arith.addi %parallel_loop3A_737, %parallel_loop3A_755 : vector<16xi32>
        %parallel_loop3A_757 = tpu.vector_load_idx %arg8[%parallel_loop3A_756] : memref<32768xf32, #tpu.memory_space<vmem>>[vector<16xi32>], vector<16xf32>,
        %parallel_loop3A_758 = arith.constant 8192 : i32
        %parallel_loop3A_759 = arith.addi %parallel_loop3A_758, %parallel_loop3A_735 : i32
        %parallel_loop3A_760 = arith.index_cast %parallel_loop3A_759 : i32 to index
        %parallel_loop3A_761 = tpu.vector_load %arg9[%parallel_loop3A_760] {strides = array<i32>} : memref<16384xf32, #tpu.memory_space<vmem>>, vector<16xf32>,
        tpu.vector_store %arg9[%parallel_loop3A_760], %parallel_loop3A_757 {strides = array<i32>} : memref<16384xf32, #tpu.memory_space<vmem>>, vector<16xf32>,
        %parallel_loop3A_762 = arith.constant 12288 : i32
        %parallel_loop3A_763 = vector.broadcast %parallel_loop3A_762 : i32 to vector<16xi32>
        %parallel_loop3A_764 = arith.addi %parallel_loop3A_737, %parallel_loop3A_763 : vector<16xi32>
        %parallel_loop3A_765 = tpu.vector_load_idx %arg8[%parallel_loop3A_764] : memref<32768xf32, #tpu.memory_space<vmem>>[vector<16xi32>], vector<16xf32>,
        %parallel_loop3A_766 = arith.constant 12288 : i32
        %parallel_loop3A_767 = arith.addi %parallel_loop3A_766, %parallel_loop3A_735 : i32
        %parallel_loop3A_768 = arith.index_cast %parallel_loop3A_767 : i32 to index
        %parallel_loop3A_769 = tpu.vector_load %arg9[%parallel_loop3A_768] {strides = array<i32>} : memref<16384xf32, #tpu.memory_space<vmem>>, vector<16xf32>,
        tpu.vector_store %arg9[%parallel_loop3A_768], %parallel_loop3A_765 {strides = array<i32>} : memref<16384xf32, #tpu.memory_space<vmem>>, vector<16xf32>,
      } {sc.loop_unroll_factor = 4 : i64, sc.parallel_access}
      %mul3A_612 = arith.constant 8 : i32
      %mul3A_613 = arith.muli %add3A_515, %mul3A_612 : i32
      %add3A_614 = arith.addi %mul3A_2, %mul3A_613 : i32
      %add3A_615 = arith.constant 0 : i32
      %add3A_616 = arith.addi %add3A_614, %add3A_615 : i32
      %add3A_617 = arith.constant 0 : i32
      %add3A_618 = arith.addi %add3A_616, %add3A_617 : i32
      %dma_start3A_619 = arith.constant 0 : i32
      %dma_start3A_620 = tpu.memref_slice %arg9[%dma_start3A_619] : memref<16384xf32, #tpu.memory_space<vmem>> -> memref<4096xf32, #tpu.memory_space<vmem>>
      %dma_start3A_621 = arith.constant 0 : i32
      %dma_start3A_622 = tpu.memref_slice %arg4[%add3A_618, %dma_start3A_621] : memref<16384x4096xf32, #tpu.memory_space<hbm>> -> memref<1x4096xf32, #tpu.memory_space<hbm>>
      %dma_start3A_623 = tpu.memref_squeeze %dma_start3A_622 : memref<1x4096xf32, #tpu.memory_space<hbm>> -> memref<4096xf32, #tpu.memory_space<hbm>>
      %dma_start3A_624 = arith.constant 0 : i32
      %dma_start3A_625 = tpu.memref_slice %arg4[%add3A_618, %dma_start3A_624] : memref<16384x4096xf32, #tpu.memory_space<hbm>> -> memref<1x4096xf32, #tpu.memory_space<hbm>>
      %dma_start3A_626 = tpu.memref_squeeze %dma_start3A_625 : memref<1x4096xf32, #tpu.memory_space<hbm>> -> memref<4096xf32, #tpu.memory_space<hbm>>
      %dma_start3A_627 = arith.constant 0 : i32
      %dma_start3A_628 = tpu.memref_slice %arg9[%dma_start3A_627] : memref<16384xf32, #tpu.memory_space<vmem>> -> memref<4096xf32, #tpu.memory_space<vmem>>
      tpu.enqueue_dma source(%dma_start3A_628 : memref<4096xf32, #tpu.memory_space<vmem>>) target(%dma_start3A_626 : memref<4096xf32, #tpu.memory_space<hbm>>) target_semaphore(%arg13 : memref<!tpu.dma_semaphore, #tpu.memory_space<semaphore_mem>>)
      %add3A_629 = arith.constant 1 : i32
      %add3A_630 = arith.addi %add3A_616, %add3A_629 : i32
      %dma_start3A_631 = arith.constant 4096 : i32
      %dma_start3A_632 = tpu.memref_slice %arg9[%dma_start3A_631] : memref<16384xf32, #tpu.memory_space<vmem>> -> memref<4096xf32, #tpu.memory_space<vmem>>
      %dma_start3A_633 = arith.constant 0 : i32
      %dma_start3A_634 = tpu.memref_slice %arg4[%add3A_630, %dma_start3A_633] : memref<16384x4096xf32, #tpu.memory_space<hbm>> -> memref<1x4096xf32, #tpu.memory_space<hbm>>
      %dma_start3A_635 = tpu.memref_squeeze %dma_start3A_634 : memref<1x4096xf32, #tpu.memory_space<hbm>> -> memref<4096xf32, #tpu.memory_space<hbm>>
      %dma_start3A_636 = arith.constant 0 : i32
      %dma_start3A_637 = tpu.memref_slice %arg4[%add3A_630, %dma_start3A_636] : memref<16384x4096xf32, #tpu.memory_space<hbm>> -> memref<1x4096xf32, #tpu.memory_space<hbm>>
      %dma_start3A_638 = tpu.memref_squeeze %dma_start3A_637 : memref<1x4096xf32, #tpu.memory_space<hbm>> -> memref<4096xf32, #tpu.memory_space<hbm>>
      %dma_start3A_639 = arith.constant 4096 : i32
      %dma_start3A_640 = tpu.memref_slice %arg9[%dma_start3A_639] : memref<16384xf32, #tpu.memory_space<vmem>> -> memref<4096xf32, #tpu.memory_space<vmem>>
      tpu.enqueue_dma source(%dma_start3A_640 : memref<4096xf32, #tpu.memory_space<vmem>>) target(%dma_start3A_638 : memref<4096xf32, #tpu.memory_space<hbm>>) target_semaphore(%arg13 : memref<!tpu.dma_semaphore, #tpu.memory_space<semaphore_mem>>)
      %add3A_641 = arith.constant 2 : i32
      %add3A_642 = arith.addi %add3A_616, %add3A_641 : i32
      %dma_start3A_643 = arith.constant 8192 : i32
      %dma_start3A_644 = tpu.memref_slice %arg9[%dma_start3A_643] : memref<16384xf32, #tpu.memory_space<vmem>> -> memref<4096xf32, #tpu.memory_space<vmem>>
      %dma_start3A_645 = arith.constant 0 : i32
      %dma_start3A_646 = tpu.memref_slice %arg4[%add3A_642, %dma_start3A_645] : memref<16384x4096xf32, #tpu.memory_space<hbm>> -> memref<1x4096xf32, #tpu.memory_space<hbm>>
      %dma_start3A_647 = tpu.memref_squeeze %dma_start3A_646 : memref<1x4096xf32, #tpu.memory_space<hbm>> -> memref<4096xf32, #tpu.memory_space<hbm>>
      %dma_start3A_648 = arith.constant 0 : i32
      %dma_start3A_649 = tpu.memref_slice %arg4[%add3A_642, %dma_start3A_648] : memref<16384x4096xf32, #tpu.memory_space<hbm>> -> memref<1x4096xf32, #tpu.memory_space<hbm>>
      %dma_start3A_650 = tpu.memref_squeeze %dma_start3A_649 : memref<1x4096xf32, #tpu.memory_space<hbm>> -> memref<4096xf32, #tpu.memory_space<hbm>>
      %dma_start3A_651 = arith.constant 8192 : i32
      %dma_start3A_652 = tpu.memref_slice %arg9[%dma_start3A_651] : memref<16384xf32, #tpu.memory_space<vmem>> -> memref<4096xf32, #tpu.memory_space<vmem>>
      tpu.enqueue_dma source(%dma_start3A_652 : memref<4096xf32, #tpu.memory_space<vmem>>) target(%dma_start3A_650 : memref<4096xf32, #tpu.memory_space<hbm>>) target_semaphore(%arg13 : memref<!tpu.dma_semaphore, #tpu.memory_space<semaphore_mem>>)
      %add3A_653 = arith.constant 3 : i32
      %add3A_654 = arith.addi %add3A_616, %add3A_653 : i32
      %dma_start3A_655 = arith.constant 12288 : i32
      %dma_start3A_656 = tpu.memref_slice %arg9[%dma_start3A_655] : memref<16384xf32, #tpu.memory_space<vmem>> -> memref<4096xf32, #tpu.memory_space<vmem>>
      %dma_start3A_657 = arith.constant 0 : i32
      %dma_start3A_658 = tpu.memref_slice %arg4[%add3A_654, %dma_start3A_657] : memref<16384x4096xf32, #tpu.memory_space<hbm>> -> memref<1x4096xf32, #tpu.memory_space<hbm>>
      %dma_start3A_659 = tpu.memref_squeeze %dma_start3A_658 : memref<1x4096xf32, #tpu.memory_space<hbm>> -> memref<4096xf32, #tpu.memory_space<hbm>>
      %dma_start3A_660 = arith.constant 0 : i32
      %dma_start3A_661 = tpu.memref_slice %arg4[%add3A_654, %dma_start3A_660] : memref<16384x4096xf32, #tpu.memory_space<hbm>> -> memref<1x4096xf32, #tpu.memory_space<hbm>>
      %dma_start3A_662 = tpu.memref_squeeze %dma_start3A_661 : memref<1x4096xf32, #tpu.memory_space<hbm>> -> memref<4096xf32, #tpu.memory_space<hbm>>
      %dma_start3A_663 = arith.constant 12288 : i32
      %dma_start3A_664 = tpu.memref_slice %arg9[%dma_start3A_663] : memref<16384xf32, #tpu.memory_space<vmem>> -> memref<4096xf32, #tpu.memory_space<vmem>>
      tpu.enqueue_dma source(%dma_start3A_664 : memref<4096xf32, #tpu.memory_space<vmem>>) target(%dma_start3A_662 : memref<4096xf32, #tpu.memory_space<hbm>>) target_semaphore(%arg13 : memref<!tpu.dma_semaphore, #tpu.memory_space<semaphore_mem>>)
      %ge3A_665 = arith.constant 1 : i32
      %ge3A_666 = arith.cmpi sge, %add3A_515, %ge3A_665 : i32
      %convert_element_type3A_667 = arith.extui %ge3A_666 : i1 to i32
      %cond3A_668 = arith.constant 0 : i32
      %cond3A_669 = arith.cmpi ne, %convert_element_type3A_667, %cond3A_668 : i32
      scf.if %cond3A_669 {
        %dma_wait3A_733 = arith.constant 0 : i32
        %dma_wait3A_734 = arith.constant 0 : i32
        %dma_wait3A_735 = tpu.memref_slice %arg10[%dma_wait3A_734] : memref<16384xf32, #tpu.memory_space<vmem>> -> memref<4096xf32, #tpu.memory_space<vmem>>
        %dma_wait3A_736 = arith.constant 0 : i32
        %dma_wait3A_737 = tpu.memref_slice %arg4[%dma_wait3A_733, %dma_wait3A_736] : memref<16384x4096xf32, #tpu.memory_space<hbm>> -> memref<1x4096xf32, #tpu.memory_space<hbm>>
        %dma_wait3A_738 = tpu.memref_squeeze %dma_wait3A_737 : memref<1x4096xf32, #tpu.memory_space<hbm>> -> memref<4096xf32, #tpu.memory_space<hbm>>
        %dma_wait3A_739 = arith.constant 0 : i32
        %dma_wait3A_740 = tpu.memref_slice %arg4[%dma_wait3A_733, %dma_wait3A_739] : memref<16384x4096xf32, #tpu.memory_space<hbm>> -> memref<1x4096xf32, #tpu.memory_space<hbm>>
        %dma_wait3A_741 = tpu.memref_squeeze %dma_wait3A_740 : memref<1x4096xf32, #tpu.memory_space<hbm>> -> memref<4096xf32, #tpu.memory_space<hbm>>
        %dma_wait3A_742 = arith.constant 0 : i32
        %dma_wait3A_743 = tpu.memref_slice %arg10[%dma_wait3A_742] : memref<16384xf32, #tpu.memory_space<vmem>> -> memref<4096xf32, #tpu.memory_space<vmem>>
        tpu.wait_dma2 semaphore(%arg14 : memref<!tpu.dma_semaphore, #tpu.memory_space<semaphore_mem>>) src(%dma_wait3A_743 : memref<4096xf32, #tpu.memory_space<vmem>>) dst(%dma_wait3A_741 : memref<4096xf32, #tpu.memory_space<hbm>>)
        %dma_wait3A_744 = arith.constant 0 : i32
        %dma_wait3A_745 = arith.constant 4096 : i32
        %dma_wait3A_746 = tpu.memref_slice %arg10[%dma_wait3A_745] : memref<16384xf32, #tpu.memory_space<vmem>> -> memref<4096xf32, #tpu.memory_space<vmem>>
        %dma_wait3A_747 = arith.constant 0 : i32
        %dma_wait3A_748 = tpu.memref_slice %arg4[%dma_wait3A_744, %dma_wait3A_747] : memref<16384x4096xf32, #tpu.memory_space<hbm>> -> memref<1x4096xf32, #tpu.memory_space<hbm>>
        %dma_wait3A_749 = tpu.memref_squeeze %dma_wait3A_748 : memref<1x4096xf32, #tpu.memory_space<hbm>> -> memref<4096xf32, #tpu.memory_space<hbm>>
        %dma_wait3A_750 = arith.constant 0 : i32
        %dma_wait3A_751 = tpu.memref_slice %arg4[%dma_wait3A_744, %dma_wait3A_750] : memref<16384x4096xf32, #tpu.memory_space<hbm>> -> memref<1x4096xf32, #tpu.memory_space<hbm>>
        %dma_wait3A_752 = tpu.memref_squeeze %dma_wait3A_751 : memref<1x4096xf32, #tpu.memory_space<hbm>> -> memref<4096xf32, #tpu.memory_space<hbm>>
        %dma_wait3A_753 = arith.constant 4096 : i32
        %dma_wait3A_754 = tpu.memref_slice %arg10[%dma_wait3A_753] : memref<16384xf32, #tpu.memory_space<vmem>> -> memref<4096xf32, #tpu.memory_space<vmem>>
        tpu.wait_dma2 semaphore(%arg14 : memref<!tpu.dma_semaphore, #tpu.memory_space<semaphore_mem>>) src(%dma_wait3A_754 : memref<4096xf32, #tpu.memory_space<vmem>>) dst(%dma_wait3A_752 : memref<4096xf32, #tpu.memory_space<hbm>>)
        %dma_wait3A_755 = arith.constant 0 : i32
        %dma_wait3A_756 = arith.constant 8192 : i32
        %dma_wait3A_757 = tpu.memref_slice %arg10[%dma_wait3A_756] : memref<16384xf32, #tpu.memory_space<vmem>> -> memref<4096xf32, #tpu.memory_space<vmem>>
        %dma_wait3A_758 = arith.constant 0 : i32
        %dma_wait3A_759 = tpu.memref_slice %arg4[%dma_wait3A_755, %dma_wait3A_758] : memref<16384x4096xf32, #tpu.memory_space<hbm>> -> memref<1x4096xf32, #tpu.memory_space<hbm>>
        %dma_wait3A_760 = tpu.memref_squeeze %dma_wait3A_759 : memref<1x4096xf32, #tpu.memory_space<hbm>> -> memref<4096xf32, #tpu.memory_space<hbm>>
        %dma_wait3A_761 = arith.constant 0 : i32
        %dma_wait3A_762 = tpu.memref_slice %arg4[%dma_wait3A_755, %dma_wait3A_761] : memref<16384x4096xf32, #tpu.memory_space<hbm>> -> memref<1x4096xf32, #tpu.memory_space<hbm>>
        %dma_wait3A_763 = tpu.memref_squeeze %dma_wait3A_762 : memref<1x4096xf32, #tpu.memory_space<hbm>> -> memref<4096xf32, #tpu.memory_space<hbm>>
        %dma_wait3A_764 = arith.constant 8192 : i32
        %dma_wait3A_765 = tpu.memref_slice %arg10[%dma_wait3A_764] : memref<16384xf32, #tpu.memory_space<vmem>> -> memref<4096xf32, #tpu.memory_space<vmem>>
        tpu.wait_dma2 semaphore(%arg14 : memref<!tpu.dma_semaphore, #tpu.memory_space<semaphore_mem>>) src(%dma_wait3A_765 : memref<4096xf32, #tpu.memory_space<vmem>>) dst(%dma_wait3A_763 : memref<4096xf32, #tpu.memory_space<hbm>>)
        %dma_wait3A_766 = arith.constant 0 : i32
        %dma_wait3A_767 = arith.constant 12288 : i32
        %dma_wait3A_768 = tpu.memref_slice %arg10[%dma_wait3A_767] : memref<16384xf32, #tpu.memory_space<vmem>> -> memref<4096xf32, #tpu.memory_space<vmem>>
        %dma_wait3A_769 = arith.constant 0 : i32
        %dma_wait3A_770 = tpu.memref_slice %arg4[%dma_wait3A_766, %dma_wait3A_769] : memref<16384x4096xf32, #tpu.memory_space<hbm>> -> memref<1x4096xf32, #tpu.memory_space<hbm>>
        %dma_wait3A_771 = tpu.memref_squeeze %dma_wait3A_770 : memref<1x4096xf32, #tpu.memory_space<hbm>> -> memref<4096xf32, #tpu.memory_space<hbm>>
        %dma_wait3A_772 = arith.constant 0 : i32
        %dma_wait3A_773 = tpu.memref_slice %arg4[%dma_wait3A_766, %dma_wait3A_772] : memref<16384x4096xf32, #tpu.memory_space<hbm>> -> memref<1x4096xf32, #tpu.memory_space<hbm>>
        %dma_wait3A_774 = tpu.memref_squeeze %dma_wait3A_773 : memref<1x4096xf32, #tpu.memory_space<hbm>> -> memref<4096xf32, #tpu.memory_space<hbm>>
        %dma_wait3A_775 = arith.constant 12288 : i32
        %dma_wait3A_776 = tpu.memref_slice %arg10[%dma_wait3A_775] : memref<16384xf32, #tpu.memory_space<vmem>> -> memref<4096xf32, #tpu.memory_space<vmem>>
        tpu.wait_dma2 semaphore(%arg14 : memref<!tpu.dma_semaphore, #tpu.memory_space<semaphore_mem>>) src(%dma_wait3A_776 : memref<4096xf32, #tpu.memory_space<vmem>>) dst(%dma_wait3A_774 : memref<4096xf32, #tpu.memory_space<hbm>>)
      } else {
      }
      %parallel_loop3A_670 = arith.constant 0 : i32
      %parallel_loop3A_671 = arith.constant 256 : i32
      %parallel_loop3A_672 = arith.constant 1 : i32
      scf.for %parallel_loop3A_733 = %parallel_loop3A_670 to %parallel_loop3A_671 step %parallel_loop3A_672  : i32 {
        %parallel_loop3A_734 = arith.constant 16 : i32
        %parallel_loop3A_735 = arith.muli %parallel_loop3A_733, %parallel_loop3A_734 : i32
        %parallel_loop3A_736 = arith.index_cast %parallel_loop3A_735 : i32 to index
        %parallel_loop3A_737 = tpu.vector_load %arg6[%parallel_loop3A_736] {strides = array<i32>} : memref<4096xi32, #tpu.memory_space<vmem>>, vector<16xi32>,
        %parallel_loop3A_738 = arith.constant 16384 : i32
        %parallel_loop3A_739 = vector.broadcast %parallel_loop3A_738 : i32 to vector<16xi32>
        %parallel_loop3A_740 = arith.addi %parallel_loop3A_737, %parallel_loop3A_739 : vector<16xi32>
        %parallel_loop3A_741 = tpu.vector_load_idx %arg8[%parallel_loop3A_740] : memref<32768xf32, #tpu.memory_space<vmem>>[vector<16xi32>], vector<16xf32>,
        %parallel_loop3A_742 = arith.constant 0 : i32
        %parallel_loop3A_743 = arith.addi %parallel_loop3A_742, %parallel_loop3A_735 : i32
        %parallel_loop3A_744 = arith.index_cast %parallel_loop3A_743 : i32 to index
        %parallel_loop3A_745 = tpu.vector_load %arg10[%parallel_loop3A_744] {strides = array<i32>} : memref<16384xf32, #tpu.memory_space<vmem>>, vector<16xf32>,
        tpu.vector_store %arg10[%parallel_loop3A_744], %parallel_loop3A_741 {strides = array<i32>} : memref<16384xf32, #tpu.memory_space<vmem>>, vector<16xf32>,
        %parallel_loop3A_746 = arith.constant 20480 : i32
        %parallel_loop3A_747 = vector.broadcast %parallel_loop3A_746 : i32 to vector<16xi32>
        %parallel_loop3A_748 = arith.addi %parallel_loop3A_737, %parallel_loop3A_747 : vector<16xi32>
        %parallel_loop3A_749 = tpu.vector_load_idx %arg8[%parallel_loop3A_748] : memref<32768xf32, #tpu.memory_space<vmem>>[vector<16xi32>], vector<16xf32>,
        %parallel_loop3A_750 = arith.constant 4096 : i32
        %parallel_loop3A_751 = arith.addi %parallel_loop3A_750, %parallel_loop3A_735 : i32
        %parallel_loop3A_752 = arith.index_cast %parallel_loop3A_751 : i32 to index
        %parallel_loop3A_753 = tpu.vector_load %arg10[%parallel_loop3A_752] {strides = array<i32>} : memref<16384xf32, #tpu.memory_space<vmem>>, vector<16xf32>,
        tpu.vector_store %arg10[%parallel_loop3A_752], %parallel_loop3A_749 {strides = array<i32>} : memref<16384xf32, #tpu.memory_space<vmem>>, vector<16xf32>,
        %parallel_loop3A_754 = arith.constant 24576 : i32
        %parallel_loop3A_755 = vector.broadcast %parallel_loop3A_754 : i32 to vector<16xi32>
        %parallel_loop3A_756 = arith.addi %parallel_loop3A_737, %parallel_loop3A_755 : vector<16xi32>
        %parallel_loop3A_757 = tpu.vector_load_idx %arg8[%parallel_loop3A_756] : memref<32768xf32, #tpu.memory_space<vmem>>[vector<16xi32>], vector<16xf32>,
        %parallel_loop3A_758 = arith.constant 8192 : i32
        %parallel_loop3A_759 = arith.addi %parallel_loop3A_758, %parallel_loop3A_735 : i32
        %parallel_loop3A_760 = arith.index_cast %parallel_loop3A_759 : i32 to index
        %parallel_loop3A_761 = tpu.vector_load %arg10[%parallel_loop3A_760] {strides = array<i32>} : memref<16384xf32, #tpu.memory_space<vmem>>, vector<16xf32>,
        tpu.vector_store %arg10[%parallel_loop3A_760], %parallel_loop3A_757 {strides = array<i32>} : memref<16384xf32, #tpu.memory_space<vmem>>, vector<16xf32>,
        %parallel_loop3A_762 = arith.constant 28672 : i32
        %parallel_loop3A_763 = vector.broadcast %parallel_loop3A_762 : i32 to vector<16xi32>
        %parallel_loop3A_764 = arith.addi %parallel_loop3A_737, %parallel_loop3A_763 : vector<16xi32>
        %parallel_loop3A_765 = tpu.vector_load_idx %arg8[%parallel_loop3A_764] : memref<32768xf32, #tpu.memory_space<vmem>>[vector<16xi32>], vector<16xf32>,
        %parallel_loop3A_766 = arith.constant 12288 : i32
        %parallel_loop3A_767 = arith.addi %parallel_loop3A_766, %parallel_loop3A_735 : i32
        %parallel_loop3A_768 = arith.index_cast %parallel_loop3A_767 : i32 to index
        %parallel_loop3A_769 = tpu.vector_load %arg10[%parallel_loop3A_768] {strides = array<i32>} : memref<16384xf32, #tpu.memory_space<vmem>>, vector<16xf32>,
        tpu.vector_store %arg10[%parallel_loop3A_768], %parallel_loop3A_765 {strides = array<i32>} : memref<16384xf32, #tpu.memory_space<vmem>>, vector<16xf32>,
      } {sc.loop_unroll_factor = 4 : i64, sc.parallel_access}
      %mul3A_673 = arith.constant 8 : i32
      %mul3A_674 = arith.muli %add3A_515, %mul3A_673 : i32
      %add3A_675 = arith.addi %mul3A_2, %mul3A_674 : i32
      %add3A_676 = arith.constant 4 : i32
      %add3A_677 = arith.addi %add3A_675, %add3A_676 : i32
      %add3A_678 = arith.constant 0 : i32
      %add3A_679 = arith.addi %add3A_677, %add3A_678 : i32
      %dma_start3A_680 = arith.constant 0 : i32
      %dma_start3A_681 = tpu.memref_slice %arg10[%dma_start3A_680] : memref<16384xf32, #tpu.memory_space<vmem>> -> memref<4096xf32, #tpu.memory_space<vmem>>
      %dma_start3A_682 = arith.constant 0 : i32
      %dma_start3A_683 = tpu.memref_slice %arg4[%add3A_679, %dma_start3A_682] : memref<16384x4096xf32, #tpu.memory_space<hbm>> -> memref<1x4096xf32, #tpu.memory_space<hbm>>
      %dma_start3A_684 = tpu.memref_squeeze %dma_start3A_683 : memref<1x4096xf32, #tpu.memory_space<hbm>> -> memref<4096xf32, #tpu.memory_space<hbm>>
      %dma_start3A_685 = arith.constant 0 : i32
      %dma_start3A_686 = tpu.memref_slice %arg4[%add3A_679, %dma_start3A_685] : memref<16384x4096xf32, #tpu.memory_space<hbm>> -> memref<1x4096xf32, #tpu.memory_space<hbm>>
      %dma_start3A_687 = tpu.memref_squeeze %dma_start3A_686 : memref<1x4096xf32, #tpu.memory_space<hbm>> -> memref<4096xf32, #tpu.memory_space<hbm>>
      %dma_start3A_688 = arith.constant 0 : i32
      %dma_start3A_689 = tpu.memref_slice %arg10[%dma_start3A_688] : memref<16384xf32, #tpu.memory_space<vmem>> -> memref<4096xf32, #tpu.memory_space<vmem>>
      tpu.enqueue_dma source(%dma_start3A_689 : memref<4096xf32, #tpu.memory_space<vmem>>) target(%dma_start3A_687 : memref<4096xf32, #tpu.memory_space<hbm>>) target_semaphore(%arg14 : memref<!tpu.dma_semaphore, #tpu.memory_space<semaphore_mem>>)
      %add3A_690 = arith.constant 1 : i32
      %add3A_691 = arith.addi %add3A_677, %add3A_690 : i32
      %dma_start3A_692 = arith.constant 4096 : i32
      %dma_start3A_693 = tpu.memref_slice %arg10[%dma_start3A_692] : memref<16384xf32, #tpu.memory_space<vmem>> -> memref<4096xf32, #tpu.memory_space<vmem>>
      %dma_start3A_694 = arith.constant 0 : i32
      %dma_start3A_695 = tpu.memref_slice %arg4[%add3A_691, %dma_start3A_694] : memref<16384x4096xf32, #tpu.memory_space<hbm>> -> memref<1x4096xf32, #tpu.memory_space<hbm>>
      %dma_start3A_696 = tpu.memref_squeeze %dma_start3A_695 : memref<1x4096xf32, #tpu.memory_space<hbm>> -> memref<4096xf32, #tpu.memory_space<hbm>>
      %dma_start3A_697 = arith.constant 0 : i32
      %dma_start3A_698 = tpu.memref_slice %arg4[%add3A_691, %dma_start3A_697] : memref<16384x4096xf32, #tpu.memory_space<hbm>> -> memref<1x4096xf32, #tpu.memory_space<hbm>>
      %dma_start3A_699 = tpu.memref_squeeze %dma_start3A_698 : memref<1x4096xf32, #tpu.memory_space<hbm>> -> memref<4096xf32, #tpu.memory_space<hbm>>
      %dma_start3A_700 = arith.constant 4096 : i32
      %dma_start3A_701 = tpu.memref_slice %arg10[%dma_start3A_700] : memref<16384xf32, #tpu.memory_space<vmem>> -> memref<4096xf32, #tpu.memory_space<vmem>>
      tpu.enqueue_dma source(%dma_start3A_701 : memref<4096xf32, #tpu.memory_space<vmem>>) target(%dma_start3A_699 : memref<4096xf32, #tpu.memory_space<hbm>>) target_semaphore(%arg14 : memref<!tpu.dma_semaphore, #tpu.memory_space<semaphore_mem>>)
      %add3A_702 = arith.constant 2 : i32
      %add3A_703 = arith.addi %add3A_677, %add3A_702 : i32
      %dma_start3A_704 = arith.constant 8192 : i32
      %dma_start3A_705 = tpu.memref_slice %arg10[%dma_start3A_704] : memref<16384xf32, #tpu.memory_space<vmem>> -> memref<4096xf32, #tpu.memory_space<vmem>>
      %dma_start3A_706 = arith.constant 0 : i32
      %dma_start3A_707 = tpu.memref_slice %arg4[%add3A_703, %dma_start3A_706] : memref<16384x4096xf32, #tpu.memory_space<hbm>> -> memref<1x4096xf32, #tpu.memory_space<hbm>>
      %dma_start3A_708 = tpu.memref_squeeze %dma_start3A_707 : memref<1x4096xf32, #tpu.memory_space<hbm>> -> memref<4096xf32, #tpu.memory_space<hbm>>
      %dma_start3A_709 = arith.constant 0 : i32
      %dma_start3A_710 = tpu.memref_slice %arg4[%add3A_703, %dma_start3A_709] : memref<16384x4096xf32, #tpu.memory_space<hbm>> -> memref<1x4096xf32, #tpu.memory_space<hbm>>
      %dma_start3A_711 = tpu.memref_squeeze %dma_start3A_710 : memref<1x4096xf32, #tpu.memory_space<hbm>> -> memref<4096xf32, #tpu.memory_space<hbm>>
      %dma_start3A_712 = arith.constant 8192 : i32
      %dma_start3A_713 = tpu.memref_slice %arg10[%dma_start3A_712] : memref<16384xf32, #tpu.memory_space<vmem>> -> memref<4096xf32, #tpu.memory_space<vmem>>
      tpu.enqueue_dma source(%dma_start3A_713 : memref<4096xf32, #tpu.memory_space<vmem>>) target(%dma_start3A_711 : memref<4096xf32, #tpu.memory_space<hbm>>) target_semaphore(%arg14 : memref<!tpu.dma_semaphore, #tpu.memory_space<semaphore_mem>>)
      %add3A_714 = arith.constant 3 : i32
      %add3A_715 = arith.addi %add3A_677, %add3A_714 : i32
      %dma_start3A_716 = arith.constant 12288 : i32
      %dma_start3A_717 = tpu.memref_slice %arg10[%dma_start3A_716] : memref<16384xf32, #tpu.memory_space<vmem>> -> memref<4096xf32, #tpu.memory_space<vmem>>
      %dma_start3A_718 = arith.constant 0 : i32
      %dma_start3A_719 = tpu.memref_slice %arg4[%add3A_715, %dma_start3A_718] : memref<16384x4096xf32, #tpu.memory_space<hbm>> -> memref<1x4096xf32, #tpu.memory_space<hbm>>
      %dma_start3A_720 = tpu.memref_squeeze %dma_start3A_719 : memref<1x4096xf32, #tpu.memory_space<hbm>> -> memref<4096xf32, #tpu.memory_space<hbm>>
      %dma_start3A_721 = arith.constant 0 : i32
      %dma_start3A_722 = tpu.memref_slice %arg4[%add3A_715, %dma_start3A_721] : memref<16384x4096xf32, #tpu.memory_space<hbm>> -> memref<1x4096xf32, #tpu.memory_space<hbm>>
      %dma_start3A_723 = tpu.memref_squeeze %dma_start3A_722 : memref<1x4096xf32, #tpu.memory_space<hbm>> -> memref<4096xf32, #tpu.memory_space<hbm>>
      %dma_start3A_724 = arith.constant 12288 : i32
      %dma_start3A_725 = tpu.memref_slice %arg10[%dma_start3A_724] : memref<16384xf32, #tpu.memory_space<vmem>> -> memref<4096xf32, #tpu.memory_space<vmem>>
      tpu.enqueue_dma source(%dma_start3A_725 : memref<4096xf32, #tpu.memory_space<vmem>>) target(%dma_start3A_723 : memref<4096xf32, #tpu.memory_space<hbm>>) target_semaphore(%arg14 : memref<!tpu.dma_semaphore, #tpu.memory_space<semaphore_mem>>)
      %add3A_726 = arith.constant 2 : i32
      %add3A_727 = arith.addi %add3A_515, %add3A_726 : i32
      %lt3A_728 = arith.constant 64 : i32
      %lt3A_729 = arith.cmpi slt, %add3A_727, %lt3A_728 : i32
      %convert_element_type3A_730 = arith.extui %lt3A_729 : i1 to i32
      %cond3A_731 = arith.constant 0 : i32
      %cond3A_732 = arith.cmpi ne, %convert_element_type3A_730, %cond3A_731 : i32
      scf.if %cond3A_732 {
        %add3A_733 = arith.constant 2 : i32
        %add3A_734 = arith.addi %add3A_515, %add3A_733 : i32
        %mul3A_735 = arith.constant 8 : i32
        %mul3A_736 = arith.muli %add3A_734, %mul3A_735 : i32
        %add3A_737 = arith.addi %mul3A_2, %mul3A_736 : i32
        %add3A_738 = arith.constant 0 : i32
        %add3A_739 = arith.addi %add3A_737, %add3A_738 : i32
        %dma_start3A_740 = arith.constant 0 : i32
        %dma_start3A_741 = tpu.memref_slice %arg8[%dma_start3A_740] : memref<32768xf32, #tpu.memory_space<vmem>> -> memref<4096xf32, #tpu.memory_space<vmem>>
        %dma_start3A_742 = arith.constant 0 : i32
        %dma_start3A_743 = tpu.memref_slice %arg2[%add3A_739, %dma_start3A_742] : memref<16384x4096xf32, #tpu.memory_space<hbm>> -> memref<1x4096xf32, #tpu.memory_space<hbm>>
        %dma_start3A_744 = tpu.memref_squeeze %dma_start3A_743 : memref<1x4096xf32, #tpu.memory_space<hbm>> -> memref<4096xf32, #tpu.memory_space<hbm>>
        %dma_start3A_745 = arith.constant 0 : i32
        %dma_start3A_746 = tpu.memref_slice %arg8[%dma_start3A_745] : memref<32768xf32, #tpu.memory_space<vmem>> -> memref<4096xf32, #tpu.memory_space<vmem>>
        %dma_start3A_747 = arith.constant 0 : i32
        %dma_start3A_748 = tpu.memref_slice %arg2[%add3A_739, %dma_start3A_747] : memref<16384x4096xf32, #tpu.memory_space<hbm>> -> memref<1x4096xf32, #tpu.memory_space<hbm>>
        %dma_start3A_749 = tpu.memref_squeeze %dma_start3A_748 : memref<1x4096xf32, #tpu.memory_space<hbm>> -> memref<4096xf32, #tpu.memory_space<hbm>>
        tpu.enqueue_dma source(%dma_start3A_749 : memref<4096xf32, #tpu.memory_space<hbm>>) target(%dma_start3A_746 : memref<4096xf32, #tpu.memory_space<vmem>>) target_semaphore(%arg12 : memref<!tpu.dma_semaphore, #tpu.memory_space<semaphore_mem>>)
        %add3A_750 = arith.constant 1 : i32
        %add3A_751 = arith.addi %add3A_737, %add3A_750 : i32
        %dma_start3A_752 = arith.constant 4096 : i32
        %dma_start3A_753 = tpu.memref_slice %arg8[%dma_start3A_752] : memref<32768xf32, #tpu.memory_space<vmem>> -> memref<4096xf32, #tpu.memory_space<vmem>>
        %dma_start3A_754 = arith.constant 0 : i32
        %dma_start3A_755 = tpu.memref_slice %arg2[%add3A_751, %dma_start3A_754] : memref<16384x4096xf32, #tpu.memory_space<hbm>> -> memref<1x4096xf32, #tpu.memory_space<hbm>>
        %dma_start3A_756 = tpu.memref_squeeze %dma_start3A_755 : memref<1x4096xf32, #tpu.memory_space<hbm>> -> memref<4096xf32, #tpu.memory_space<hbm>>
        %dma_start3A_757 = arith.constant 4096 : i32
        %dma_start3A_758 = tpu.memref_slice %arg8[%dma_start3A_757] : memref<32768xf32, #tpu.memory_space<vmem>> -> memref<4096xf32, #tpu.memory_space<vmem>>
        %dma_start3A_759 = arith.constant 0 : i32
        %dma_start3A_760 = tpu.memref_slice %arg2[%add3A_751, %dma_start3A_759] : memref<16384x4096xf32, #tpu.memory_space<hbm>> -> memref<1x4096xf32, #tpu.memory_space<hbm>>
        %dma_start3A_761 = tpu.memref_squeeze %dma_start3A_760 : memref<1x4096xf32, #tpu.memory_space<hbm>> -> memref<4096xf32, #tpu.memory_space<hbm>>
        tpu.enqueue_dma source(%dma_start3A_761 : memref<4096xf32, #tpu.memory_space<hbm>>) target(%dma_start3A_758 : memref<4096xf32, #tpu.memory_space<vmem>>) target_semaphore(%arg12 : memref<!tpu.dma_semaphore, #tpu.memory_space<semaphore_mem>>)
        %add3A_762 = arith.constant 2 : i32
        %add3A_763 = arith.addi %add3A_737, %add3A_762 : i32
        %dma_start3A_764 = arith.constant 8192 : i32
        %dma_start3A_765 = tpu.memref_slice %arg8[%dma_start3A_764] : memref<32768xf32, #tpu.memory_space<vmem>> -> memref<4096xf32, #tpu.memory_space<vmem>>
        %dma_start3A_766 = arith.constant 0 : i32
        %dma_start3A_767 = tpu.memref_slice %arg2[%add3A_763, %dma_start3A_766] : memref<16384x4096xf32, #tpu.memory_space<hbm>> -> memref<1x4096xf32, #tpu.memory_space<hbm>>
        %dma_start3A_768 = tpu.memref_squeeze %dma_start3A_767 : memref<1x4096xf32, #tpu.memory_space<hbm>> -> memref<4096xf32, #tpu.memory_space<hbm>>
        %dma_start3A_769 = arith.constant 8192 : i32
        %dma_start3A_770 = tpu.memref_slice %arg8[%dma_start3A_769] : memref<32768xf32, #tpu.memory_space<vmem>> -> memref<4096xf32, #tpu.memory_space<vmem>>
        %dma_start3A_771 = arith.constant 0 : i32
        %dma_start3A_772 = tpu.memref_slice %arg2[%add3A_763, %dma_start3A_771] : memref<16384x4096xf32, #tpu.memory_space<hbm>> -> memref<1x4096xf32, #tpu.memory_space<hbm>>
        %dma_start3A_773 = tpu.memref_squeeze %dma_start3A_772 : memref<1x4096xf32, #tpu.memory_space<hbm>> -> memref<4096xf32, #tpu.memory_space<hbm>>
        tpu.enqueue_dma source(%dma_start3A_773 : memref<4096xf32, #tpu.memory_space<hbm>>) target(%dma_start3A_770 : memref<4096xf32, #tpu.memory_space<vmem>>) target_semaphore(%arg12 : memref<!tpu.dma_semaphore, #tpu.memory_space<semaphore_mem>>)
        %add3A_774 = arith.constant 3 : i32
        %add3A_775 = arith.addi %add3A_737, %add3A_774 : i32
        %dma_start3A_776 = arith.constant 12288 : i32
        %dma_start3A_777 = tpu.memref_slice %arg8[%dma_start3A_776] : memref<32768xf32, #tpu.memory_space<vmem>> -> memref<4096xf32, #tpu.memory_space<vmem>>
        %dma_start3A_778 = arith.constant 0 : i32
        %dma_start3A_779 = tpu.memref_slice %arg2[%add3A_775, %dma_start3A_778] : memref<16384x4096xf32, #tpu.memory_space<hbm>> -> memref<1x4096xf32, #tpu.memory_space<hbm>>
        %dma_start3A_780 = tpu.memref_squeeze %dma_start3A_779 : memref<1x4096xf32, #tpu.memory_space<hbm>> -> memref<4096xf32, #tpu.memory_space<hbm>>
        %dma_start3A_781 = arith.constant 12288 : i32
        %dma_start3A_782 = tpu.memref_slice %arg8[%dma_start3A_781] : memref<32768xf32, #tpu.memory_space<vmem>> -> memref<4096xf32, #tpu.memory_space<vmem>>
        %dma_start3A_783 = arith.constant 0 : i32
        %dma_start3A_784 = tpu.memref_slice %arg2[%add3A_775, %dma_start3A_783] : memref<16384x4096xf32, #tpu.memory_space<hbm>> -> memref<1x4096xf32, #tpu.memory_space<hbm>>
        %dma_start3A_785 = tpu.memref_squeeze %dma_start3A_784 : memref<1x4096xf32, #tpu.memory_space<hbm>> -> memref<4096xf32, #tpu.memory_space<hbm>>
        tpu.enqueue_dma source(%dma_start3A_785 : memref<4096xf32, #tpu.memory_space<hbm>>) target(%dma_start3A_782 : memref<4096xf32, #tpu.memory_space<vmem>>) target_semaphore(%arg12 : memref<!tpu.dma_semaphore, #tpu.memory_space<semaphore_mem>>)
        %add3A_786 = arith.constant 4 : i32
        %add3A_787 = arith.addi %add3A_737, %add3A_786 : i32
        %dma_start3A_788 = arith.constant 16384 : i32
        %dma_start3A_789 = tpu.memref_slice %arg8[%dma_start3A_788] : memref<32768xf32, #tpu.memory_space<vmem>> -> memref<4096xf32, #tpu.memory_space<vmem>>
        %dma_start3A_790 = arith.constant 0 : i32
        %dma_start3A_791 = tpu.memref_slice %arg2[%add3A_787, %dma_start3A_790] : memref<16384x4096xf32, #tpu.memory_space<hbm>> -> memref<1x4096xf32, #tpu.memory_space<hbm>>
        %dma_start3A_792 = tpu.memref_squeeze %dma_start3A_791 : memref<1x4096xf32, #tpu.memory_space<hbm>> -> memref<4096xf32, #tpu.memory_space<hbm>>
        %dma_start3A_793 = arith.constant 16384 : i32
        %dma_start3A_794 = tpu.memref_slice %arg8[%dma_start3A_793] : memref<32768xf32, #tpu.memory_space<vmem>> -> memref<4096xf32, #tpu.memory_space<vmem>>
        %dma_start3A_795 = arith.constant 0 : i32
        %dma_start3A_796 = tpu.memref_slice %arg2[%add3A_787, %dma_start3A_795] : memref<16384x4096xf32, #tpu.memory_space<hbm>> -> memref<1x4096xf32, #tpu.memory_space<hbm>>
        %dma_start3A_797 = tpu.memref_squeeze %dma_start3A_796 : memref<1x4096xf32, #tpu.memory_space<hbm>> -> memref<4096xf32, #tpu.memory_space<hbm>>
        tpu.enqueue_dma source(%dma_start3A_797 : memref<4096xf32, #tpu.memory_space<hbm>>) target(%dma_start3A_794 : memref<4096xf32, #tpu.memory_space<vmem>>) target_semaphore(%arg12 : memref<!tpu.dma_semaphore, #tpu.memory_space<semaphore_mem>>)
        %add3A_798 = arith.constant 5 : i32
        %add3A_799 = arith.addi %add3A_737, %add3A_798 : i32
        %dma_start3A_800 = arith.constant 20480 : i32
        %dma_start3A_801 = tpu.memref_slice %arg8[%dma_start3A_800] : memref<32768xf32, #tpu.memory_space<vmem>> -> memref<4096xf32, #tpu.memory_space<vmem>>
        %dma_start3A_802 = arith.constant 0 : i32
        %dma_start3A_803 = tpu.memref_slice %arg2[%add3A_799, %dma_start3A_802] : memref<16384x4096xf32, #tpu.memory_space<hbm>> -> memref<1x4096xf32, #tpu.memory_space<hbm>>
        %dma_start3A_804 = tpu.memref_squeeze %dma_start3A_803 : memref<1x4096xf32, #tpu.memory_space<hbm>> -> memref<4096xf32, #tpu.memory_space<hbm>>
        %dma_start3A_805 = arith.constant 20480 : i32
        %dma_start3A_806 = tpu.memref_slice %arg8[%dma_start3A_805] : memref<32768xf32, #tpu.memory_space<vmem>> -> memref<4096xf32, #tpu.memory_space<vmem>>
        %dma_start3A_807 = arith.constant 0 : i32
        %dma_start3A_808 = tpu.memref_slice %arg2[%add3A_799, %dma_start3A_807] : memref<16384x4096xf32, #tpu.memory_space<hbm>> -> memref<1x4096xf32, #tpu.memory_space<hbm>>
        %dma_start3A_809 = tpu.memref_squeeze %dma_start3A_808 : memref<1x4096xf32, #tpu.memory_space<hbm>> -> memref<4096xf32, #tpu.memory_space<hbm>>
        tpu.enqueue_dma source(%dma_start3A_809 : memref<4096xf32, #tpu.memory_space<hbm>>) target(%dma_start3A_806 : memref<4096xf32, #tpu.memory_space<vmem>>) target_semaphore(%arg12 : memref<!tpu.dma_semaphore, #tpu.memory_space<semaphore_mem>>)
        %add3A_810 = arith.constant 6 : i32
        %add3A_811 = arith.addi %add3A_737, %add3A_810 : i32
        %dma_start3A_812 = arith.constant 24576 : i32
        %dma_start3A_813 = tpu.memref_slice %arg8[%dma_start3A_812] : memref<32768xf32, #tpu.memory_space<vmem>> -> memref<4096xf32, #tpu.memory_space<vmem>>
        %dma_start3A_814 = arith.constant 0 : i32
        %dma_start3A_815 = tpu.memref_slice %arg2[%add3A_811, %dma_start3A_814] : memref<16384x4096xf32, #tpu.memory_space<hbm>> -> memref<1x4096xf32, #tpu.memory_space<hbm>>
        %dma_start3A_816 = tpu.memref_squeeze %dma_start3A_815 : memref<1x4096xf32, #tpu.memory_space<hbm>> -> memref<4096xf32, #tpu.memory_space<hbm>>
        %dma_start3A_817 = arith.constant 24576 : i32
        %dma_start3A_818 = tpu.memref_slice %arg8[%dma_start3A_817] : memref<32768xf32, #tpu.memory_space<vmem>> -> memref<4096xf32, #tpu.memory_space<vmem>>
        %dma_start3A_819 = arith.constant 0 : i32
        %dma_start3A_820 = tpu.memref_slice %arg2[%add3A_811, %dma_start3A_819] : memref<16384x4096xf32, #tpu.memory_space<hbm>> -> memref<1x4096xf32, #tpu.memory_space<hbm>>
        %dma_start3A_821 = tpu.memref_squeeze %dma_start3A_820 : memref<1x4096xf32, #tpu.memory_space<hbm>> -> memref<4096xf32, #tpu.memory_space<hbm>>
        tpu.enqueue_dma source(%dma_start3A_821 : memref<4096xf32, #tpu.memory_space<hbm>>) target(%dma_start3A_818 : memref<4096xf32, #tpu.memory_space<vmem>>) target_semaphore(%arg12 : memref<!tpu.dma_semaphore, #tpu.memory_space<semaphore_mem>>)
        %add3A_822 = arith.constant 7 : i32
        %add3A_823 = arith.addi %add3A_737, %add3A_822 : i32
        %dma_start3A_824 = arith.constant 28672 : i32
        %dma_start3A_825 = tpu.memref_slice %arg8[%dma_start3A_824] : memref<32768xf32, #tpu.memory_space<vmem>> -> memref<4096xf32, #tpu.memory_space<vmem>>
        %dma_start3A_826 = arith.constant 0 : i32
        %dma_start3A_827 = tpu.memref_slice %arg2[%add3A_823, %dma_start3A_826] : memref<16384x4096xf32, #tpu.memory_space<hbm>> -> memref<1x4096xf32, #tpu.memory_space<hbm>>
        %dma_start3A_828 = tpu.memref_squeeze %dma_start3A_827 : memref<1x4096xf32, #tpu.memory_space<hbm>> -> memref<4096xf32, #tpu.memory_space<hbm>>
        %dma_start3A_829 = arith.constant 28672 : i32
        %dma_start3A_830 = tpu.memref_slice %arg8[%dma_start3A_829] : memref<32768xf32, #tpu.memory_space<vmem>> -> memref<4096xf32, #tpu.memory_space<vmem>>
        %dma_start3A_831 = arith.constant 0 : i32
        %dma_start3A_832 = tpu.memref_slice %arg2[%add3A_823, %dma_start3A_831] : memref<16384x4096xf32, #tpu.memory_space<hbm>> -> memref<1x4096xf32, #tpu.memory_space<hbm>>
        %dma_start3A_833 = tpu.memref_squeeze %dma_start3A_832 : memref<1x4096xf32, #tpu.memory_space<hbm>> -> memref<4096xf32, #tpu.memory_space<hbm>>
        tpu.enqueue_dma source(%dma_start3A_833 : memref<4096xf32, #tpu.memory_space<hbm>>) target(%dma_start3A_830 : memref<4096xf32, #tpu.memory_space<vmem>>) target_semaphore(%arg12 : memref<!tpu.dma_semaphore, #tpu.memory_space<semaphore_mem>>)
      } else {
      }
    }
    %scan3A_206 = arith.constant 32 : i32
    %dma_wait3A = arith.constant 0 : i32
    %dma_wait3A_207 = arith.constant 0 : i32
    %dma_wait3A_208 = tpu.memref_slice %arg9[%dma_wait3A_207] : memref<16384xf32, #tpu.memory_space<vmem>> -> memref<4096xf32, #tpu.memory_space<vmem>>
    %dma_wait3A_209 = arith.constant 0 : i32
    %dma_wait3A_210 = tpu.memref_slice %arg4[%dma_wait3A, %dma_wait3A_209] : memref<16384x4096xf32, #tpu.memory_space<hbm>> -> memref<1x4096xf32, #tpu.memory_space<hbm>>
    %dma_wait3A_211 = tpu.memref_squeeze %dma_wait3A_210 : memref<1x4096xf32, #tpu.memory_space<hbm>> -> memref<4096xf32, #tpu.memory_space<hbm>>
    %dma_wait3A_212 = arith.constant 0 : i32
    %dma_wait3A_213 = tpu.memref_slice %arg4[%dma_wait3A, %dma_wait3A_212] : memref<16384x4096xf32, #tpu.memory_space<hbm>> -> memref<1x4096xf32, #tpu.memory_space<hbm>>
    %dma_wait3A_214 = tpu.memref_squeeze %dma_wait3A_213 : memref<1x4096xf32, #tpu.memory_space<hbm>> -> memref<4096xf32, #tpu.memory_space<hbm>>
    %dma_wait3A_215 = arith.constant 0 : i32
    %dma_wait3A_216 = tpu.memref_slice %arg9[%dma_wait3A_215] : memref<16384xf32, #tpu.memory_space<vmem>> -> memref<4096xf32, #tpu.memory_space<vmem>>
    tpu.wait_dma2 semaphore(%arg13 : memref<!tpu.dma_semaphore, #tpu.memory_space<semaphore_mem>>) src(%dma_wait3A_216 : memref<4096xf32, #tpu.memory_space<vmem>>) dst(%dma_wait3A_214 : memref<4096xf32, #tpu.memory_space<hbm>>)
    %dma_wait3A_217 = arith.constant 0 : i32
    %dma_wait3A_218 = arith.constant 4096 : i32
    %dma_wait3A_219 = tpu.memref_slice %arg9[%dma_wait3A_218] : memref<16384xf32, #tpu.memory_space<vmem>> -> memref<4096xf32, #tpu.memory_space<vmem>>
    %dma_wait3A_220 = arith.constant 0 : i32
    %dma_wait3A_221 = tpu.memref_slice %arg4[%dma_wait3A_217, %dma_wait3A_220] : memref<16384x4096xf32, #tpu.memory_space<hbm>> -> memref<1x4096xf32, #tpu.memory_space<hbm>>
    %dma_wait3A_222 = tpu.memref_squeeze %dma_wait3A_221 : memref<1x4096xf32, #tpu.memory_space<hbm>> -> memref<4096xf32, #tpu.memory_space<hbm>>
    %dma_wait3A_223 = arith.constant 0 : i32
    %dma_wait3A_224 = tpu.memref_slice %arg4[%dma_wait3A_217, %dma_wait3A_223] : memref<16384x4096xf32, #tpu.memory_space<hbm>> -> memref<1x4096xf32, #tpu.memory_space<hbm>>
    %dma_wait3A_225 = tpu.memref_squeeze %dma_wait3A_224 : memref<1x4096xf32, #tpu.memory_space<hbm>> -> memref<4096xf32, #tpu.memory_space<hbm>>
    %dma_wait3A_226 = arith.constant 4096 : i32
    %dma_wait3A_227 = tpu.memref_slice %arg9[%dma_wait3A_226] : memref<16384xf32, #tpu.memory_space<vmem>> -> memref<4096xf32, #tpu.memory_space<vmem>>
    tpu.wait_dma2 semaphore(%arg13 : memref<!tpu.dma_semaphore, #tpu.memory_space<semaphore_mem>>) src(%dma_wait3A_227 : memref<4096xf32, #tpu.memory_space<vmem>>) dst(%dma_wait3A_225 : memref<4096xf32, #tpu.memory_space<hbm>>)
    %dma_wait3A_228 = arith.constant 0 : i32
    %dma_wait3A_229 = arith.constant 8192 : i32
    %dma_wait3A_230 = tpu.memref_slice %arg9[%dma_wait3A_229] : memref<16384xf32, #tpu.memory_space<vmem>> -> memref<4096xf32, #tpu.memory_space<vmem>>
    %dma_wait3A_231 = arith.constant 0 : i32
    %dma_wait3A_232 = tpu.memref_slice %arg4[%dma_wait3A_228, %dma_wait3A_231] : memref<16384x4096xf32, #tpu.memory_space<hbm>> -> memref<1x4096xf32, #tpu.memory_space<hbm>>
    %dma_wait3A_233 = tpu.memref_squeeze %dma_wait3A_232 : memref<1x4096xf32, #tpu.memory_space<hbm>> -> memref<4096xf32, #tpu.memory_space<hbm>>
    %dma_wait3A_234 = arith.constant 0 : i32
    %dma_wait3A_235 = tpu.memref_slice %arg4[%dma_wait3A_228, %dma_wait3A_234] : memref<16384x4096xf32, #tpu.memory_space<hbm>> -> memref<1x4096xf32, #tpu.memory_space<hbm>>
    %dma_wait3A_236 = tpu.memref_squeeze %dma_wait3A_235 : memref<1x4096xf32, #tpu.memory_space<hbm>> -> memref<4096xf32, #tpu.memory_space<hbm>>
    %dma_wait3A_237 = arith.constant 8192 : i32
    %dma_wait3A_238 = tpu.memref_slice %arg9[%dma_wait3A_237] : memref<16384xf32, #tpu.memory_space<vmem>> -> memref<4096xf32, #tpu.memory_space<vmem>>
    tpu.wait_dma2 semaphore(%arg13 : memref<!tpu.dma_semaphore, #tpu.memory_space<semaphore_mem>>) src(%dma_wait3A_238 : memref<4096xf32, #tpu.memory_space<vmem>>) dst(%dma_wait3A_236 : memref<4096xf32, #tpu.memory_space<hbm>>)
    %dma_wait3A_239 = arith.constant 0 : i32
    %dma_wait3A_240 = arith.constant 12288 : i32
    %dma_wait3A_241 = tpu.memref_slice %arg9[%dma_wait3A_240] : memref<16384xf32, #tpu.memory_space<vmem>> -> memref<4096xf32, #tpu.memory_space<vmem>>
    %dma_wait3A_242 = arith.constant 0 : i32
    %dma_wait3A_243 = tpu.memref_slice %arg4[%dma_wait3A_239, %dma_wait3A_242] : memref<16384x4096xf32, #tpu.memory_space<hbm>> -> memref<1x4096xf32, #tpu.memory_space<hbm>>
    %dma_wait3A_244 = tpu.memref_squeeze %dma_wait3A_243 : memref<1x4096xf32, #tpu.memory_space<hbm>> -> memref<4096xf32, #tpu.memory_space<hbm>>
    %dma_wait3A_245 = arith.constant 0 : i32
    %dma_wait3A_246 = tpu.memref_slice %arg4[%dma_wait3A_239, %dma_wait3A_245] : memref<16384x4096xf32, #tpu.memory_space<hbm>> -> memref<1x4096xf32, #tpu.memory_space<hbm>>
    %dma_wait3A_247 = tpu.memref_squeeze %dma_wait3A_246 : memref<1x4096xf32, #tpu.memory_space<hbm>> -> memref<4096xf32, #tpu.memory_space<hbm>>
    %dma_wait3A_248 = arith.constant 12288 : i32
    %dma_wait3A_249 = tpu.memref_slice %arg9[%dma_wait3A_248] : memref<16384xf32, #tpu.memory_space<vmem>> -> memref<4096xf32, #tpu.memory_space<vmem>>
    tpu.wait_dma2 semaphore(%arg13 : memref<!tpu.dma_semaphore, #tpu.memory_space<semaphore_mem>>) src(%dma_wait3A_249 : memref<4096xf32, #tpu.memory_space<vmem>>) dst(%dma_wait3A_247 : memref<4096xf32, #tpu.memory_space<hbm>>)
    %dma_wait3A_250 = arith.constant 0 : i32
    %dma_wait3A_251 = arith.constant 0 : i32
    %dma_wait3A_252 = tpu.memref_slice %arg10[%dma_wait3A_251] : memref<16384xf32, #tpu.memory_space<vmem>> -> memref<4096xf32, #tpu.memory_space<vmem>>
    %dma_wait3A_253 = arith.constant 0 : i32
    %dma_wait3A_254 = tpu.memref_slice %arg4[%dma_wait3A_250, %dma_wait3A_253] : memref<16384x4096xf32, #tpu.memory_space<hbm>> -> memref<1x4096xf32, #tpu.memory_space<hbm>>
    %dma_wait3A_255 = tpu.memref_squeeze %dma_wait3A_254 : memref<1x4096xf32, #tpu.memory_space<hbm>> -> memref<4096xf32, #tpu.memory_space<hbm>>
    %dma_wait3A_256 = arith.constant 0 : i32
    %dma_wait3A_257 = tpu.memref_slice %arg4[%dma_wait3A_250, %dma_wait3A_256] : memref<16384x4096xf32, #tpu.memory_space<hbm>> -> memref<1x4096xf32, #tpu.memory_space<hbm>>
    %dma_wait3A_258 = tpu.memref_squeeze %dma_wait3A_257 : memref<1x4096xf32, #tpu.memory_space<hbm>> -> memref<4096xf32, #tpu.memory_space<hbm>>
    %dma_wait3A_259 = arith.constant 0 : i32
    %dma_wait3A_260 = tpu.memref_slice %arg10[%dma_wait3A_259] : memref<16384xf32, #tpu.memory_space<vmem>> -> memref<4096xf32, #tpu.memory_space<vmem>>
    tpu.wait_dma2 semaphore(%arg14 : memref<!tpu.dma_semaphore, #tpu.memory_space<semaphore_mem>>) src(%dma_wait3A_260 : memref<4096xf32, #tpu.memory_space<vmem>>) dst(%dma_wait3A_258 : memref<4096xf32, #tpu.memory_space<hbm>>)
    %dma_wait3A_261 = arith.constant 0 : i32
    %dma_wait3A_262 = arith.constant 4096 : i32
    %dma_wait3A_263 = tpu.memref_slice %arg10[%dma_wait3A_262] : memref<16384xf32, #tpu.memory_space<vmem>> -> memref<4096xf32, #tpu.memory_space<vmem>>
    %dma_wait3A_264 = arith.constant 0 : i32
    %dma_wait3A_265 = tpu.memref_slice %arg4[%dma_wait3A_261, %dma_wait3A_264] : memref<16384x4096xf32, #tpu.memory_space<hbm>> -> memref<1x4096xf32, #tpu.memory_space<hbm>>
    %dma_wait3A_266 = tpu.memref_squeeze %dma_wait3A_265 : memref<1x4096xf32, #tpu.memory_space<hbm>> -> memref<4096xf32, #tpu.memory_space<hbm>>
    %dma_wait3A_267 = arith.constant 0 : i32
    %dma_wait3A_268 = tpu.memref_slice %arg4[%dma_wait3A_261, %dma_wait3A_267] : memref<16384x4096xf32, #tpu.memory_space<hbm>> -> memref<1x4096xf32, #tpu.memory_space<hbm>>
    %dma_wait3A_269 = tpu.memref_squeeze %dma_wait3A_268 : memref<1x4096xf32, #tpu.memory_space<hbm>> -> memref<4096xf32, #tpu.memory_space<hbm>>
    %dma_wait3A_270 = arith.constant 4096 : i32
    %dma_wait3A_271 = tpu.memref_slice %arg10[%dma_wait3A_270] : memref<16384xf32, #tpu.memory_space<vmem>> -> memref<4096xf32, #tpu.memory_space<vmem>>
    tpu.wait_dma2 semaphore(%arg14 : memref<!tpu.dma_semaphore, #tpu.memory_space<semaphore_mem>>) src(%dma_wait3A_271 : memref<4096xf32, #tpu.memory_space<vmem>>) dst(%dma_wait3A_269 : memref<4096xf32, #tpu.memory_space<hbm>>)
    %dma_wait3A_272 = arith.constant 0 : i32
    %dma_wait3A_273 = arith.constant 8192 : i32
    %dma_wait3A_274 = tpu.memref_slice %arg10[%dma_wait3A_273] : memref<16384xf32, #tpu.memory_space<vmem>> -> memref<4096xf32, #tpu.memory_space<vmem>>
    %dma_wait3A_275 = arith.constant 0 : i32
    %dma_wait3A_276 = tpu.memref_slice %arg4[%dma_wait3A_272, %dma_wait3A_275] : memref<16384x4096xf32, #tpu.memory_space<hbm>> -> memref<1x4096xf32, #tpu.memory_space<hbm>>
    %dma_wait3A_277 = tpu.memref_squeeze %dma_wait3A_276 : memref<1x4096xf32, #tpu.memory_space<hbm>> -> memref<4096xf32, #tpu.memory_space<hbm>>
    %dma_wait3A_278 = arith.constant 0 : i32
    %dma_wait3A_279 = tpu.memref_slice %arg4[%dma_wait3A_272, %dma_wait3A_278] : memref<16384x4096xf32, #tpu.memory_space<hbm>> -> memref<1x4096xf32, #tpu.memory_space<hbm>>
    %dma_wait3A_280 = tpu.memref_squeeze %dma_wait3A_279 : memref<1x4096xf32, #tpu.memory_space<hbm>> -> memref<4096xf32, #tpu.memory_space<hbm>>
    %dma_wait3A_281 = arith.constant 8192 : i32
    %dma_wait3A_282 = tpu.memref_slice %arg10[%dma_wait3A_281] : memref<16384xf32, #tpu.memory_space<vmem>> -> memref<4096xf32, #tpu.memory_space<vmem>>
    tpu.wait_dma2 semaphore(%arg14 : memref<!tpu.dma_semaphore, #tpu.memory_space<semaphore_mem>>) src(%dma_wait3A_282 : memref<4096xf32, #tpu.memory_space<vmem>>) dst(%dma_wait3A_280 : memref<4096xf32, #tpu.memory_space<hbm>>)
    %dma_wait3A_283 = arith.constant 0 : i32
    %dma_wait3A_284 = arith.constant 12288 : i32
    %dma_wait3A_285 = tpu.memref_slice %arg10[%dma_wait3A_284] : memref<16384xf32, #tpu.memory_space<vmem>> -> memref<4096xf32, #tpu.memory_space<vmem>>
    %dma_wait3A_286 = arith.constant 0 : i32
    %dma_wait3A_287 = tpu.memref_slice %arg4[%dma_wait3A_283, %dma_wait3A_286] : memref<16384x4096xf32, #tpu.memory_space<hbm>> -> memref<1x4096xf32, #tpu.memory_space<hbm>>
    %dma_wait3A_288 = tpu.memref_squeeze %dma_wait3A_287 : memref<1x4096xf32, #tpu.memory_space<hbm>> -> memref<4096xf32, #tpu.memory_space<hbm>>
    %dma_wait3A_289 = arith.constant 0 : i32
    %dma_wait3A_290 = tpu.memref_slice %arg4[%dma_wait3A_283, %dma_wait3A_289] : memref<16384x4096xf32, #tpu.memory_space<hbm>> -> memref<1x4096xf32, #tpu.memory_space<hbm>>
    %dma_wait3A_291 = tpu.memref_squeeze %dma_wait3A_290 : memref<1x4096xf32, #tpu.memory_space<hbm>> -> memref<4096xf32, #tpu.memory_space<hbm>>
    %dma_wait3A_292 = arith.constant 12288 : i32
    %dma_wait3A_293 = tpu.memref_slice %arg10[%dma_wait3A_292] : memref<16384xf32, #tpu.memory_space<vmem>> -> memref<4096xf32, #tpu.memory_space<vmem>>
    tpu.wait_dma2 semaphore(%arg14 : memref<!tpu.dma_semaphore, #tpu.memory_space<semaphore_mem>>) src(%dma_wait3A_293 : memref<4096xf32, #tpu.memory_space<vmem>>) dst(%dma_wait3A_291 : memref<4096xf32, #tpu.memory_space<hbm>>)
    return
  }
}

</mosaic_0001>

<sc_bundles>
// kernel: kernel.3.cloned.1.call-start
scs
__scs_entry_jumppad:
0x0: {  	(pc) =	sbr.rel $0x88, $3  }
0x1: {  	(tag) =	ssettag $0x0;
	lr =	simm.s32 $0x1  }
0x2: {  	[smem:$0x3F9F] =	sst lr;
	_ =	strace $0xD0000000  }
0x3: {  	_ = 	snop  }
0x4: {  	_ = 	snop  }
0x5: {  	_ = 	snop  }
0x6: {  	_ = 	snop  }
0x7: {  	_ = 	snop  }
__scs_overlays_trampoline_lowered:
0x8: {  	[smem:$0x3FAE] =	sst s0  }
0x9: {  	[smem:$0x3FAF] =	sst s1  }
0xa: {  	[smem:$0x3FB0] =	sst s2  }
0xb: {  	[smem:$0x3FB1] =	sst s3  }
0xc: {  	[smem:$0x3FB2] =	sst s4  }
0xd: {  	[smem:$0x3FB3] =	sst s5  }
0xe: {  	[smem:$0x3FB4] =	sst s6  }
0xf: {  	[smem:$0x3FB5] =	sst s7  }
0x10: {  	[smem:$0x3FB6] =	sst s8  }
0x11: {  	[smem:$0x3FB7] =	sst s9;
	s0 =	simm.s32 @!p0 $0x0  }
0x12: {  	s1 =	sld [smem:$0x3F9D];
	s0 =	simm.s32 @p0 $0x1  }
0x13: {  	[smem:$0x3FB8] =	sst s0;
	s0 =	simm.s32 @!p1 $0x0  }
0x14: {  	s2 =	sld [smem:$0x3F9C];
	s0 =	simm.s32 @p1 $0x1  }
0x15: {  	[smem:$0x3FB9] =	sst s0;
	s0 =	simm.s32 @!p2 $0x0  }
0x16: {  	s3 =	sld [smem:$0x3FDB];
	s0 =	simm.s32 @p2 $0x1  }
0x17: {  	s4 =	simm.s32 $0x1BF5;
	[smem:$0x3FBB] =	sst s0  }
0x18: {  	s0 =	sld [smem:$0x3F9E];
	_ =	swait.ge [sflag:s4], $0x0  }
0x19: {  	s7 =	sld [smem:$0x3F9F]  }
0x1a: {  	s8 =	sadd.s32 $0xFFFFE003, lr  }
0x1b: {  	s9 =	sadd.s32 $0xFFFFFEF7, lr;
	s5 =	simm.s32 $0xFFFFFFFF;
	p2 =	slt.u32 s8, $0xFFFFF086  }
0x1c: {  	p1 =	slt.u32 s9, $0xF7A;
	s5 =	simm.s32 @!p2 $0x0  }
0x1d: {  	s5 =	simm.s32 @p1 $0x1;
	p0 =	seq.s32 s7, s2  }
0x1e: {  	s7 =	smul.u32 @!p0 $0xF7A, s2;
	p2 =	seq.s32 @!p0 s5, $0x0  }
0x1f: {  	s9 =	smul.u32 $0xF7A, s1;
	s8 =	simm.s32 @!p0 $0x1BF5;
	p2 =	por !p2, p0  }
0x20: {  	[sflag:s8] =	ssyncset.s32 @!p0 $0xFFFFF086;
	s6 =	sadd.s32 @!p0 s3, s7;
	s7 =	simm.s32 @!p0 $0x108  }
0x21: {  	s3 =	sadd.s32 s3, s9;
	s6 =	sadd.s32 @!p0 $0x88, s6;
	s7 =	simm.s32 @p2 $0x1082  }
0x22: {  	[simem:s7], [sflag:s8] =	dma.local @!p0 [hbm:s6], $0xF7A  }
0x23: {  	s9 =	sor.u32 $0xD0000000, s2;
	s6 =	simm.s32 $0x108;
	_ =	swait.ge @!p0 [sflag:s8], $0x0  }
0x24: {  	s3 =	sadd.s32 $0x88, s3;
	s6 =	simm.s32 @!p1 $0x1082;
	[sflag:s4] =	ssyncset.s32 $0xFFFFF086  }
0x25: {  	[simem:s6], [sflag:s4] =	dma.local [hbm:s3], $0xF7A  }
0x26: {  	[smem:$0x3F9F] =	sst s1;
	(tag) =	ssettag s2;
	_ =	strace s9  }
0x27: {  	s1 =	sld [smem:$0x3FAF]  }
0x28: {  	s2 =	sld [smem:$0x3FB0]  }
0x29: {  	s4 =	sld [smem:$0x3FB2]  }
0x2a: {  	p0 =	seq.s32 s5, $0x0;
	s5 =	sld [smem:$0x3FB3]  }
0x2b: {  	s6 =	sld [smem:$0x3FB4]  }
0x2c: {  	s7 =	sld [smem:$0x3FB5]  }
0x2d: {  	s3 =	simm.s32 $0x108;
	s8 =	sld [smem:$0x3FB6]  }
0x2e: {  	s3 =	simm.s32 @!p0 $0x1082;
	s9 =	sld [smem:$0x3FB7]  }
0x2f: {  	lr =	sadd.s32 s0, s3;
	s0 =	sld [smem:$0x3FAE]  }
0x30: {  	s3 =	sld [smem:$0x3FB1]  }
0x31: {  	[smem:$0x3FBA] =	sst s10  }
0x32: {  	s10 =	sld [smem:$0x3FB8];
	_ =	sdelay $0x3  }
0x33: {  	p0 =	seq.s32 s10, $0x1;
	s10 =	sld [smem:$0x3FBA];
	_ =	sdelay $0x3  }
0x34: {  	[smem:$0x3FBA] =	sst s10  }
0x35: {  	s10 =	sld [smem:$0x3FB9];
	_ =	sdelay $0x3  }
0x36: {  	p1 =	seq.s32 s10, $0x1;
	s10 =	sld [smem:$0x3FBA];
	_ =	sdelay $0x3  }
0x37: {  	[smem:$0x3FBA] =	sst s10  }
0x38: {  	s10 =	sld [smem:$0x3FBB]  }
0x39: {  	_ = 	snop;
	(pc) =	sbr.ind lr, $3  }
0x3a: {  	_ = 	snop  }
0x3b: {  	_ = 	snop  }
0x3c: {  	p2 =	seq.s32 s10, $0x1;
	s10 =	sld [smem:$0x3FBA]  }
0x3d: {  	_ =	shalt  }
0x3e: {  	_ =	shalt  }
0x3f: {  	_ =	shalt  }
0x40: {  	_ =	shalt  }
0x41: {  	_ =	shalt  }
0x42: {  	_ =	shalt  }
0x43: {  	_ =	shalt  }
0x44: {  	_ =	shalt  }
0x45: {  	_ =	shalt  }
0x46: {  	_ =	shalt  }
0x47: {  	_ =	shalt  }
0x48: {  	_ =	shalt  }
0x49: {  	_ =	shalt  }
0x4a: {  	_ =	shalt  }
0x4b: {  	_ =	shalt  }
0x4c: {  	_ =	shalt  }
0x4d: {  	_ =	shalt  }
0x4e: {  	_ =	shalt  }
0x4f: {  	_ =	shalt  }
0x50: {  	_ =	shalt  }
0x51: {  	_ =	shalt  }
0x52: {  	_ =	shalt  }
0x53: {  	_ =	shalt  }
0x54: {  	_ =	shalt  }
0x55: {  	_ =	shalt  }
0x56: {  	_ =	shalt  }
0x57: {  	_ =	shalt  }
0x58: {  	_ =	shalt  }
0x59: {  	_ =	shalt  }
0x5a: {  	_ =	shalt  }
0x5b: {  	_ =	shalt  }
0x5c: {  	_ =	shalt  }
0x5d: {  	_ =	shalt  }
0x5e: {  	_ =	shalt  }
0x5f: {  	_ =	shalt  }
0x60: {  	_ =	shalt  }
0x61: {  	_ =	shalt  }
0x62: {  	_ =	shalt  }
0x63: {  	_ =	shalt  }
0x64: {  	_ =	shalt  }
0x65: {  	_ =	shalt  }
0x66: {  	_ =	shalt  }
0x67: {  	_ =	shalt  }
0x68: {  	_ =	shalt  }
0x69: {  	_ =	shalt  }
0x6a: {  	_ =	shalt  }
0x6b: {  	_ =	shalt  }
0x6c: {  	_ =	shalt  }
0x6d: {  	_ =	shalt  }
0x6e: {  	_ =	shalt  }
0x6f: {  	_ =	shalt  }
0x70: {  	_ =	shalt  }
0x71: {  	_ =	shalt  }
0x72: {  	_ =	shalt  }
0x73: {  	_ =	shalt  }
0x74: {  	_ =	shalt  }
0x75: {  	_ =	shalt  }
0x76: {  	_ =	shalt  }
0x77: {  	_ =	shalt  }
0x78: {  	_ =	shalt  }
0x79: {  	_ =	shalt  }
0x7a: {  	_ =	shalt  }
0x7b: {  	_ =	shalt  }
0x7c: {  	_ =	shalt  }
0x7d: {  	_ =	shalt  }
0x7e: {  	_ =	shalt  }
0x7f: {  	_ =	shalt  }
0x80: {  	_ =	shalt  }
0x81: {  	_ =	shalt  }
0x82: {  	_ =	shalt  }
0x83: {  	_ =	shalt  }
0x84: {  	_ =	shalt  }
0x85: {  	_ =	shalt  }
0x86: {  	_ =	shalt  }
0x87: {  	_ =	shalt  }
.Lfunc_end0:
.L_simem_size_0:
called_computation_lowered:
.L_overlay_start_0:
0x88: {  	s2 =	sld [smem:$0x3FD9]  }
0x89: {  	s3 =	sld [smem:$0x3FFE];
	_ =	sdelay $0x1  }
0x8a: {  	s1 =	srdreg.scid  }
0x8b: {  	s0 =	sand.u32 $0x1, s1  }
0x8c: {  	s18 =	sshll.u32 s0, $0xA;
	s2 =	sadd.s32 s3, s2  }
0x8d: {  	s2 =	sadd.s32 s2, s18  }
0x8e: {  	[smem:$0x3FC6] =	sst s2  }
0x8f: {  	_ = 	snop  }
0x90: {  	s2 =	sld [smem:$0x3FC9]  }
0x91: {  	s19 =	sld [smem:$0x3FC8]  }
0x92: {  	s4 =	sld [smem:$0x3FD0];
	(tm) =	ssettm $0x1  }
0x93: {  	s5 =	sld [smem:$0x3FFB];
	_ =	sdelay $0x3  }
0x94: {  	_ =	strace s5  }
0x95: {  	s5 =	sld [smem:$0x3FFC];
	_ =	sdelay $0x3  }
0x96: {  	_ =	strace s5  }
0x97: {  	s5 =	sld [smem:$0x3FFD];
	_ =	sdelay $0x3  }
0x98: {  	_ =	strace s5  }
0x99: {  	_ =	strace $0x8FFFFFFF  }
0x9a: {  	s20 =	sld [smem:$0x3FDB];
	_ =	sdelay $0x1  }
0x9b: {  	s6 =	simm.s32 $_scs_section_size  }
0x9c: {  	s7 =	simm.s32 $_size__tile_overlayer_lowered;
	s8 =	simm.s32 $_tile_overlayer_lowered  }
0x9d: {  	s23 =	simm.s32 $0x1BFF;
	s22 =	sshll.u32 s8, $0x1;
	s5 =	sadd.s32 s6, s20  }
0x9e: {  	s9 =	simm.s32 $0x0;
	s21 =	sshll.u32 s7, $0x1;
	s7 =	sadd.s32 s22, s5  }
0x9f: {  	[timem:s9], [sflag:s23] =	dma.local [hbm:s7], s21  }
0xa0: {  	_ =	swait.ge [sflag:s23], s21  }
0xa1: {  	s6 =	ssub.s32 $0x0, s21;
	[sflag:s23] =	ssyncset.done $0x0  }
0xa2: {  	[sflag:s23] =	ssyncadd.s32 s6;
	_ =	sdelay $0x1  }
0xa3: {  	s24 =	simm.s32 $0x1B8B  }
0xa4: {  	_ =	swait.ge [sflag:s24], $0x1  }
0xa5: {  	[sflag:s24] =	ssyncset.done $0x0  }
0xa6: {  	s25 =	simm.s32 $0x1B8E;
	[sflag:s24] =	ssyncadd.s32 $0xFFFFFFFF  }
0xa7: {  	s26 =	simm.s32 $execute0_lowered;
	[smem:$0x3FD2] =	sst s25  }
0xa8: {  	s6 =	sshll.u32 s26, $0x1;
	_ =	strace $0x80000046;
	[dreg:$0x1] =	wrdreg $0xFFFFFFFF  }
0xa9: {  	s28 =	simm.s32 $_size_execute0_lowered;
	s5 =	sadd.s32 s5, s6;
	[dreg:$0x0] =	wrdreg $0x0  }
0xaa: {  	s6 =	sshll.u32 s28, $0x1;
	[dreg:$0x2] =	wrdreg s5  }
0xab: {  	[dreg:$0x3] =	wrdreg s6  }
0xac: {  	[dreg:$0x4] =	wrdreg $0xC0  }
0xad: {  	_ =	task [dreg:s9], $0x5FFFF  }
0xae: {  	[dreg:$0x1] =	wrdreg $0xFFFFFFFF  }
0xaf: {  	[dreg:$0x0] =	wrdreg $0x60  }
0xb0: {  	[dreg:$0x2] =	wrdreg s2  }
0xb1: {  	[dreg:$0x3] =	wrdreg s19  }
0xb2: {  	[dreg:$0x4] =	wrdreg s4  }
0xb3: {  	[dreg:$0x5] =	wrdreg $0x9  }
0xb4: {  	_ =	task.clear_ibuf [dreg:s9], $0x6FFFF;
	_ =	strace $0x90000046  }
0xb5: {  	s29 =	simm.s32 $0x9;
	_ =	strace $0x80000048  }
0xb6: {  	_ =	swait.ge [sflag:s29], $0x1  }
0xb7: {  	[sflag:s29] =	ssyncadd.s32 $0xFFFFFFFF  }
0xb8: {  	_ =	strace $0x90000048  }
0xb9: {  	_ =	sfence  }
0xba: {  	s30 =	sld [smem:$0x0];
	_ =	sdelay $0x2  }
0xbb: {  	s31 =	sshll.u32 s1, $0xD;
	s1 =	sshrl.u32 s1, $0x2  }
0xbc: {  	s3 =	sand.u32 $0x4000, s31;
	s1 =	sadd.s32 s1, s30  }
0xbd: {  	s0 =	sor.u32 s3, s0;
	s1 =	sshll.u32 s1, $0x11  }
0xbe: {  	s0 =	sor.u32 s1, s0  }
0xbf: {  	s0 =	sadd.s32 $0x8F2B, s0  }
0xc0: {  	[sflag:s0] =	ssyncadd.remote.s32 $0x1  }
0xc1: {  	_ =	sfence.sel $0xFFFF  }
0xc2: {  	[dreg:$0x0] =	wrdreg $0xFFFFFFFF;
	(pc) =	sbr.abs _section_cstart, $3  }
0xc3: {  	[dreg:$0x1] =	wrdreg $0xFFFFFFFF  }
0xc4: {  	_ =	task.clear_ibuf [dreg:s9], $0x2FFFF;
	_ =	strace $0x9FFFFFFF  }
0xc5: {  	(tm) =	ssettm $0x7FFFFFFF  }
tec
execute0_lowered:
.L_overlay_start_1:
0x0: {  	(tag) =	ssettag $0x1  }
0x1: {  	s3 =	rddreg [dreg:$0x0]  }
0x2: {  	s4 =	rddreg [dreg:$0x1]  }
0x3: {  	s5 =	rddreg [dreg:$0x2]  }
0x4: {  	s0 =	srdreg.scid;
	s2 =	simm.s32 $0x0;
	s1 =	stileid.u32  }
0x5: {  	s28 =	simm.s32 $0xD000;
	s0 =	sand.u32 $0x1, s0;
	[smem:$0x7FF] =	sst s2  }
0x6: {  	s1 =	sshll.u32 s1, $0xA;
	s7 =	sadd.s32 $0x10, s3;
	s31 =	sadd.s32 $0x20, s3  }
0x7: {  	s8 =	sadd.s32 $0x30, s3;
	s9 =	sadd.s32 $0x40, s3;
	s11 =	sadd.s32 $0x50, s3  }
0x8: {  	s12 =	sadd.s32 $0x60, s3;
	s25 =	sadd.s32 $0x10, s4;
	s26 =	sshll.u32 s0, $0x9  }
0x9: {  	_ =	strace $0x80000047;
	s0 =	ssub.s32 $0x2, s0;
	[dreg:$0xa] =	wrdreg s7  }
0xa: {  	[dreg:$0xb] =	wrdreg s31;
	s16 =	smov.u32 s8;
	s17 =	smov.u32 s9  }
0xb: {  	[dreg:$0x18] =	wrdreg s25;
	s6 =	sor.u32 s26, s1;
	s26 =	sadd.s32 $0x20, s4  }
0xc: {  	s29 =	sshrl.u32 s0, $0x1;
	s2 =	sshll.u32 s6, $0x9;
	[dreg:$0x19] =	wrdreg s26  }
0xd: {  	s0 =	ssub.s32 s0, s29;
	s29 =	sadd.s32 $0x30, s4;
	[dreg:$0x4] =	wrdreg s6  }
0xe: {  	s18 =	smov.u32 s11;
	s7 =	sadd.s32 s2, s7;
	[dreg:$0x1a] =	wrdreg s29  }
0xf: {  	s25 =	simm.s32 $0x400;
	s8 =	sadd.s32 s2, s8;
	[dreg:$0x6] =	wrdreg s7  }
0x10: {  	s1 =	simm.s32 $0x0;
	s10 =	sadd.s32 s2, s9;
	[dreg:$0x8] =	wrdreg s8  }
0x11: {  	s26 =	simm.s32 $0x5000;
	s13 =	sadd.s32 s2, s12;
	[dreg:$0x9] =	wrdreg s10  }
0x12: {  	s4 =	simm.s32 $0x2;
	s0 =	smax.u32 s0, $0x1;
	[dreg:$0xd] =	wrdreg s13  }
0x13: {  	s30 =	sadd.s32 s3, s2;
	s3 =	sadd.s32 $0x70, s3;
	[dreg:$0x12] =	wrdreg s0  }
0x14: {  	s9 =	sadd.s32 $0x10, s5;
	s7 =	sadd.s32 s2, s31;
	[dreg:$0x5] =	wrdreg s30  }
0x15: {  	s14 =	sadd.s32 $0x1000, s30;
	s15 =	sadd.s32 $0x1010, s30;
	[dreg:$0x7] =	wrdreg s7  }
0x16: {  	s19 =	sadd.s32 $0x1020, s30;
	s20 =	sadd.s32 $0x1030, s30;
	[dreg:$0xf] =	wrdreg s14  }
0x17: {  	s21 =	sadd.s32 $0x1040, s30;
	s22 =	sadd.s32 $0x1050, s30;
	[dreg:$0x10] =	wrdreg s15  }
0x18: {  	s23 =	sadd.s32 $0x1060, s30;
	s24 =	sadd.s32 $0x1070, s30;
	[dreg:$0x11] =	wrdreg s19  }
0x19: {  	s13 =	sadd.s32 $0x20, s5;
	s30 =	sor.u32 $0x10, s6;
	[dreg:$0x13] =	wrdreg s20  }
0x1a: {  	s31 =	sor.u32 $0x18, s6;
	s6 =	simm.s32 $0x4;
	[dreg:$0x14] =	wrdreg s21  }
0x1b: {  	s7 =	sadd.s32 s2, s11;
	s11 =	smov.u32 s12;
	[dreg:$0x15] =	wrdreg s22  }
0x1c: {  	s12 =	smov.u32 s3;
	s2 =	sadd.s32 s2, s3;
	[dreg:$0x16] =	wrdreg s23  }
.Ltmp0:
0x1d: {  	[dreg:$0x17] =	wrdreg s24;
	s14 =	sadd.s32 $0x30, s5;
	(pc) =	sbr.rel .LBB2_1-.Ltmp0, $4  }
0x1e: {  	s15 =	sadd.s32 $0x40, s5;
	s19 =	sadd.s32 $0x50, s5;
	[dreg:$0x1b] =	wrdreg s30  }
0x1f: {  	s20 =	sadd.s32 $0x60, s5;
	s21 =	sadd.s32 $0x70, s5;
	[dreg:$0x1c] =	wrdreg s31  }
0x20: {  	s24 =	simm.s32 $0x80;
	s5 =	simm.s32 $0x1;
	[dreg:$0xc] =	wrdreg s7  }
0x21: {  	s23 =	simm.s32 $0x3;
	s22 =	simm.s32 $0x0;
	[dreg:$0xe] =	wrdreg s2  }
.LBB2_14:
0x22: {  	_ =	swait.ge [sflag:s23], $0x1000  }
0x23: {  	[sflag:s23] =	ssyncset.done $0x0  }
0x24: {  	[sflag:s23] =	ssyncadd.s32 $0xFFFFF000  }
0x25: {  	_ =	swait.ge [sflag:s23], $0x1000  }
0x26: {  	[sflag:s23] =	ssyncset.done $0x0  }
0x27: {  	[sflag:s23] =	ssyncadd.s32 $0xFFFFF000  }
0x28: {  	_ =	swait.ge [sflag:s23], $0x1000  }
0x29: {  	[sflag:s23] =	ssyncset.done $0x0  }
0x2a: {  	[sflag:s23] =	ssyncadd.s32 $0xFFFFF000  }
0x2b: {  	_ =	swait.ge [sflag:s23], $0x1000  }
0x2c: {  	[sflag:s23] =	ssyncset.done $0x0  }
0x2d: {  	[sflag:s23] =	ssyncadd.s32 $0xFFFFF000  }
0x2e: {  	_ =	swait.ge [sflag:s6], $0x1000  }
0x2f: {  	[sflag:s6] =	ssyncset.done $0x0  }
0x30: {  	[sflag:s6] =	ssyncadd.s32 $0xFFFFF000  }
0x31: {  	_ =	swait.ge [sflag:s6], $0x1000  }
0x32: {  	[sflag:s6] =	ssyncset.done $0x0  }
0x33: {  	[sflag:s6] =	ssyncadd.s32 $0xFFFFF000  }
0x34: {  	_ =	swait.ge [sflag:s6], $0x1000  }
0x35: {  	[sflag:s6] =	ssyncset.done $0x0  }
0x36: {  	[sflag:s6] =	ssyncadd.s32 $0xFFFFF000  }
0x37: {  	_ =	swait.ge [sflag:s6], $0x1000  }
0x38: {  	s1 =	rddreg [dreg:$0x1d]  }
0x39: {  	s0 =	rddreg [dreg:$0x12];
	s1 =	sadd.s32 $0x1, s1  }
0x3a: {  	p0 =	sne.s32 s1, s0  }
.Ltmp1:
0x3b: {  	_ = 	snop;
	(pc) =	sbr.rel @!p0 .LBB2_15-.Ltmp1, $3  }
0x3c: {  	_ =	sdelay $0x1  }
0x3d: {  	[sflag:s6] =	ssyncset.done $0x0  }
0x3e: {  	[sflag:s6] =	ssyncadd.s32 $0xFFFFF000  }
.LBB2_1:
0x3f: {  	[dreg:$0x1d] =	wrdreg s1  }
0x40: {  	s0 =	rddreg [dreg:$0x5]  }
0x41: {  	s30 =	rddreg [dreg:$0x6]  }
0x42: {  	[tilespmem:s26], [sflag:$0x1] =	stream.strided.gather [hbm4b:s0+s24], $0x1000, s25, s24, $0x38;
	[tilespmem:$0x1D000] =	vst v63  }
0x43: {  	s31 =	simm.s32 $0x6000;
	s2 =	rddreg [dreg:$0x7]  }
0x44: {  	[tilespmem:s31], [sflag:$0x1] =	stream.strided.gather [hbm4b:s30+s24], $0x1000, s25, s24, $0x38;
	[tilespmem:$0x1D000] =	vst v63  }
0x45: {  	s3 =	simm.s32 $0x7000;
	s7 =	rddreg [dreg:$0x8]  }
0x46: {  	[tilespmem:s3], [sflag:$0x1] =	stream.strided.gather [hbm4b:s2+s24], $0x1000, s25, s24, $0x38;
	[tilespmem:$0x1D000] =	vst v63  }
0x47: {  	s8 =	simm.s32 $0x8000;
	s10 =	rddreg [dreg:$0x9]  }
0x48: {  	[tilespmem:s8], [sflag:$0x1] =	stream.strided.gather [hbm4b:s7+s24], $0x1000, s25, s24, $0x38;
	[tilespmem:$0x1D000] =	vst v63  }
0x49: {  	s29 =	simm.s32 $0x9000;
	s1 =	rddreg [dreg:$0xd]  }
0x4a: {  	[tilespmem:s29], [sflag:$0x1] =	stream.strided.gather [hbm4b:s10+s24], $0x1000, s25, s24, $0x38;
	[tilespmem:$0x1D000] =	vst v63  }
0x4b: {  	s30 =	rddreg [dreg:$0xc];
	s31 =	simm.s32 $0xA000  }
0x4c: {  	[tilespmem:s31], [sflag:$0x1] =	stream.strided.gather [hbm4b:s30+s24], $0x1000, s25, s24, $0x38;
	[tilespmem:$0x1D000] =	vst v63  }
0x4d: {  	s2 =	simm.s32 $0xB000;
	s3 =	rddreg [dreg:$0xe]  }
0x4e: {  	[tilespmem:s2], [sflag:$0x1] =	stream.strided.gather [hbm4b:s1+s24], $0x1000, s25, s24, $0x38;
	[tilespmem:$0x1D000] =	vst v63  }
0x4f: {  	s7 =	simm.s32 $0xC000;
	s8 =	rddreg [dreg:$0xf]  }
0x50: {  	[tilespmem:s7], [sflag:$0x1] =	stream.strided.gather [hbm4b:s3+s24], $0x1000, s25, s24, $0x38;
	[tilespmem:$0x1D000] =	vst v63  }
0x51: {  	s10 =	rddreg [dreg:$0x10]  }
0x52: {  	[tilespmem:s28], [sflag:$0x2] =	stream.strided.gather [hbm4b:s8+s24], $0x1000, s25, s24, $0x38;
	[tilespmem:$0x1D000] =	vst v63  }
0x53: {  	s29 =	simm.s32 $0xE000;
	s30 =	rddreg [dreg:$0x11]  }
0x54: {  	[tilespmem:s29], [sflag:$0x2] =	stream.strided.gather [hbm4b:s10+s24], $0x1000, s25, s24, $0x38;
	[tilespmem:$0x1D000] =	vst v63  }
0x55: {  	s31 =	simm.s32 $0xF000;
	s2 =	rddreg [dreg:$0x13]  }
0x56: {  	[tilespmem:s31], [sflag:$0x2] =	stream.strided.gather [hbm4b:s30+s24], $0x1000, s25, s24, $0x38;
	[tilespmem:$0x1D000] =	vst v63  }
0x57: {  	s1 =	rddreg [dreg:$0x17];
	s3 =	simm.s32 $0x10000  }
0x58: {  	[tilespmem:s3], [sflag:$0x2] =	stream.strided.gather [hbm4b:s2+s24], $0x1000, s25, s24, $0x38;
	[tilespmem:$0x1D000] =	vst v63  }
0x59: {  	s7 =	rddreg [dreg:$0x14];
	s8 =	simm.s32 $0x11000  }
0x5a: {  	[tilespmem:s8], [sflag:$0x2] =	stream.strided.gather [hbm4b:s7+s24], $0x1000, s25, s24, $0x38;
	[tilespmem:$0x1D000] =	vst v63  }
0x5b: {  	s10 =	rddreg [dreg:$0x15];
	s29 =	simm.s32 $0x12000  }
0x5c: {  	[tilespmem:s29], [sflag:$0x2] =	stream.strided.gather [hbm4b:s10+s24], $0x1000, s25, s24, $0x38;
	[tilespmem:$0x1D000] =	vst v63  }
0x5d: {  	s30 =	rddreg [dreg:$0x16];
	s31 =	simm.s32 $0x13000  }
0x5e: {  	[tilespmem:s31], [sflag:$0x2] =	stream.strided.gather [hbm4b:s30+s24], $0x1000, s25, s24, $0x38;
	[tilespmem:$0x1D000] =	vst v63  }
0x5f: {  	s2 =	simm.s32 $0x14000;
	s3 =	rddreg [dreg:$0x1]  }
0x60: {  	[tilespmem:s2], [sflag:$0x2] =	stream.strided.gather [hbm4b:s1+s24], $0x1000, s25, s24, $0x38;
	[tilespmem:$0x1D000] =	vst v63  }
0x61: {  	s10 =	simm.s32 $0x0;
	s1 =	simm.s32 $0x200;
	s2 =	simm.s32 $0x5  }
0x62: {  	[tilespmem:s10], [sflag:$0x5] =	stream.strided.gather [hbm4b:s3+s24], $0x1000, s1, s24, $0x38;
	[tilespmem:$0x1D000] =	vst v63  }
0x63: {  	_ =	swait.ge [sflag:s2], $0x1000  }
0x64: {  	[sflag:s2] =	ssyncset.done $0x0  }
0x65: {  	s3 =	simm.s32 $0x1000;
	s7 =	rddreg [dreg:$0x18];
	[sflag:s2] =	ssyncadd.s32 $0xFFFFF000  }
0x66: {  	[tilespmem:s3], [sflag:$0x5] =	stream.strided.gather [hbm4b:s7+s24], $0x1000, s1, s24, $0x38;
	[tilespmem:$0x1D000] =	vst v63  }
0x67: {  	_ =	swait.ge [sflag:s2], $0x1000  }
0x68: {  	[sflag:s2] =	ssyncset.done $0x0  }
0x69: {  	s29 =	simm.s32 $0x2000;
	s8 =	rddreg [dreg:$0x19];
	[sflag:s2] =	ssyncadd.s32 $0xFFFFF000  }
0x6a: {  	[tilespmem:s29], [sflag:$0x5] =	stream.strided.gather [hbm4b:s8+s24], $0x1000, s1, s24, $0x38;
	[tilespmem:$0x1D000] =	vst v63  }
0x6b: {  	_ =	swait.ge [sflag:s2], $0x1000  }
0x6c: {  	[sflag:s2] =	ssyncset.done $0x0  }
0x6d: {  	s31 =	simm.s32 $0x3000;
	s30 =	rddreg [dreg:$0x1a];
	[sflag:s2] =	ssyncadd.s32 $0xFFFFF000  }
0x6e: {  	[tilespmem:s31], [sflag:$0x5] =	stream.strided.gather [hbm4b:s30+s24], $0x1000, s1, s24, $0x38;
	[tilespmem:$0x1D000] =	vst v63  }
0x6f: {  	_ =	swait.ge [sflag:s2], $0x1000  }
0x70: {  	[sflag:s2] =	ssyncset.done $0x0  }
0x71: {  	s7 =	sand.u32 $0xFC0, s10;
	[sflag:s2] =	ssyncadd.s32 $0xFFFFF000  }
0x72: {  	v0 =	vld [tilespmem:s7+$0x3000]  }
0x73: {  	s8 =	simm.s32 $0x3030  }
0x74: {  	v1 =	vld [tilespmem:s8+$0xFFFFFFE0]  }
0x75: {  	v2 =	vld [tilespmem:s8+$0xFFFFFFF0]  }
0x76: {  	v3 =	vld [tilespmem:s8+$0x0]  }
0x77: {  	v0 =	vadd.s32 $0x2000, v0;
	_ =	sdelay $0x1  }
0x78: {  	s29 =	simm.s32 $0x40;
	v1 =	vadd.s32 $0x2000, v1  }
0x79: {  	s0 =	sand.u32 $0xFC0, s29;
	v2 =	vadd.s32 $0x2000, v2  }
0x7a: {  	v4 =	vld [tilespmem:s0+$0x3000];
	v3 =	vadd.s32 $0x2000, v3  }
0x7b: {  	s30 =	simm.s32 $0x3070;
	v0 =	vld.idx.msk [tilespmem:v0+s10+$0x0], $0xffff  }
0x7c: {  	v6 =	vld [tilespmem:s30+$0xFFFFFFE0]  }
0x7d: {  	v1 =	vld.idx.msk [tilespmem:v1+s10+$0x0], $0xffff  }
0x7e: {  	v2 =	vld.idx.msk [tilespmem:v2+s10+$0x0], $0xffff  }
0x7f: {  	v4 =	vadd.s32 $0x2000, v4;
	v3 =	vld.idx.msk [tilespmem:v3+s10+$0x0], $0xffff  }
0x80: {  	v7 =	vld [tilespmem:s30+$0xFFFFFFF0];
	v5 =	vadd.s32 $0x1000, v0  }
0x81: {  	s3 =	simm.s32 $0x80;
	v8 =	vld [tilespmem:s30+$0x0];
	v6 =	vadd.s32 $0x2000, v6  }
0x82: {  	s31 =	sand.u32 $0xFC0, s3;
	v1 =	vadd.s32 $0x1000, v1  }
0x83: {  	v10 =	vld [tilespmem:s31+$0x3000];
	v2 =	vadd.s32 $0x1000, v2  }
0x84: {  	v13 =	vld.idx.msk [tilespmem:v4+s10+$0x0], $0xffff;
	v3 =	vadd.s32 $0x1000, v3  }
0x85: {  	v7 =	vadd.s32 $0x2000, v7;
	v5 =	vld.idx.msk [tilespmem:v5+s10+$0x0], $0xffff  }
0x86: {  	v8 =	vadd.s32 $0x2000, v8;
	v14 =	vld.idx.msk [tilespmem:v6+s10+$0x0], $0xffff  }
0x87: {  	v9 =	vld.idx.msk [tilespmem:v1+s10+$0x0], $0xffff  }
0x88: {  	v11 =	vld.idx.msk [tilespmem:v2+s10+$0x0], $0xffff  }
0x89: {  	v12 =	vld.idx.msk [tilespmem:v3+s10+$0x0], $0xffff  }
0x8a: {  	v15 =	vld.idx.msk [tilespmem:v7+s10+$0x0], $0xffff  }
0x8b: {  	s1 =	simm.s32 $0x30B0;
	v6 =	vld.idx.msk [tilespmem:v8+s10+$0x0], $0xffff  }
0x8c: {  	v0 =	vld [tilespmem:s1+$0xFFFFFFE0]  }
0x8d: {  	v2 =	vld.idx.msk [tilespmem:v5+s10+$0x0], $0xffff  }
0x8e: {  	v1 =	vld [tilespmem:s1+$0xFFFFFFF0]  }
0x8f: {  	v3 =	vld.idx.msk [tilespmem:v9+s10+$0x0], $0xffff;
	v9 =	vadd.s32 $0x1000, v13  }
0x90: {  	s2 =	simm.s32 $0x0;
	v7 =	vadd.s32 $0x1000, v14;
	v4 =	vld.idx.msk [tilespmem:v11+s10+$0x0], $0xffff  }
0x91: {  	s0 =	simm.s32 $0x4020;
	s7 =	simm.s32 $0x8;
	s8 =	simm.s32 $0x30F0;
	v8 =	vadd.s32 $0x1000, v15;
	v5 =	vld.idx.msk [tilespmem:v12+s10+$0x0], $0xffff  }
.LBB2_2:
0x92: {  	v11 =	vld [tilespmem:s8+$0xFFFFFFE0];
	[tilespmem:s0+$0xFFFFFFE0] =	vst v2  }
0x93: {  	v6 =	vadd.s32 $0x1000, v6;
	v2 =	vld [tilespmem:s1+$0x0];
	s1 =	smov.u32 s8  }
0x94: {  	v10 =	vadd.s32 $0x2000, v10;
	v9 =	vld.idx.msk [tilespmem:v9+s2+$0x0], $0xffff;
	[tilespmem:s0+$0xFFFFFFF0] =	vst v3  }
0x95: {  	v3 =	vadd.s32 $0x2000, v0;
	v7 =	vld.idx.msk [tilespmem:v7+s2+$0x0], $0xffff  }
0x96: {  	v12 =	vadd.s32 $0x2000, v1;
	v8 =	vld.idx.msk [tilespmem:v8+s2+$0x0], $0xffff;
	[tilespmem:s0+$0x0] =	vst v4  }
0x97: {  	v1 =	vld [tilespmem:s8+$0xFFFFFFF0];
	[tilespmem:s0+$0x10] =	vst v5;
	v0 =	vmov v11  }
0x98: {  	v4 =	vadd.s32 $0x2000, v2;
	v5 =	vld.idx.msk [tilespmem:v6+s2+$0x0], $0xffff  }
0x99: {  	v11 =	vld.idx.msk [tilespmem:v10+s22+$0x0], $0xffff  }
0x9a: {  	v13 =	vld.idx.msk [tilespmem:v3+s22+$0x0], $0xffff  }
0x9b: {  	s7 =	sadd.s32 $0x4, s7;
	v12 =	vld.idx.msk [tilespmem:v12+s22+$0x0], $0xffff  }
0x9c: {  	p0 =	slt.u32 s7, $0xFC;
	v2 =	vld.idx.msk [tilespmem:v9+s2+$0x0], $0xffff  }
.Ltmp2:
0x9d: {  	s3 =	sadd.s32 $0x40, s3;
	v6 =	vld.idx.msk [tilespmem:v4+s22+$0x0], $0xffff;
	(pc) =	sbr.rel @p0 .LBB2_2-.Ltmp2, $4  }
0x9e: {  	s29 =	sand.u32 $0xFC0, s3;
	v3 =	vld.idx.msk [tilespmem:v7+s2+$0x0], $0xffff  }
0x9f: {  	v9 =	vadd.s32 $0x1000, v11;
	v10 =	vld [tilespmem:s29+$0x3000]  }
0xa0: {  	v7 =	vadd.s32 $0x1000, v13;
	v4 =	vld.idx.msk [tilespmem:v8+s2+$0x0], $0xffff  }
0xa1: {  	s8 =	sadd.s32 $0x40, s8;
	s0 =	sadd.s32 $0x40, s0;
	v8 =	vadd.s32 $0x1000, v12;
	v5 =	vld.idx.msk [tilespmem:v5+s2+$0x0], $0xffff;
	s2 =	smov.u32 s22  }
0xa2: {  	v11 =	vld [tilespmem:s1+$0x0];
	_ =	sdelay $0x1  }
0xa3: {  	v0 =	vadd.s32 $0x2000, v0  }
0xa4: {  	v1 =	vadd.s32 $0x2000, v1  }
0xa5: {  	v10 =	vadd.s32 $0x2000, v10  }
0xa6: {  	v11 =	vadd.s32 $0x2000, v11;
	_ =	sdelay $0x1  }
0xa7: {  	v0 =	vld.idx.msk [tilespmem:v0+s22+$0x0], $0xffff  }
0xa8: {  	v1 =	vld.idx.msk [tilespmem:v1+s22+$0x0], $0xffff  }
0xa9: {  	v10 =	vld.idx.msk [tilespmem:v10+s22+$0x0], $0xffff  }
0xaa: {  	v11 =	vld.idx.msk [tilespmem:v11+s22+$0x0], $0xffff  }
0xab: {  	v6 =	vadd.s32 $0x1000, v6  }
0xac: {  	v0 =	vadd.s32 $0x1000, v0  }
0xad: {  	v9 =	vld.idx.msk [tilespmem:v9+s2+$0x0], $0xffff;
	v1 =	vadd.s32 $0x1000, v1  }
0xae: {  	v7 =	vld.idx.msk [tilespmem:v7+s2+$0x0], $0xffff;
	v10 =	vadd.s32 $0x1000, v10  }
0xaf: {  	v8 =	vld.idx.msk [tilespmem:v8+s2+$0x0], $0xffff;
	v11 =	vadd.s32 $0x1000, v11  }
0xb0: {  	v6 =	vld.idx.msk [tilespmem:v6+s2+$0x0], $0xffff  }
0xb1: {  	v0 =	vld.idx.msk [tilespmem:v0+s22+$0x0], $0xffff  }
0xb2: {  	v1 =	vld.idx.msk [tilespmem:v1+s22+$0x0], $0xffff  }
0xb3: {  	v10 =	vld.idx.msk [tilespmem:v10+s22+$0x0], $0xffff  }
0xb4: {  	v11 =	vld.idx.msk [tilespmem:v11+s22+$0x0], $0xffff  }
0xb5: {  	v9 =	vld.idx.msk [tilespmem:v9+s2+$0x0], $0xffff  }
0xb6: {  	[tilespmem:s0+$0xFFFFFFE0] =	vst v2;
	v59 =	vld.idx.msk [tilespmem:v7+s2+$0x0], $0xffff  }
0xb7: {  	[tilespmem:s0+$0xFFFFFFF0] =	vst v3;
	v60 =	vld.idx.msk [tilespmem:v8+s2+$0x0], $0xffff  }
0xb8: {  	[tilespmem:s0+$0x0] =	vst v4;
	v61 =	vld.idx.msk [tilespmem:v6+s2+$0x0], $0xffff  }
0xb9: {  	s31 =	sadd.s32 $0x40, s0;
	[tilespmem:s0+$0x10] =	vst v5;
	v0 =	vld.idx.msk [tilespmem:v0+s22+$0x0], $0xffff  }
0xba: {  	[tilespmem:s31+$0xFFFFFFE0] =	vst v9;
	v1 =	vld.idx.msk [tilespmem:v1+s22+$0x0], $0xffff  }
0xbb: {  	[tilespmem:s31+$0xFFFFFFF0] =	vst v59;
	v62 =	vld.idx.msk [tilespmem:v10+s22+$0x0], $0xffff  }
0xbc: {  	[tilespmem:s31+$0x0] =	vst v60;
	v63 =	vld.idx.msk [tilespmem:v11+s22+$0x0], $0xffff  }
0xbd: {  	s0 =	sadd.s32 $0x40, s31;
	[tilespmem:s31+$0x10] =	vst v61  }
0xbe: {  	[tilespmem:s0+$0xFFFFFFF0] =	vst v0  }
0xbf: {  	[tilespmem:s0+$0x0] =	vst v1  }
0xc0: {  	[tilespmem:s0+$0xFFFFFFE0] =	vst v62  }
0xc1: {  	s29 =	simm.s32 $0x0;
	[tilespmem:s0+$0x10] =	vst v63  }
.LBB2_4:
0xc2: {  	_ =	swait.ge [sflag:s5], $0x1000  }
0xc3: {  	[sflag:s5] =	ssyncset.done $0x0  }
0xc4: {  	[sflag:s5] =	ssyncadd.s32 $0xFFFFF000  }
0xc5: {  	_ =	swait.ge [sflag:s5], $0x1000  }
0xc6: {  	[sflag:s5] =	ssyncset.done $0x0  }
0xc7: {  	[sflag:s5] =	ssyncadd.s32 $0xFFFFF000  }
0xc8: {  	_ =	swait.ge [sflag:s5], $0x1000  }
0xc9: {  	[sflag:s5] =	ssyncset.done $0x0  }
0xca: {  	[sflag:s5] =	ssyncadd.s32 $0xFFFFF000  }
0xcb: {  	_ =	swait.ge [sflag:s5], $0x1000  }
0xcc: {  	[sflag:s5] =	ssyncset.done $0x0  }
0xcd: {  	[sflag:s5] =	ssyncadd.s32 $0xFFFFF000  }
0xce: {  	_ =	swait.ge [sflag:s5], $0x1000  }
0xcf: {  	[sflag:s5] =	ssyncset.done $0x0  }
0xd0: {  	[sflag:s5] =	ssyncadd.s32 $0xFFFFF000  }
0xd1: {  	_ =	swait.ge [sflag:s5], $0x1000  }
0xd2: {  	[sflag:s5] =	ssyncset.done $0x0  }
0xd3: {  	[sflag:s5] =	ssyncadd.s32 $0xFFFFF000  }
0xd4: {  	_ =	swait.ge [sflag:s5], $0x1000  }
0xd5: {  	[sflag:s5] =	ssyncset.done $0x0  }
0xd6: {  	[sflag:s5] =	ssyncadd.s32 $0xFFFFF000  }
0xd7: {  	_ =	swait.ge [sflag:s5], $0x1000  }
0xd8: {  	p0 =	seq.s32 s29, $0x0;
	[sflag:s5] =	ssyncset.done $0x0  }
0xd9: {  	s0 =	simm.s32 @!p0 $0x3;
	[sflag:s5] =	ssyncadd.s32 $0xFFFFF000  }
0xda: {  	_ =	swait.ge @!p0 [sflag:s0], $0x1000  }
0xdb: {  	[sflag:s0] =	ssyncset.done @!p0 $0x0  }
0xdc: {  	[sflag:s0] =	ssyncadd.s32 @!p0 $0xFFFFF000  }
0xdd: {  	_ =	swait.ge @!p0 [sflag:s0], $0x1000  }
0xde: {  	[sflag:s0] =	ssyncset.done @!p0 $0x0  }
0xdf: {  	[sflag:s0] =	ssyncadd.s32 @!p0 $0xFFFFF000  }
0xe0: {  	_ =	swait.ge @!p0 [sflag:s0], $0x1000  }
0xe1: {  	[sflag:s0] =	ssyncset.done @!p0 $0x0  }
0xe2: {  	[sflag:s0] =	ssyncadd.s32 @!p0 $0xFFFFF000  }
0xe3: {  	_ =	swait.ge @!p0 [sflag:s0], $0x1000  }
0xe4: {  	[sflag:s0] =	ssyncset.done @!p0 $0x0  }
0xe5: {  	s31 =	simm.s32 $0x4020;
	[sflag:s0] =	ssyncadd.s32 @!p0 $0xFFFFF000  }
0xe6: {  	v1 =	vld [tilespmem:s31+$0x10]  }
0xe7: {  	v2 =	vld [tilespmem:s31+$0xFFFFFFF0]  }
0xe8: {  	v3 =	vld [tilespmem:s31+$0x0]  }
0xe9: {  	v4 =	vld [tilespmem:s31+$0xFFFFFFE0];
	_ =	sdelay $0x4  }
0xea: {  	v0 =	vld.idx.msk [tilespmem:v1+s26+$0x0], $0xffff  }
0xeb: {  	v6 =	vadd.s32 $0x1000, v1;
	v5 =	vld.idx.msk [tilespmem:v2+s26+$0x0], $0xffff  }
0xec: {  	v7 =	vadd.s32 $0x1000, v2;
	v8 =	vld.idx.msk [tilespmem:v3+s26+$0x0], $0xffff  }
0xed: {  	s1 =	simm.s32 $0x4060;
	v9 =	vadd.s32 $0x1000, v3;
	v10 =	vld.idx.msk [tilespmem:v4+s26+$0x0], $0xffff  }
0xee: {  	s0 =	simm.s32 $0x17010;
	v13 =	vld [tilespmem:s1+$0x0];
	v11 =	vadd.s32 $0x1000, v4  }
0xef: {  	v12 =	vld [tilespmem:s1+$0xFFFFFFF0];
	[tilespmem:s0+$0xFFFFE020] =	vst v0  }
0xf0: {  	[tilespmem:s0+$0xFFFFE000] =	vst v5;
	v6 =	vld.idx.msk [tilespmem:v6+s26+$0x0], $0xffff  }
0xf1: {  	[tilespmem:s0+$0xFFFFE010] =	vst v8;
	v5 =	vld.idx.msk [tilespmem:v7+s26+$0x0], $0xffff  }
0xf2: {  	[tilespmem:s0+$0xFFFFDFF0] =	vst v10;
	v8 =	vld.idx.msk [tilespmem:v9+s26+$0x0], $0xffff  }
0xf3: {  	v7 =	vadd.s32 $0x2000, v1;
	v9 =	vld.idx.msk [tilespmem:v11+s26+$0x0], $0xffff  }
0xf4: {  	v11 =	vadd.s32 $0x2000, v4  }
0xf5: {  	v0 =	vld [tilespmem:s1+$0x10]  }
0xf6: {  	v15 =	vld.idx.msk [tilespmem:v13+s26+$0x0], $0xffff;
	[tilespmem:s0+$0xFFFFF020] =	vst v6  }
0xf7: {  	s7 =	sand.u32 $0xFC0, s22;
	v10 =	vadd.s32 $0x2000, v2;
	[tilespmem:s0+$0xFFFFF000] =	vst v5;
	v5 =	vld [tilespmem:s1+$0xFFFFFFE0]  }
0xf8: {  	[tilespmem:s7+$0x16000] =	vst v9;
	v7 =	vld.idx.msk [tilespmem:v7+s26+$0x0], $0xffff  }
0xf9: {  	v6 =	vadd.s32 $0x2000, v3;
	[tilespmem:s0+$0xFFFFF010] =	vst v8;
	v8 =	vld.idx.msk [tilespmem:v11+s26+$0x0], $0xffff  }
0xfa: {  	v18 =	vadd.s32 $0x1000, v13;
	v11 =	vld.idx.msk [tilespmem:v12+s26+$0x0], $0xffff  }
0xfb: {  	v1 =	vadd.s32 $0x3000, v1  }
0xfc: {  	s2 =	simm.s32 $0x17050;
	v9 =	vld.idx.msk [tilespmem:v10+s26+$0x0], $0xffff  }
0xfd: {  	[tilespmem:s2+$0xFFFFE010] =	vst v15;
	v4 =	vadd.s32 $0x3000, v4;
	v10 =	vld.idx.msk [tilespmem:v0+s26+$0x0], $0xffff  }
0xfe: {  	v2 =	vadd.s32 $0x3000, v2;
	v6 =	vld.idx.msk [tilespmem:v6+s26+$0x0], $0xffff;
	[tilespmem:s0+$0x20] =	vst v7  }
0xff: {  	v14 =	vadd.s32 $0x1000, v0;
	[tilespmem:s2+$0xFFFFE000] =	vst v11;
	v11 =	vld.idx.msk [tilespmem:v18+s26+$0x0], $0xffff  }
0x100: {  	v3 =	vadd.s32 $0x3000, v3;
	v1 =	vld.idx.msk [tilespmem:v1+s26+$0x0], $0xffff  }
0x101: {  	v16 =	vadd.s32 $0x1000, v12;
	[tilespmem:s7+$0x17000] =	vst v8;
	v17 =	vld.idx.msk [tilespmem:v5+s26+$0x0], $0xffff  }
0x102: {  	v20 =	vadd.s32 $0x1000, v5;
	[tilespmem:s0+$0x0] =	vst v9;
	v19 =	vld.idx.msk [tilespmem:v4+s26+$0x0], $0xffff  }
0x103: {  	[tilespmem:s2+$0xFFFFE020] =	vst v10;
	v7 =	vld.idx.msk [tilespmem:v2+s26+$0x0], $0xffff  }
0x104: {  	v9 =	vld.idx.msk [tilespmem:v14+s26+$0x0], $0xffff;
	[tilespmem:s0+$0x10] =	vst v6  }
0x105: {  	v4 =	vadd.s32 $0x2000, v13;
	v2 =	vadd.s32 $0x3000, v13;
	v13 =	vadd.s32 $0x2000, v0;
	v8 =	vld.idx.msk [tilespmem:v3+s26+$0x0], $0xffff;
	[tilespmem:s0+$0x1020] =	vst v1  }
0x106: {  	s30 =	sshll.u32 s29, $0x4;
	v10 =	vld.idx.msk [tilespmem:v16+s26+$0x0], $0xffff;
	v6 =	vadd.s32 $0x2000, v5;
	[tilespmem:s2+$0xFFFFDFF0] =	vst v17  }
0x107: {  	s3 =	simm.s32 $0x40A0;
	s1 =	simm.s32 $0x4;
	v5 =	vadd.s32 $0x3000, v5;
	v3 =	vadd.s32 $0x2000, v12;
	v1 =	vadd.s32 $0x3000, v12;
	[tilespmem:s7+$0x18000] =	vst v19;
	s7 =	simm.s32 $0x0;
	v12 =	vld.idx.msk [tilespmem:v20+s26+$0x0], $0xffff  }
.LBB2_5:
0x108: {  	v14 =	vld [tilespmem:s3+$0x10];
	s1 =	sadd.s32 $0x4, s1;
	[tilespmem:s0+$0x1000] =	vst v7  }
0x109: {  	v7 =	vld [tilespmem:s3+$0xFFFFFFF0];
	p1 =	slt.u32 s1, $0xFC;
	[tilespmem:s2+$0xFFFFF020] =	vst v9  }
0x10a: {  	v9 =	vld.idx.msk [tilespmem:v13+s26+$0x0], $0xffff;
	[tilespmem:s0+$0x1010] =	vst v8;
	s0 =	smov.u32 s2  }
0x10b: {  	s7 =	sadd.s32 $0x40, s7;
	v8 =	vld [tilespmem:s3+$0x0];
	[tilespmem:s2+$0xFFFFF000] =	vst v10  }
0x10c: {  	s8 =	sand.u32 $0xFC0, s7;
	v10 =	vld [tilespmem:s3+$0xFFFFFFE0];
	[tilespmem:s2+$0xFFFFF010] =	vst v11;
	v11 =	vadd.s32 $0x3000, v0  }
0x10d: {  	[tilespmem:s8+$0x16000] =	vst v12;
	v12 =	vld.idx.msk [tilespmem:v3+s26+$0x0], $0xffff;
	v0 =	vmov v14  }
0x10e: {  	v13 =	vadd.s32 $0x1000, v7;
	v3 =	vadd.s32 $0x2000, v7;
	v15 =	vadd.s32 $0x3000, v7;
	v16 =	vld.idx.msk [tilespmem:v6+s26+$0x0], $0xffff  }
0x10f: {  	v17 =	vld.idx.msk [tilespmem:v4+s26+$0x0], $0xffff  }
0x110: {  	v18 =	vadd.s32 $0x1000, v8;
	v4 =	vadd.s32 $0x2000, v8;
	v19 =	vadd.s32 $0x3000, v8;
	v14 =	vld.idx.msk [tilespmem:v14+s26+$0x0], $0xffff;
	[tilespmem:s2+$0x20] =	vst v9  }
0x111: {  	v20 =	vadd.s32 $0x1000, v10;
	v6 =	vadd.s32 $0x2000, v10;
	v9 =	vadd.s32 $0x3000, v10;
	v11 =	vld.idx.msk [tilespmem:v11+s26+$0x0], $0xffff  }
0x112: {  	v22 =	vadd.s32 $0x1000, v0;
	v21 =	vld.idx.msk [tilespmem:v7+s26+$0x0], $0xffff  }
0x113: {  	v23 =	vld.idx.msk [tilespmem:v8+s26+$0x0], $0xffff;
	[tilespmem:s2+$0x0] =	vst v12  }
0x114: {  	v12 =	vld.idx.msk [tilespmem:v10+s26+$0x0], $0xffff;
	[tilespmem:s8+$0x17000] =	vst v16  }
0x115: {  	s2 =	sadd.s32 $0x40, s2;
	v16 =	vld.idx.msk [tilespmem:v5+s26+$0x0], $0xffff;
	[tilespmem:s0+$0x10] =	vst v17;
	v5 =	vmov v9  }
0x116: {  	[tilespmem:s2+$0xFFFFE020] =	vst v14;
	v7 =	vld.idx.msk [tilespmem:v1+s26+$0x0], $0xffff;
	v1 =	vmov v15  }
.Ltmp3:
0x117: {  	v9 =	vld.idx.msk [tilespmem:v22+s26+$0x0], $0xffff;
	[tilespmem:s0+$0x1020] =	vst v11;
	(pc) =	sbr.rel @p1 .LBB2_5-.Ltmp3, $4  }
0x118: {  	[tilespmem:s2+$0xFFFFE000] =	vst v21;
	v8 =	vld.idx.msk [tilespmem:v2+s26+$0x0], $0xffff;
	v2 =	vmov v19  }
0x119: {  	v10 =	vld.idx.msk [tilespmem:v13+s26+$0x0], $0xffff;
	[tilespmem:s2+$0xFFFFE010] =	vst v23;
	v13 =	vadd.s32 $0x2000, v0  }
0x11a: {  	[tilespmem:s2+$0xFFFFDFF0] =	vst v12;
	v11 =	vld.idx.msk [tilespmem:v18+s26+$0x0], $0xffff  }
0x11b: {  	s3 =	sadd.s32 $0x40, s3;
	v12 =	vld.idx.msk [tilespmem:v20+s26+$0x0], $0xffff;
	[tilespmem:s8+$0x18000] =	vst v16  }
0x11c: {  	_ =	sdelay $0x1  }
0x11d: {  	s1 =	sadd.s32 $0x40, s7  }
0x11e: {  	[tilespmem:s2+$0xFFFFF020] =	vst v9;
	s1 =	sand.u32 $0xFC0, s1  }
0x11f: {  	v9 =	vld.idx.msk [tilespmem:v13+s26+$0x0], $0xffff;
	[tilespmem:s1+$0x16000] =	vst v12  }
0x120: {  	v0 =	vadd.s32 $0x3000, v0;
	[tilespmem:s2+$0xFFFFF000] =	vst v10;
	v6 =	vld.idx.msk [tilespmem:v6+s26+$0x0], $0xffff  }
0x121: {  	v3 =	vld.idx.msk [tilespmem:v3+s26+$0x0], $0xffff;
	_ =	sdelay $0x1  }
0x122: {  	[tilespmem:s2+$0xFFFFF010] =	vst v11  }
0x123: {  	v4 =	vld.idx.msk [tilespmem:v4+s26+$0x0], $0xffff;
	[tilespmem:s2+$0x20] =	vst v9  }
0x124: {  	v0 =	vld.idx.msk [tilespmem:v0+s26+$0x0], $0xffff;
	[tilespmem:s1+$0x17000] =	vst v6  }
0x125: {  	[tilespmem:s2+$0x0] =	vst v3;
	v3 =	vld.idx.msk [tilespmem:v5+s26+$0x0], $0xffff  }
0x126: {  	[tilespmem:s0+$0x1000] =	vst v7  }
0x127: {  	[tilespmem:s0+$0x1010] =	vst v8  }
0x128: {  	[tilespmem:s2+$0x10] =	vst v4;
	v1 =	vld.idx.msk [tilespmem:v1+s26+$0x0], $0xffff  }
0x129: {  	v2 =	vld.idx.msk [tilespmem:v2+s26+$0x0], $0xffff;
	[tilespmem:s2+$0x1020] =	vst v0  }
0x12a: {  	[tilespmem:s1+$0x18000] =	vst v3  }
0x12b: {  	s0 =	rddreg [dreg:$0x4]  }
0x12c: {  	s0 =	sor.u32 s0, s30  }
0x12d: {  	s3 =	rddreg [dreg:$0x2];
	[tilespmem:s2+$0x1000] =	vst v1;
	s31 =	sshll.u32 s0, $0x9  }
0x12e: {  	s7 =	simm.s32 $0x15000;
	[tilespmem:s2+$0x1010] =	vst v2;
	s0 =	sadd.s32 s3, s31  }
0x12f: {  	[hbm4b:s0+s24] =	stream.strided.scatter [tilespmem:s7], [sflag:$0x3], $0x1000, s25, s24, $0x38;
	[tilespmem:$0x1D000] =	vst v63  }
0x130: {  	s10 =	simm.s32 $0x16000;
	s8 =	sadd.s32 s31, s9  }
0x131: {  	[hbm4b:s8+s24] =	stream.strided.scatter [tilespmem:s10], [sflag:$0x3], $0x1000, s25, s24, $0x38;
	[tilespmem:$0x1D000] =	vst v63  }
0x132: {  	s2 =	simm.s32 $0x17000;
	s1 =	sadd.s32 s31, s13  }
0x133: {  	[hbm4b:s1+s24] =	stream.strided.scatter [tilespmem:s2], [sflag:$0x3], $0x1000, s25, s24, $0x38;
	[tilespmem:$0x1D000] =	vst v63  }
0x134: {  	s3 =	sadd.s32 s31, s14;
	s7 =	simm.s32 $0x18000;
	s0 =	simm.s32 @!p0 $0x4  }
0x135: {  	[hbm4b:s3+s24] =	stream.strided.scatter [tilespmem:s7], [sflag:$0x3], $0x1000, s25, s24, $0x38;
	[tilespmem:$0x1D000] =	vst v63  }
0x136: {  	_ =	swait.ge @!p0 [sflag:s0], $0x1000  }
0x137: {  	[sflag:s0] =	ssyncset.done @!p0 $0x0  }
0x138: {  	[sflag:s0] =	ssyncadd.s32 @!p0 $0xFFFFF000  }
0x139: {  	_ =	swait.ge @!p0 [sflag:s0], $0x1000  }
0x13a: {  	[sflag:s0] =	ssyncset.done @!p0 $0x0  }
0x13b: {  	[sflag:s0] =	ssyncadd.s32 @!p0 $0xFFFFF000  }
0x13c: {  	_ =	swait.ge @!p0 [sflag:s0], $0x1000  }
0x13d: {  	[sflag:s0] =	ssyncset.done @!p0 $0x0  }
0x13e: {  	[sflag:s0] =	ssyncadd.s32 @!p0 $0xFFFFF000  }
0x13f: {  	_ =	swait.ge @!p0 [sflag:s0], $0x1000  }
0x140: {  	[sflag:s0] =	ssyncset.done @!p0 $0x0  }
0x141: {  	s8 =	simm.s32 $0x4020;
	[sflag:s0] =	ssyncadd.s32 @!p0 $0xFFFFF000  }
0x142: {  	v1 =	vld [tilespmem:s8+$0x10];
	_ =	sdelay $0x1  }
0x143: {  	v2 =	vld [tilespmem:s8+$0xFFFFFFF0];
	_ =	sdelay $0x1  }
0x144: {  	v4 =	vld [tilespmem:s8+$0x0]  }
0x145: {  	v3 =	vld [tilespmem:s8+$0xFFFFFFE0];
	v0 =	vadd.s32 $0x4000, v1;
	_ =	sdelay $0x1  }
0x146: {  	v5 =	vadd.s32 $0x4000, v2  }
0x147: {  	s10 =	simm.s32 $0x4060  }
0x148: {  	v14 =	vld [tilespmem:s10+$0xFFFFFFF0];
	v7 =	vadd.s32 $0x4000, v4  }
0x149: {  	v6 =	vadd.s32 $0x4000, v3;
	v0 =	vld.idx.msk [tilespmem:v0+s26+$0x0], $0xffff  }
0x14a: {  	v16 =	vld [tilespmem:s10+$0xFFFFFFE0];
	v8 =	vadd.s32 $0x5000, v1  }
0x14b: {  	v5 =	vld.idx.msk [tilespmem:v5+s26+$0x0], $0xffff  }
0x14c: {  	v17 =	vld [tilespmem:s10+$0x0];
	v9 =	vadd.s32 $0x5000, v2  }
0x14d: {  	s0 =	simm.s32 $0x1B010;
	v7 =	vld.idx.msk [tilespmem:v7+s26+$0x0], $0xffff  }
0x14e: {  	v6 =	vld.idx.msk [tilespmem:v6+s26+$0x0], $0xffff;
	[tilespmem:s0+$0xFFFFE020] =	vst v0  }
0x14f: {  	v10 =	vadd.s32 $0x5000, v3;
	v8 =	vld.idx.msk [tilespmem:v8+s26+$0x0], $0xffff  }
0x150: {  	[tilespmem:s0+$0xFFFFE000] =	vst v5;
	v5 =	vadd.s32 $0x6000, v1;
	v0 =	vld [tilespmem:s10+$0x10]  }
0x151: {  	v11 =	vadd.s32 $0x5000, v4;
	v9 =	vld.idx.msk [tilespmem:v9+s26+$0x0], $0xffff  }
0x152: {  	[tilespmem:s0+$0xFFFFE010] =	vst v7;
	v7 =	vadd.s32 $0x4000, v14  }
0x153: {  	v12 =	vadd.s32 $0x6000, v2;
	[tilespmem:s0+$0xFFFFDFF0] =	vst v6  }
0x154: {  	v6 =	vld.idx.msk [tilespmem:v10+s26+$0x0], $0xffff;
	v10 =	vadd.s32 $0x4000, v16;
	[tilespmem:s0+$0xFFFFF020] =	vst v8  }
0x155: {  	v8 =	vadd.s32 $0x4000, v0;
	v5 =	vld.idx.msk [tilespmem:v5+s26+$0x0], $0xffff  }
0x156: {  	[tilespmem:s0+$0xFFFFF000] =	vst v9;
	v9 =	vld.idx.msk [tilespmem:v11+s26+$0x0], $0xffff;
	v11 =	vadd.s32 $0x4000, v17  }
0x157: {  	v1 =	vadd.s32 $0x7000, v1;
	v19 =	vld.idx.msk [tilespmem:v7+s26+$0x0], $0xffff  }
0x158: {  	v15 =	vadd.s32 $0x6000, v3;
	v12 =	vld.idx.msk [tilespmem:v12+s26+$0x0], $0xffff  }
0x159: {  	s8 =	simm.s32 $0x0;
	v20 =	vadd.s32 $0x7000, v2;
	v21 =	vld.idx.msk [tilespmem:v10+s26+$0x0], $0xffff  }
0x15a: {  	s3 =	sand.u32 $0xFC0, s8;
	v8 =	vld.idx.msk [tilespmem:v8+s26+$0x0], $0xffff;
	[tilespmem:s0+$0x20] =	vst v5;
	v5 =	vadd.s32 $0x6000, v4  }
0x15b: {  	s2 =	simm.s32 $0x1B050;
	v7 =	vadd.s32 $0x5000, v0;
	[tilespmem:s3+$0x1A000] =	vst v6;
	v13 =	vld.idx.msk [tilespmem:v11+s26+$0x0], $0xffff  }
0x15c: {  	v22 =	vadd.s32 $0x5000, v14;
	[tilespmem:s2+$0xFFFFE000] =	vst v19;
	v18 =	vld.idx.msk [tilespmem:v1+s26+$0x0], $0xffff  }
0x15d: {  	[tilespmem:s0+$0x0] =	vst v12;
	v12 =	vld.idx.msk [tilespmem:v15+s26+$0x0], $0xffff  }
0x15e: {  	v2 =	vadd.s32 $0x7000, v4;
	v6 =	vadd.s32 $0x6000, v14;
	[tilespmem:s0+$0xFFFFF010] =	vst v9;
	v4 =	vadd.s32 $0x7000, v14;
	v14 =	vld.idx.msk [tilespmem:v20+s26+$0x0], $0xffff  }
0x15f: {  	v10 =	vadd.s32 $0x5000, v16;
	v9 =	vadd.s32 $0x5000, v17;
	[tilespmem:s2+$0xFFFFE020] =	vst v8;
	v11 =	vld.idx.msk [tilespmem:v5+s26+$0x0], $0xffff  }
0x160: {  	[tilespmem:s2+$0xFFFFDFF0] =	vst v21;
	v1 =	vadd.s32 $0x7000, v3;
	v3 =	vadd.s32 $0x7000, v16;
	v8 =	vadd.s32 $0x6000, v17;
	v15 =	vld.idx.msk [tilespmem:v7+s26+$0x0], $0xffff  }
0x161: {  	s1 =	simm.s32 $0x4;
	s7 =	simm.s32 $0x40A0;
	v7 =	vadd.s32 $0x6000, v16;
	v5 =	vadd.s32 $0x7000, v17;
	v16 =	vld.idx.msk [tilespmem:v22+s26+$0x0], $0xffff;
	v17 =	vadd.s32 $0x6000, v0;
	[tilespmem:s0+$0x1020] =	vst v18  }
.LBB2_7:
0x162: {  	v18 =	vld [tilespmem:s7+$0x10];
	s1 =	sadd.s32 $0x4, s1;
	[tilespmem:s2+$0xFFFFE010] =	vst v13  }
0x163: {  	v13 =	vld [tilespmem:s7+$0xFFFFFFF0];
	p0 =	slt.u32 s1, $0xFC;
	[tilespmem:s3+$0x1B000] =	vst v12  }
0x164: {  	v12 =	vld [tilespmem:s7+$0x0];
	[tilespmem:s0+$0x10] =	vst v11  }
0x165: {  	v11 =	vld [tilespmem:s7+$0xFFFFFFE0];
	[tilespmem:s2+$0xFFFFF020] =	vst v15  }
0x166: {  	v15 =	vld.idx.msk [tilespmem:v17+s26+$0x0], $0xffff;
	[tilespmem:s0+$0x1000] =	vst v14  }
0x167: {  	v14 =	vadd.s32 $0x4000, v18;
	v17 =	vld.idx.msk [tilespmem:v10+s26+$0x0], $0xffff;
	[tilespmem:s2+$0xFFFFF000] =	vst v16  }
0x168: {  	v21 =	vadd.s32 $0x7000, v0;
	v0 =	vmovc v18;
	v16 =	vadd.s32 $0x4000, v13;
	v19 =	vadd.s32 $0x5000, v13;
	v20 =	vld.idx.msk [tilespmem:v9+s26+$0x0], $0xffff  }
0x169: {  	v18 =	vadd.s32 $0x4000, v12;
	v9 =	vadd.s32 $0x5000, v12;
	v22 =	vld.idx.msk [tilespmem:v6+s26+$0x0], $0xffff;
	v6 =	vadd.s32 $0x6000, v13  }
0x16a: {  	v23 =	vadd.s32 $0x4000, v11;
	v10 =	vadd.s32 $0x5000, v11;
	v24 =	vadd.s32 $0x6000, v11;
	v25 =	vld.idx.msk [tilespmem:v1+s26+$0x0], $0xffff;
	v1 =	vmovc v3  }
0x16b: {  	s8 =	sadd.s32 $0x40, s8;
	v26 =	vadd.s32 $0x7000, v13;
	v27 =	vadd.s32 $0x6000, v12;
	v3 =	vadd.s32 $0x7000, v11;
	v11 =	vld.idx.msk [tilespmem:v2+s26+$0x0], $0xffff;
	v2 =	vmovc v5  }
0x16c: {  	s10 =	sand.u32 $0xFC0, s8;
	v5 =	vadd.s32 $0x7000, v12;
	v14 =	vld.idx.msk [tilespmem:v14+s26+$0x0], $0xffff;
	[tilespmem:s2+$0x20] =	vst v15  }
0x16d: {  	[tilespmem:s10+$0x1A000] =	vst v17;
	v17 =	vld.idx.msk [tilespmem:v21+s26+$0x0], $0xffff  }
0x16e: {  	v15 =	vadd.s32 $0x5000, v0;
	v16 =	vld.idx.msk [tilespmem:v16+s26+$0x0], $0xffff;
	[tilespmem:s2+$0xFFFFF010] =	vst v20  }
0x16f: {  	v20 =	vld.idx.msk [tilespmem:v23+s26+$0x0], $0xffff;
	[tilespmem:s2+$0x0] =	vst v22  }
0x170: {  	v13 =	vld.idx.msk [tilespmem:v18+s26+$0x0], $0xffff;
	[tilespmem:s3+$0x1C000] =	vst v25;
	s3 =	smov.u32 s10  }
.Ltmp4:
0x171: {  	v12 =	vld.idx.msk [tilespmem:v7+s26+$0x0], $0xffff;
	[tilespmem:s0+$0x1010] =	vst v11;
	v7 =	vmov v24;
	s0 =	smov.u32 s2;
	s2 =	sadd.s32 $0x40, s2;
	(pc) =	sbr.rel @p0 .LBB2_7-.Ltmp4, $4  }
0x172: {  	[tilespmem:s2+$0xFFFFE020] =	vst v14;
	v11 =	vld.idx.msk [tilespmem:v8+s26+$0x0], $0xffff;
	v8 =	vmov v27  }
0x173: {  	v15 =	vld.idx.msk [tilespmem:v15+s26+$0x0], $0xffff;
	[tilespmem:s0+$0x1020] =	vst v17  }
0x174: {  	[tilespmem:s2+$0xFFFFE000] =	vst v16;
	v14 =	vld.idx.msk [tilespmem:v4+s26+$0x0], $0xffff;
	v4 =	vmov v26  }
0x175: {  	s7 =	sadd.s32 $0x40, s7;
	v17 =	vadd.s32 $0x6000, v0;
	[tilespmem:s2+$0xFFFFDFF0] =	vst v20;
	v16 =	vld.idx.msk [tilespmem:v19+s26+$0x0], $0xffff  }
0x176: {  	_ =	sdelay $0x3  }
0x177: {  	[tilespmem:s2+$0xFFFFE010] =	vst v13;
	v10 =	vld.idx.msk [tilespmem:v10+s26+$0x0], $0xffff  }
0x178: {  	v9 =	vld.idx.msk [tilespmem:v9+s26+$0x0], $0xffff  }
0x179: {  	[tilespmem:s3+$0x1B000] =	vst v12  }
0x17a: {  	s1 =	sadd.s32 $0x40, s8;
	[tilespmem:s2+$0xFFFFF020] =	vst v15  }
0x17b: {  	s1 =	sand.u32 $0xFC0, s1;
	v12 =	vld.idx.msk [tilespmem:v17+s26+$0x0], $0xffff;
	[tilespmem:s2+$0xFFFFF000] =	vst v16  }
0x17c: {  	v0 =	vadd.s32 $0x7000, v0;
	v6 =	vld.idx.msk [tilespmem:v6+s26+$0x0], $0xffff;
	[tilespmem:s1+$0x1A000] =	vst v10  }
0x17d: {  	[tilespmem:s2+$0xFFFFF010] =	vst v9;
	v7 =	vld.idx.msk [tilespmem:v7+s26+$0x0], $0xffff  }
0x17e: {  	[tilespmem:s0+$0x10] =	vst v11;
	v8 =	vld.idx.msk [tilespmem:v8+s26+$0x0], $0xffff  }
0x17f: {  	v1 =	vld.idx.msk [tilespmem:v1+s26+$0x0], $0xffff;
	[tilespmem:s0+$0x1000] =	vst v14  }
0x180: {  	v2 =	vld.idx.msk [tilespmem:v2+s26+$0x0], $0xffff;
	[tilespmem:s2+$0x20] =	vst v12  }
0x181: {  	v0 =	vld.idx.msk [tilespmem:v0+s26+$0x0], $0xffff;
	[tilespmem:s2+$0x0] =	vst v6  }
0x182: {  	v4 =	vld.idx.msk [tilespmem:v4+s26+$0x0], $0xffff;
	[tilespmem:s1+$0x1B000] =	vst v7  }
0x183: {  	[tilespmem:s2+$0x10] =	vst v8;
	v3 =	vld.idx.msk [tilespmem:v3+s26+$0x0], $0xffff  }
0x184: {  	[tilespmem:s3+$0x1C000] =	vst v1;
	v1 =	vld.idx.msk [tilespmem:v5+s26+$0x0], $0xffff  }
0x185: {  	[tilespmem:s0+$0x1010] =	vst v2  }
0x186: {  	[tilespmem:s2+$0x1020] =	vst v0  }
0x187: {  	[tilespmem:s2+$0x1000] =	vst v4  }
0x188: {  	s7 =	simm.s32 $0x1A000;
	s8 =	sadd.s32 s31, s20;
	[tilespmem:s1+$0x1C000] =	vst v3  }
0x189: {  	s10 =	simm.s32 $0x1B000;
	s1 =	sadd.s32 s31, s15;
	[tilespmem:s2+$0x1010] =	vst v1;
	s2 =	simm.s32 $0x19000  }
0x18a: {  	[hbm4b:s1+s24] =	stream.strided.scatter [tilespmem:s2], [sflag:$0x4], $0x1000, s25, s24, $0x38;
	[tilespmem:$0x1D000] =	vst v63  }
0x18b: {  	p0 =	seq.s32 s29, $0x1F;
	s3 =	sadd.s32 s31, s19;
	s0 =	rddreg [dreg:$0x1b]  }
0x18c: {  	[hbm4b:s3+s24] =	stream.strided.scatter [tilespmem:s7], [sflag:$0x4], $0x1000, s25, s24, $0x38;
	[tilespmem:$0x1D000] =	vst v63  }
0x18d: {  	s2 =	sadd.s32 s31, s21;
	s1 =	rddreg [dreg:$0x0];
	s0 =	sadd.s32 @!p0 s30, s0  }
0x18e: {  	[hbm4b:s8+s24] =	stream.strided.scatter [tilespmem:s10], [sflag:$0x4], $0x1000, s25, s24, $0x38;
	[tilespmem:$0x1D000] =	vst v63  }
0x18f: {  	s3 =	simm.s32 $0x1C000;
	s0 =	sshll.u32 @!p0 s0, $0x9;
	s7 =	simm.s32 @!p0 $0x5000  }
0x190: {  	[hbm4b:s2+s24] =	stream.strided.scatter [tilespmem:s3], [sflag:$0x4], $0x1000, s25, s24, $0x38;
	[tilespmem:$0x1D000] =	vst v63  }
0x191: {  	s1 =	sadd.s32 @!p0 s1, s0;
	s2 =	simm.s32 @!p0 $0x80;
	s3 =	simm.s32 @!p0 $0x400  }
0x192: {  	[tilespmem:s7], [sflag:$0x1] =	stream.strided.gather @!p0 [hbm4b:s1+s2], $0x1000, s3, s2, $0x38;
	[tilespmem:$0x1D000] =	vst v63  }
0x193: {  	s1 =	rddreg [dreg:$0xa]  }
0x194: {  	s7 =	simm.s32 @!p0 $0x6000;
	s1 =	sadd.s32 @!p0 s0, s1  }
0x195: {  	[tilespmem:s7], [sflag:$0x1] =	stream.strided.gather @!p0 [hbm4b:s1+s2], $0x1000, s3, s2, $0x38;
	[tilespmem:$0x1D000] =	vst v63  }
0x196: {  	s1 =	rddreg [dreg:$0xb]  }
0x197: {  	s7 =	simm.s32 @!p0 $0x7000;
	s1 =	sadd.s32 @!p0 s0, s1  }
0x198: {  	[tilespmem:s7], [sflag:$0x1] =	stream.strided.gather @!p0 [hbm4b:s1+s2], $0x1000, s3, s2, $0x38;
	[tilespmem:$0x1D000] =	vst v63  }
0x199: {  	s1 =	sadd.s32 @!p0 s0, s16;
	s7 =	simm.s32 @!p0 $0x8000  }
0x19a: {  	[tilespmem:s7], [sflag:$0x1] =	stream.strided.gather @!p0 [hbm4b:s1+s2], $0x1000, s3, s2, $0x38;
	[tilespmem:$0x1D000] =	vst v63  }
0x19b: {  	s1 =	sadd.s32 @!p0 s0, s17;
	s7 =	simm.s32 @!p0 $0x9000  }
0x19c: {  	[tilespmem:s7], [sflag:$0x1] =	stream.strided.gather @!p0 [hbm4b:s1+s2], $0x1000, s3, s2, $0x38;
	[tilespmem:$0x1D000] =	vst v63  }
0x19d: {  	s1 =	sadd.s32 @!p0 s0, s18;
	s7 =	simm.s32 @!p0 $0xA000  }
0x19e: {  	[tilespmem:s7], [sflag:$0x1] =	stream.strided.gather @!p0 [hbm4b:s1+s2], $0x1000, s3, s2, $0x38;
	[tilespmem:$0x1D000] =	vst v63  }
0x19f: {  	s1 =	sadd.s32 @!p0 s0, s11;
	s7 =	simm.s32 @!p0 $0xB000  }
0x1a0: {  	[tilespmem:s7], [sflag:$0x1] =	stream.strided.gather @!p0 [hbm4b:s1+s2], $0x1000, s3, s2, $0x38;
	[tilespmem:$0x1D000] =	vst v63  }
0x1a1: {  	s0 =	sadd.s32 @!p0 s0, s12;
	s1 =	simm.s32 @!p0 $0xC000  }
0x1a2: {  	[tilespmem:s1], [sflag:$0x1] =	stream.strided.gather @!p0 [hbm4b:s0+s2], $0x1000, s3, s2, $0x38;
	[tilespmem:$0x1D000] =	vst v63  }
0x1a3: {  	_ =	swait.ge [sflag:s4], $0x1000  }
0x1a4: {  	[sflag:s4] =	ssyncset.done $0x0  }
0x1a5: {  	[sflag:s4] =	ssyncadd.s32 $0xFFFFF000  }
0x1a6: {  	_ =	swait.ge [sflag:s4], $0x1000  }
0x1a7: {  	[sflag:s4] =	ssyncset.done $0x0  }
0x1a8: {  	[sflag:s4] =	ssyncadd.s32 $0xFFFFF000  }
0x1a9: {  	_ =	swait.ge [sflag:s4], $0x1000  }
0x1aa: {  	[sflag:s4] =	ssyncset.done $0x0  }
0x1ab: {  	[sflag:s4] =	ssyncadd.s32 $0xFFFFF000  }
0x1ac: {  	_ =	swait.ge [sflag:s4], $0x1000  }
0x1ad: {  	[sflag:s4] =	ssyncset.done $0x0  }
0x1ae: {  	[sflag:s4] =	ssyncadd.s32 $0xFFFFF000  }
0x1af: {  	_ =	swait.ge [sflag:s4], $0x1000  }
0x1b0: {  	[sflag:s4] =	ssyncset.done $0x0  }
0x1b1: {  	[sflag:s4] =	ssyncadd.s32 $0xFFFFF000  }
0x1b2: {  	_ =	swait.ge [sflag:s4], $0x1000  }
0x1b3: {  	[sflag:s4] =	ssyncset.done $0x0  }
0x1b4: {  	[sflag:s4] =	ssyncadd.s32 $0xFFFFF000  }
0x1b5: {  	_ =	swait.ge [sflag:s4], $0x1000  }
0x1b6: {  	[sflag:s4] =	ssyncset.done $0x0  }
0x1b7: {  	[sflag:s4] =	ssyncadd.s32 $0xFFFFF000  }
0x1b8: {  	_ =	swait.ge [sflag:s4], $0x1000  }
0x1b9: {  	[sflag:s4] =	ssyncset.done $0x0  }
0x1ba: {  	[sflag:s4] =	ssyncadd.s32 $0xFFFFF000  }
0x1bb: {  	_ =	swait.ge [sflag:s23], $0x1000  }
0x1bc: {  	[sflag:s23] =	ssyncset.done $0x0  }
0x1bd: {  	[sflag:s23] =	ssyncadd.s32 $0xFFFFF000  }
0x1be: {  	_ =	swait.ge [sflag:s23], $0x1000  }
0x1bf: {  	[sflag:s23] =	ssyncset.done $0x0  }
0x1c0: {  	[sflag:s23] =	ssyncadd.s32 $0xFFFFF000  }
0x1c1: {  	_ =	swait.ge [sflag:s23], $0x1000  }
0x1c2: {  	[sflag:s23] =	ssyncset.done $0x0  }
0x1c3: {  	[sflag:s23] =	ssyncadd.s32 $0xFFFFF000  }
0x1c4: {  	_ =	swait.ge [sflag:s23], $0x1000  }
0x1c5: {  	[sflag:s23] =	ssyncset.done $0x0  }
0x1c6: {  	s7 =	simm.s32 $0x4020;
	[sflag:s23] =	ssyncadd.s32 $0xFFFFF000  }
0x1c7: {  	v1 =	vld [tilespmem:s7+$0x10]  }
0x1c8: {  	v2 =	vld [tilespmem:s7+$0xFFFFFFF0]  }
0x1c9: {  	v3 =	vld [tilespmem:s7+$0x0]  }
0x1ca: {  	v4 =	vld [tilespmem:s7+$0xFFFFFFE0];
	_ =	sdelay $0x4  }
0x1cb: {  	v0 =	vld.idx.msk [tilespmem:v1+s28+$0x0], $0xffff  }
0x1cc: {  	v6 =	vadd.s32 $0x1000, v1;
	v5 =	vld.idx.msk [tilespmem:v2+s28+$0x0], $0xffff  }
0x1cd: {  	v7 =	vadd.s32 $0x1000, v2;
	v8 =	vld.idx.msk [tilespmem:v3+s28+$0x0], $0xffff  }
0x1ce: {  	s8 =	simm.s32 $0x4060;
	v9 =	vadd.s32 $0x1000, v3;
	v10 =	vld.idx.msk [tilespmem:v4+s28+$0x0], $0xffff  }
0x1cf: {  	s0 =	simm.s32 $0x17010;
	v13 =	vld [tilespmem:s8+$0x0];
	v11 =	vadd.s32 $0x1000, v4  }
0x1d0: {  	v12 =	vld [tilespmem:s8+$0xFFFFFFF0];
	[tilespmem:s0+$0xFFFFE020] =	vst v0  }
0x1d1: {  	[tilespmem:s0+$0xFFFFE000] =	vst v5;
	v6 =	vld.idx.msk [tilespmem:v6+s28+$0x0], $0xffff  }
0x1d2: {  	[tilespmem:s0+$0xFFFFE010] =	vst v8;
	v5 =	vld.idx.msk [tilespmem:v7+s28+$0x0], $0xffff  }
0x1d3: {  	[tilespmem:s0+$0xFFFFDFF0] =	vst v10;
	v8 =	vld.idx.msk [tilespmem:v9+s28+$0x0], $0xffff  }
0x1d4: {  	v7 =	vadd.s32 $0x2000, v1;
	v9 =	vld.idx.msk [tilespmem:v11+s28+$0x0], $0xffff  }
0x1d5: {  	v11 =	vadd.s32 $0x2000, v4  }
0x1d6: {  	v0 =	vld [tilespmem:s8+$0x10]  }
0x1d7: {  	s2 =	simm.s32 $0x0;
	v15 =	vld.idx.msk [tilespmem:v13+s28+$0x0], $0xffff;
	[tilespmem:s0+$0xFFFFF020] =	vst v6  }
0x1d8: {  	s10 =	sand.u32 $0xFC0, s2;
	v10 =	vadd.s32 $0x2000, v2;
	[tilespmem:s0+$0xFFFFF000] =	vst v5;
	v5 =	vld [tilespmem:s8+$0xFFFFFFE0]  }
0x1d9: {  	[tilespmem:s10+$0x16000] =	vst v9;
	v7 =	vld.idx.msk [tilespmem:v7+s28+$0x0], $0xffff  }
0x1da: {  	v6 =	vadd.s32 $0x2000, v3;
	[tilespmem:s0+$0xFFFFF010] =	vst v8;
	v8 =	vld.idx.msk [tilespmem:v11+s28+$0x0], $0xffff  }
0x1db: {  	v18 =	vadd.s32 $0x1000, v13;
	v11 =	vld.idx.msk [tilespmem:v12+s28+$0x0], $0xffff  }
0x1dc: {  	v1 =	vadd.s32 $0x3000, v1  }
0x1dd: {  	s3 =	simm.s32 $0x17050;
	v9 =	vld.idx.msk [tilespmem:v10+s28+$0x0], $0xffff  }
0x1de: {  	[tilespmem:s3+$0xFFFFE010] =	vst v15;
	v4 =	vadd.s32 $0x3000, v4;
	v10 =	vld.idx.msk [tilespmem:v0+s28+$0x0], $0xffff  }
0x1df: {  	v2 =	vadd.s32 $0x3000, v2;
	v6 =	vld.idx.msk [tilespmem:v6+s28+$0x0], $0xffff;
	[tilespmem:s0+$0x20] =	vst v7  }
0x1e0: {  	v14 =	vadd.s32 $0x1000, v0;
	[tilespmem:s3+$0xFFFFE000] =	vst v11;
	v11 =	vld.idx.msk [tilespmem:v18+s28+$0x0], $0xffff  }
0x1e1: {  	v3 =	vadd.s32 $0x3000, v3;
	v1 =	vld.idx.msk [tilespmem:v1+s28+$0x0], $0xffff  }
0x1e2: {  	v62 =	vadd.s32 $0x1000, v12;
	[tilespmem:s10+$0x17000] =	vst v8;
	v63 =	vld.idx.msk [tilespmem:v5+s28+$0x0], $0xffff  }
0x1e3: {  	v20 =	vadd.s32 $0x1000, v5;
	[tilespmem:s0+$0x0] =	vst v9;
	v19 =	vld.idx.msk [tilespmem:v4+s28+$0x0], $0xffff  }
0x1e4: {  	[tilespmem:s3+$0xFFFFE020] =	vst v10;
	v7 =	vld.idx.msk [tilespmem:v2+s28+$0x0], $0xffff  }
0x1e5: {  	v9 =	vld.idx.msk [tilespmem:v14+s28+$0x0], $0xffff;
	[tilespmem:s0+$0x10] =	vst v6  }
0x1e6: {  	v4 =	vadd.s32 $0x2000, v13;
	v2 =	vadd.s32 $0x3000, v13;
	v13 =	vadd.s32 $0x2000, v0;
	v8 =	vld.idx.msk [tilespmem:v3+s28+$0x0], $0xffff;
	[tilespmem:s0+$0x1020] =	vst v1  }
0x1e7: {  	v10 =	vld.idx.msk [tilespmem:v62+s28+$0x0], $0xffff;
	v6 =	vadd.s32 $0x2000, v5;
	[tilespmem:s3+$0xFFFFDFF0] =	vst v63  }
0x1e8: {  	s1 =	simm.s32 $0x4;
	s7 =	simm.s32 $0x40A0;
	v5 =	vadd.s32 $0x3000, v5;
	v3 =	vadd.s32 $0x2000, v12;
	v1 =	vadd.s32 $0x3000, v12;
	[tilespmem:s10+$0x18000] =	vst v19;
	v12 =	vld.idx.msk [tilespmem:v20+s28+$0x0], $0xffff  }
.LBB2_9:
0x1e9: {  	v14 =	vld [tilespmem:s7+$0x10];
	s1 =	sadd.s32 $0x4, s1;
	[tilespmem:s0+$0x1000] =	vst v7  }
0x1ea: {  	v7 =	vld [tilespmem:s7+$0xFFFFFFF0];
	p1 =	slt.u32 s1, $0xFC;
	[tilespmem:s3+$0xFFFFF020] =	vst v9  }
0x1eb: {  	v9 =	vld.idx.msk [tilespmem:v13+s28+$0x0], $0xffff;
	[tilespmem:s0+$0x1010] =	vst v8;
	s0 =	smov.u32 s3  }
0x1ec: {  	s2 =	sadd.s32 $0x40, s2;
	v8 =	vld [tilespmem:s7+$0x0];
	[tilespmem:s3+$0xFFFFF000] =	vst v10  }
0x1ed: {  	s8 =	sand.u32 $0xFC0, s2;
	v10 =	vld [tilespmem:s7+$0xFFFFFFE0];
	[tilespmem:s3+$0xFFFFF010] =	vst v11;
	v11 =	vadd.s32 $0x3000, v0  }
0x1ee: {  	[tilespmem:s8+$0x16000] =	vst v12;
	v12 =	vld.idx.msk [tilespmem:v3+s28+$0x0], $0xffff;
	v0 =	vmov v14  }
0x1ef: {  	v13 =	vadd.s32 $0x1000, v7;
	v3 =	vadd.s32 $0x2000, v7;
	v15 =	vadd.s32 $0x3000, v7;
	v16 =	vld.idx.msk [tilespmem:v6+s28+$0x0], $0xffff  }
0x1f0: {  	v17 =	vld.idx.msk [tilespmem:v4+s28+$0x0], $0xffff  }
0x1f1: {  	v18 =	vadd.s32 $0x1000, v8;
	v4 =	vadd.s32 $0x2000, v8;
	v19 =	vadd.s32 $0x3000, v8;
	v14 =	vld.idx.msk [tilespmem:v14+s28+$0x0], $0xffff;
	[tilespmem:s3+$0x20] =	vst v9  }
0x1f2: {  	v20 =	vadd.s32 $0x1000, v10;
	v6 =	vadd.s32 $0x2000, v10;
	v9 =	vadd.s32 $0x3000, v10;
	v11 =	vld.idx.msk [tilespmem:v11+s28+$0x0], $0xffff  }
0x1f3: {  	v22 =	vadd.s32 $0x1000, v0;
	v21 =	vld.idx.msk [tilespmem:v7+s28+$0x0], $0xffff  }
0x1f4: {  	v23 =	vld.idx.msk [tilespmem:v8+s28+$0x0], $0xffff;
	[tilespmem:s3+$0x0] =	vst v12  }
0x1f5: {  	v12 =	vld.idx.msk [tilespmem:v10+s28+$0x0], $0xffff;
	[tilespmem:s8+$0x17000] =	vst v16  }
0x1f6: {  	s3 =	sadd.s32 $0x40, s3;
	v16 =	vld.idx.msk [tilespmem:v5+s28+$0x0], $0xffff;
	[tilespmem:s0+$0x10] =	vst v17;
	v5 =	vmov v9  }
0x1f7: {  	[tilespmem:s3+$0xFFFFE020] =	vst v14;
	v7 =	vld.idx.msk [tilespmem:v1+s28+$0x0], $0xffff;
	v1 =	vmov v15  }
.Ltmp5:
0x1f8: {  	v9 =	vld.idx.msk [tilespmem:v22+s28+$0x0], $0xffff;
	[tilespmem:s0+$0x1020] =	vst v11;
	(pc) =	sbr.rel @p1 .LBB2_9-.Ltmp5, $4  }
0x1f9: {  	[tilespmem:s3+$0xFFFFE000] =	vst v21;
	v8 =	vld.idx.msk [tilespmem:v2+s28+$0x0], $0xffff;
	v2 =	vmov v19  }
0x1fa: {  	v10 =	vld.idx.msk [tilespmem:v13+s28+$0x0], $0xffff;
	[tilespmem:s3+$0xFFFFE010] =	vst v23;
	v13 =	vadd.s32 $0x2000, v0  }
0x1fb: {  	[tilespmem:s3+$0xFFFFDFF0] =	vst v12;
	v11 =	vld.idx.msk [tilespmem:v18+s28+$0x0], $0xffff  }
0x1fc: {  	s7 =	sadd.s32 $0x40, s7;
	v12 =	vld.idx.msk [tilespmem:v20+s28+$0x0], $0xffff;
	[tilespmem:s8+$0x18000] =	vst v16  }
0x1fd: {  	_ =	sdelay $0x2  }
0x1fe: {  	[tilespmem:s3+$0xFFFFF020] =	vst v9  }
0x1ff: {  	s1 =	sadd.s32 $0x40, s2;
	v9 =	vld.idx.msk [tilespmem:v13+s28+$0x0], $0xffff;
	[tilespmem:s3+$0xFFFFF000] =	vst v10  }
0x200: {  	v0 =	vadd.s32 $0x3000, v0;
	s1 =	sand.u32 $0xFC0, s1;
	[tilespmem:s3+$0xFFFFF010] =	vst v11;
	v3 =	vld.idx.msk [tilespmem:v3+s28+$0x0], $0xffff  }
0x201: {  	[tilespmem:s1+$0x16000] =	vst v12;
	v4 =	vld.idx.msk [tilespmem:v4+s28+$0x0], $0xffff  }
0x202: {  	v6 =	vld.idx.msk [tilespmem:v6+s28+$0x0], $0xffff;
	_ =	sdelay $0x1  }
0x203: {  	[tilespmem:s3+$0x20] =	vst v9  }
0x204: {  	v0 =	vld.idx.msk [tilespmem:v0+s28+$0x0], $0xffff;
	[tilespmem:s3+$0x0] =	vst v3  }
0x205: {  	[tilespmem:s3+$0x10] =	vst v4;
	v1 =	vld.idx.msk [tilespmem:v1+s28+$0x0], $0xffff  }
0x206: {  	[tilespmem:s1+$0x17000] =	vst v6;
	v2 =	vld.idx.msk [tilespmem:v2+s28+$0x0], $0xffff  }
0x207: {  	[tilespmem:s0+$0x1000] =	vst v7;
	v3 =	vld.idx.msk [tilespmem:v5+s28+$0x0], $0xffff  }
0x208: {  	[tilespmem:s0+$0x1010] =	vst v8  }
0x209: {  	[tilespmem:s3+$0x1020] =	vst v0  }
0x20a: {  	[tilespmem:s3+$0x1000] =	vst v1  }
0x20b: {  	s31 =	sor.u32 $0x1000, s31;
	[tilespmem:s3+$0x1010] =	vst v2;
	s3 =	rddreg [dreg:$0x2]  }
0x20c: {  	s7 =	simm.s32 $0x15000;
	[tilespmem:s1+$0x18000] =	vst v3;
	s0 =	sadd.s32 s3, s31  }
0x20d: {  	[hbm4b:s0+s24] =	stream.strided.scatter [tilespmem:s7], [sflag:$0x3], $0x1000, s25, s24, $0x38;
	[tilespmem:$0x1D000] =	vst v63  }
0x20e: {  	s10 =	simm.s32 $0x16000;
	s8 =	sadd.s32 s31, s9  }
0x20f: {  	[hbm4b:s8+s24] =	stream.strided.scatter [tilespmem:s10], [sflag:$0x3], $0x1000, s25, s24, $0x38;
	[tilespmem:$0x1D000] =	vst v63  }
0x210: {  	s2 =	simm.s32 $0x17000;
	s1 =	sadd.s32 s31, s13  }
0x211: {  	[hbm4b:s1+s24] =	stream.strided.scatter [tilespmem:s2], [sflag:$0x3], $0x1000, s25, s24, $0x38;
	[tilespmem:$0x1D000] =	vst v63  }
0x212: {  	s3 =	sadd.s32 s31, s14;
	s7 =	simm.s32 $0x18000  }
0x213: {  	[hbm4b:s3+s24] =	stream.strided.scatter [tilespmem:s7], [sflag:$0x3], $0x1000, s25, s24, $0x38;
	[tilespmem:$0x1D000] =	vst v63  }
0x214: {  	_ =	swait.ge [sflag:s6], $0x1000  }
0x215: {  	[sflag:s6] =	ssyncset.done $0x0  }
0x216: {  	[sflag:s6] =	ssyncadd.s32 $0xFFFFF000  }
0x217: {  	_ =	swait.ge [sflag:s6], $0x1000  }
0x218: {  	[sflag:s6] =	ssyncset.done $0x0  }
0x219: {  	[sflag:s6] =	ssyncadd.s32 $0xFFFFF000  }
0x21a: {  	_ =	swait.ge [sflag:s6], $0x1000  }
0x21b: {  	[sflag:s6] =	ssyncset.done $0x0  }
0x21c: {  	[sflag:s6] =	ssyncadd.s32 $0xFFFFF000  }
0x21d: {  	_ =	swait.ge [sflag:s6], $0x1000  }
0x21e: {  	[sflag:s6] =	ssyncset.done $0x0  }
0x21f: {  	s8 =	simm.s32 $0x4020;
	[sflag:s6] =	ssyncadd.s32 $0xFFFFF000  }
0x220: {  	v1 =	vld [tilespmem:s8+$0x10];
	_ =	sdelay $0x1  }
0x221: {  	v2 =	vld [tilespmem:s8+$0xFFFFFFF0];
	_ =	sdelay $0x1  }
0x222: {  	v4 =	vld [tilespmem:s8+$0x0]  }
0x223: {  	v3 =	vld [tilespmem:s8+$0xFFFFFFE0];
	v0 =	vadd.s32 $0x4000, v1;
	_ =	sdelay $0x1  }
0x224: {  	v5 =	vadd.s32 $0x4000, v2  }
0x225: {  	s10 =	simm.s32 $0x4060  }
0x226: {  	v14 =	vld [tilespmem:s10+$0xFFFFFFF0];
	v7 =	vadd.s32 $0x4000, v4  }
0x227: {  	v6 =	vadd.s32 $0x4000, v3;
	v0 =	vld.idx.msk [tilespmem:v0+s28+$0x0], $0xffff  }
0x228: {  	v16 =	vld [tilespmem:s10+$0xFFFFFFE0];
	v8 =	vadd.s32 $0x5000, v1  }
0x229: {  	v5 =	vld.idx.msk [tilespmem:v5+s28+$0x0], $0xffff  }
0x22a: {  	v17 =	vld [tilespmem:s10+$0x0];
	v9 =	vadd.s32 $0x5000, v2  }
0x22b: {  	s0 =	simm.s32 $0x1B010;
	v7 =	vld.idx.msk [tilespmem:v7+s28+$0x0], $0xffff  }
0x22c: {  	v6 =	vld.idx.msk [tilespmem:v6+s28+$0x0], $0xffff;
	[tilespmem:s0+$0xFFFFE020] =	vst v0  }
0x22d: {  	v10 =	vadd.s32 $0x5000, v3;
	v8 =	vld.idx.msk [tilespmem:v8+s28+$0x0], $0xffff  }
0x22e: {  	[tilespmem:s0+$0xFFFFE000] =	vst v5;
	v5 =	vadd.s32 $0x6000, v1;
	v0 =	vld [tilespmem:s10+$0x10]  }
0x22f: {  	v11 =	vadd.s32 $0x5000, v4;
	v9 =	vld.idx.msk [tilespmem:v9+s28+$0x0], $0xffff  }
0x230: {  	[tilespmem:s0+$0xFFFFE010] =	vst v7;
	v7 =	vadd.s32 $0x4000, v14  }
0x231: {  	v12 =	vadd.s32 $0x6000, v2;
	[tilespmem:s0+$0xFFFFDFF0] =	vst v6  }
0x232: {  	v6 =	vld.idx.msk [tilespmem:v10+s28+$0x0], $0xffff;
	v10 =	vadd.s32 $0x4000, v16;
	[tilespmem:s0+$0xFFFFF020] =	vst v8  }
0x233: {  	v8 =	vadd.s32 $0x4000, v0;
	v5 =	vld.idx.msk [tilespmem:v5+s28+$0x0], $0xffff  }
0x234: {  	[tilespmem:s0+$0xFFFFF000] =	vst v9;
	v9 =	vld.idx.msk [tilespmem:v11+s28+$0x0], $0xffff;
	v11 =	vadd.s32 $0x4000, v17  }
0x235: {  	v1 =	vadd.s32 $0x7000, v1;
	v19 =	vld.idx.msk [tilespmem:v7+s28+$0x0], $0xffff  }
0x236: {  	v15 =	vadd.s32 $0x6000, v3;
	v12 =	vld.idx.msk [tilespmem:v12+s28+$0x0], $0xffff  }
0x237: {  	s8 =	simm.s32 $0x0;
	v20 =	vadd.s32 $0x7000, v2;
	v21 =	vld.idx.msk [tilespmem:v10+s28+$0x0], $0xffff  }
0x238: {  	s3 =	sand.u32 $0xFC0, s8;
	v8 =	vld.idx.msk [tilespmem:v8+s28+$0x0], $0xffff;
	[tilespmem:s0+$0x20] =	vst v5;
	v5 =	vadd.s32 $0x6000, v4  }
0x239: {  	s2 =	simm.s32 $0x1B050;
	v7 =	vadd.s32 $0x5000, v0;
	[tilespmem:s3+$0x1A000] =	vst v6;
	v13 =	vld.idx.msk [tilespmem:v11+s28+$0x0], $0xffff  }
0x23a: {  	v22 =	vadd.s32 $0x5000, v14;
	[tilespmem:s2+$0xFFFFE000] =	vst v19;
	v18 =	vld.idx.msk [tilespmem:v1+s28+$0x0], $0xffff  }
0x23b: {  	[tilespmem:s0+$0x0] =	vst v12;
	v12 =	vld.idx.msk [tilespmem:v15+s28+$0x0], $0xffff  }
0x23c: {  	v2 =	vadd.s32 $0x7000, v4;
	v6 =	vadd.s32 $0x6000, v14;
	[tilespmem:s0+$0xFFFFF010] =	vst v9;
	v4 =	vadd.s32 $0x7000, v14;
	v14 =	vld.idx.msk [tilespmem:v20+s28+$0x0], $0xffff  }
0x23d: {  	v10 =	vadd.s32 $0x5000, v16;
	v9 =	vadd.s32 $0x5000, v17;
	[tilespmem:s2+$0xFFFFE020] =	vst v8;
	v11 =	vld.idx.msk [tilespmem:v5+s28+$0x0], $0xffff  }
0x23e: {  	[tilespmem:s2+$0xFFFFDFF0] =	vst v21;
	v1 =	vadd.s32 $0x7000, v3;
	v3 =	vadd.s32 $0x7000, v16;
	v8 =	vadd.s32 $0x6000, v17;
	v15 =	vld.idx.msk [tilespmem:v7+s28+$0x0], $0xffff  }
0x23f: {  	s1 =	simm.s32 $0x4;
	s7 =	simm.s32 $0x40A0;
	v7 =	vadd.s32 $0x6000, v16;
	v5 =	vadd.s32 $0x7000, v17;
	v16 =	vld.idx.msk [tilespmem:v22+s28+$0x0], $0xffff;
	v17 =	vadd.s32 $0x6000, v0;
	[tilespmem:s0+$0x1020] =	vst v18  }
.LBB2_11:
0x240: {  	v18 =	vld [tilespmem:s7+$0x10];
	s1 =	sadd.s32 $0x4, s1;
	[tilespmem:s2+$0xFFFFE010] =	vst v13  }
0x241: {  	v13 =	vld [tilespmem:s7+$0xFFFFFFF0];
	p1 =	slt.u32 s1, $0xFC;
	[tilespmem:s3+$0x1B000] =	vst v12  }
0x242: {  	v12 =	vld [tilespmem:s7+$0x0];
	[tilespmem:s0+$0x10] =	vst v11  }
0x243: {  	v11 =	vld [tilespmem:s7+$0xFFFFFFE0];
	[tilespmem:s2+$0xFFFFF020] =	vst v15  }
0x244: {  	v15 =	vld.idx.msk [tilespmem:v17+s28+$0x0], $0xffff;
	[tilespmem:s0+$0x1000] =	vst v14  }
0x245: {  	v14 =	vadd.s32 $0x4000, v18;
	v17 =	vld.idx.msk [tilespmem:v10+s28+$0x0], $0xffff;
	[tilespmem:s2+$0xFFFFF000] =	vst v16  }
0x246: {  	v21 =	vadd.s32 $0x7000, v0;
	v0 =	vmovc v18;
	v16 =	vadd.s32 $0x4000, v13;
	v19 =	vadd.s32 $0x5000, v13;
	v20 =	vld.idx.msk [tilespmem:v9+s28+$0x0], $0xffff  }
0x247: {  	v18 =	vadd.s32 $0x4000, v12;
	v9 =	vadd.s32 $0x5000, v12;
	v22 =	vld.idx.msk [tilespmem:v6+s28+$0x0], $0xffff;
	v6 =	vadd.s32 $0x6000, v13  }
0x248: {  	v23 =	vadd.s32 $0x4000, v11;
	v10 =	vadd.s32 $0x5000, v11;
	v24 =	vadd.s32 $0x6000, v11;
	v25 =	vld.idx.msk [tilespmem:v1+s28+$0x0], $0xffff;
	v1 =	vmovc v3  }
0x249: {  	s8 =	sadd.s32 $0x40, s8;
	v26 =	vadd.s32 $0x7000, v13;
	v27 =	vadd.s32 $0x6000, v12;
	v3 =	vadd.s32 $0x7000, v11;
	v11 =	vld.idx.msk [tilespmem:v2+s28+$0x0], $0xffff;
	v2 =	vmovc v5  }
0x24a: {  	s10 =	sand.u32 $0xFC0, s8;
	v5 =	vadd.s32 $0x7000, v12;
	v14 =	vld.idx.msk [tilespmem:v14+s28+$0x0], $0xffff;
	[tilespmem:s2+$0x20] =	vst v15  }
0x24b: {  	[tilespmem:s10+$0x1A000] =	vst v17;
	v17 =	vld.idx.msk [tilespmem:v21+s28+$0x0], $0xffff  }
0x24c: {  	v15 =	vadd.s32 $0x5000, v0;
	v16 =	vld.idx.msk [tilespmem:v16+s28+$0x0], $0xffff;
	[tilespmem:s2+$0xFFFFF010] =	vst v20  }
0x24d: {  	v20 =	vld.idx.msk [tilespmem:v23+s28+$0x0], $0xffff;
	[tilespmem:s2+$0x0] =	vst v22  }
0x24e: {  	v13 =	vld.idx.msk [tilespmem:v18+s28+$0x0], $0xffff;
	[tilespmem:s3+$0x1C000] =	vst v25;
	s3 =	smov.u32 s10  }
.Ltmp6:
0x24f: {  	v12 =	vld.idx.msk [tilespmem:v7+s28+$0x0], $0xffff;
	[tilespmem:s0+$0x1010] =	vst v11;
	v7 =	vmov v24;
	s0 =	smov.u32 s2;
	s2 =	sadd.s32 $0x40, s2;
	(pc) =	sbr.rel @p1 .LBB2_11-.Ltmp6, $4  }
0x250: {  	[tilespmem:s2+$0xFFFFE020] =	vst v14;
	v11 =	vld.idx.msk [tilespmem:v8+s28+$0x0], $0xffff;
	v8 =	vmov v27  }
0x251: {  	v15 =	vld.idx.msk [tilespmem:v15+s28+$0x0], $0xffff;
	[tilespmem:s0+$0x1020] =	vst v17  }
0x252: {  	[tilespmem:s2+$0xFFFFE000] =	vst v16;
	v14 =	vld.idx.msk [tilespmem:v4+s28+$0x0], $0xffff;
	v4 =	vmov v26  }
0x253: {  	s7 =	sadd.s32 $0x40, s7;
	v17 =	vadd.s32 $0x6000, v0;
	[tilespmem:s2+$0xFFFFDFF0] =	vst v20;
	v16 =	vld.idx.msk [tilespmem:v19+s28+$0x0], $0xffff  }
0x254: {  	_ =	sdelay $0x3  }
0x255: {  	[tilespmem:s2+$0xFFFFE010] =	vst v13;
	v10 =	vld.idx.msk [tilespmem:v10+s28+$0x0], $0xffff  }
0x256: {  	v9 =	vld.idx.msk [tilespmem:v9+s28+$0x0], $0xffff  }
0x257: {  	[tilespmem:s3+$0x1B000] =	vst v12  }
0x258: {  	s1 =	sadd.s32 $0x40, s8;
	[tilespmem:s2+$0xFFFFF020] =	vst v15  }
0x259: {  	s1 =	sand.u32 $0xFC0, s1;
	v62 =	vld.idx.msk [tilespmem:v17+s28+$0x0], $0xffff;
	[tilespmem:s2+$0xFFFFF000] =	vst v16  }
0x25a: {  	v0 =	vadd.s32 $0x7000, v0;
	v6 =	vld.idx.msk [tilespmem:v6+s28+$0x0], $0xffff;
	[tilespmem:s1+$0x1A000] =	vst v10  }
0x25b: {  	[tilespmem:s2+$0xFFFFF010] =	vst v9;
	v7 =	vld.idx.msk [tilespmem:v7+s28+$0x0], $0xffff  }
0x25c: {  	[tilespmem:s0+$0x10] =	vst v11;
	v8 =	vld.idx.msk [tilespmem:v8+s28+$0x0], $0xffff  }
0x25d: {  	v1 =	vld.idx.msk [tilespmem:v1+s28+$0x0], $0xffff;
	[tilespmem:s0+$0x1000] =	vst v14  }
0x25e: {  	v2 =	vld.idx.msk [tilespmem:v2+s28+$0x0], $0xffff;
	[tilespmem:s2+$0x20] =	vst v62  }
0x25f: {  	v0 =	vld.idx.msk [tilespmem:v0+s28+$0x0], $0xffff;
	[tilespmem:s2+$0x0] =	vst v6  }
0x260: {  	v4 =	vld.idx.msk [tilespmem:v4+s28+$0x0], $0xffff;
	[tilespmem:s1+$0x1B000] =	vst v7  }
0x261: {  	[tilespmem:s2+$0x10] =	vst v8;
	v3 =	vld.idx.msk [tilespmem:v3+s28+$0x0], $0xffff  }
0x262: {  	[tilespmem:s3+$0x1C000] =	vst v1;
	v63 =	vld.idx.msk [tilespmem:v5+s28+$0x0], $0xffff  }
0x263: {  	[tilespmem:s0+$0x1010] =	vst v2  }
0x264: {  	[tilespmem:s2+$0x1020] =	vst v0  }
0x265: {  	[tilespmem:s2+$0x1000] =	vst v4  }
0x266: {  	[tilespmem:s1+$0x1C000] =	vst v3  }
0x267: {  	s8 =	sadd.s32 s31, s15;
	s10 =	simm.s32 $0x19000;
	[tilespmem:s2+$0x1010] =	vst v63  }
0x268: {  	[hbm4b:s8+s24] =	stream.strided.scatter [tilespmem:s10], [sflag:$0x4], $0x1000, s25, s24, $0x38;
	[tilespmem:$0x1D000] =	vst v63  }
0x269: {  	s3 =	simm.s32 $0x1A000;
	s2 =	sadd.s32 s31, s19  }
0x26a: {  	[hbm4b:s2+s24] =	stream.strided.scatter [tilespmem:s3], [sflag:$0x4], $0x1000, s25, s24, $0x38;
	[tilespmem:$0x1D000] =	vst v63  }
.Ltmp7:
0x26b: {  	_ = 	snop;
	(pc) =	sbr.rel @p0 .LBB2_14-.Ltmp7, $4  }
0x26c: {  	s7 =	sadd.s32 s31, s20;
	s8 =	simm.s32 $0x1B000  }
0x26d: {  	[hbm4b:s7+s24] =	stream.strided.scatter [tilespmem:s8], [sflag:$0x4], $0x1000, s25, s24, $0x38;
	[tilespmem:$0x1D000] =	vst v63  }
0x26e: {  	s10 =	sadd.s32 s31, s21;
	s31 =	simm.s32 $0x1C000  }
0x26f: {  	[hbm4b:s10+s24] =	stream.strided.scatter [tilespmem:s31], [sflag:$0x4], $0x1000, s25, s24, $0x38;
	[tilespmem:$0x1D000] =	vst v63  }
0x270: {  	s0 =	rddreg [dreg:$0x1c]  }
0x271: {  	s0 =	sadd.s32 s30, s0  }
0x272: {  	s1 =	rddreg [dreg:$0x0];
	s0 =	sshll.u32 s0, $0x9  }
0x273: {  	s7 =	rddreg [dreg:$0xa];
	s1 =	sadd.s32 s1, s0  }
0x274: {  	[tilespmem:s28], [sflag:$0x2] =	stream.strided.gather [hbm4b:s1+s24], $0x1000, s25, s24, $0x38;
	[tilespmem:$0x1D000] =	vst v63  }
0x275: {  	s2 =	simm.s32 $0xE000;
	s8 =	rddreg [dreg:$0xb];
	s1 =	sadd.s32 s0, s7  }
0x276: {  	[tilespmem:s2], [sflag:$0x2] =	stream.strided.gather [hbm4b:s1+s24], $0x1000, s25, s24, $0x38;
	[tilespmem:$0x1D000] =	vst v63  }
0x277: {  	s10 =	simm.s32 $0xF000;
	s1 =	sadd.s32 s0, s8  }
0x278: {  	[tilespmem:s10], [sflag:$0x2] =	stream.strided.gather [hbm4b:s1+s24], $0x1000, s25, s24, $0x38;
	[tilespmem:$0x1D000] =	vst v63  }
0x279: {  	s31 =	simm.s32 $0x10000;
	s30 =	sadd.s32 s0, s16  }
0x27a: {  	[tilespmem:s31], [sflag:$0x2] =	stream.strided.gather [hbm4b:s30+s24], $0x1000, s25, s24, $0x38;
	[tilespmem:$0x1D000] =	vst v63  }
0x27b: {  	s3 =	simm.s32 $0x11000;
	s2 =	sadd.s32 s0, s17  }
0x27c: {  	[tilespmem:s3], [sflag:$0x2] =	stream.strided.gather [hbm4b:s2+s24], $0x1000, s25, s24, $0x38;
	[tilespmem:$0x1D000] =	vst v63  }
0x27d: {  	s7 =	sadd.s32 s0, s18;
	s8 =	simm.s32 $0x12000  }
0x27e: {  	[tilespmem:s8], [sflag:$0x2] =	stream.strided.gather [hbm4b:s7+s24], $0x1000, s25, s24, $0x38;
	[tilespmem:$0x1D000] =	vst v63  }
.Ltmp8:
0x27f: {  	_ = 	snop;
	(pc) =	sbr.rel .LBB2_4-.Ltmp8, $4  }
0x280: {  	s10 =	sadd.s32 s0, s11;
	s30 =	simm.s32 $0x13000  }
0x281: {  	[tilespmem:s30], [sflag:$0x2] =	stream.strided.gather [hbm4b:s10+s24], $0x1000, s25, s24, $0x38;
	[tilespmem:$0x1D000] =	vst v63  }
0x282: {  	s29 =	sadd.s32 $0x1, s29;
	s0 =	sadd.s32 s0, s12;
	s31 =	simm.s32 $0x14000  }
0x283: {  	[tilespmem:s31], [sflag:$0x2] =	stream.strided.gather [hbm4b:s0+s24], $0x1000, s25, s24, $0x38;
	[tilespmem:$0x1D000] =	vst v63  }
.LBB2_15:
0x284: {  	_ =	sfence.sel $0x180000  }
0x285: {  	[bflag:$0x0] =	sbarrier.arrive $0xFFFF  }
0x286: {  	_ =	strace $0x90000047  }
0x287: {  	s0 =	stileid.u32;
	[bflag:$0x2] =	sbarrier.arrive $0xFFFF  }
0x288: {  	p0 =	sne.s32 s0, $0x0;
	s0 =	rddreg [dreg:$0x3]  }
0x289: {  	s0 =	sadd.s32 @!p0 $0x100000, s0  }
0x28a: {  	[sflag:s0] =	ssyncadd.tile.s32 @!p0 $0x1;
	_ =	shalt  }
.Lfunc_end2:
_tile_overlayer_lowered:
.L_overlay_start_2:
0x28b: {  	(tag) =	ssettag $0x2  }
0x28c: {  	s0 =	rddreg [dreg:$0x0];
	s2 =	stileid.u32  }
0x28d: {  	s1 =	rddreg [dreg:$0x1];
	p0 =	sne.s32 s2, $0x0  }
0x28e: {  	s3 =	rddreg [dreg:$0x2];
	[bflag:$0x3] =	sbarrier.arrive $0xFFFF;
	s2 =	simm.s32 @!p0 $0x1C05  }
0x28f: {  	[timem:s3], [sflag:s2] =	dma.local @!p0 [hbm:s0], s1  }
0x290: {  	s0 =	simm.s32 @!p0 $0x5  }
0x291: {  	_ =	swait.ge @!p0 [sflag:s0], s1  }
0x292: {  	s1 =	ssub.s32 @!p0 $0x0, s1;
	[sflag:s0] =	ssyncset.done @!p0 $0x0  }
0x293: {  	[sflag:s0] =	ssyncadd.s32 @!p0 s1  }
0x294: {  	[bflag:$0x3] =	sbarrier.arrive $0xFFFF  }
0x295: {  	_ =	shalt  }

</sc_bundles>
